<compile_context>
chip_gen: v7x
topology: tpu7x:2x2x1
jax: 0.10.2.dev20260603
libtpu: 0.0.44.dev20260713+nightly
codegen_flags: <defaults>
</compile_context>

<pallas_src>
import functools

import jax
import jax.numpy as jnp
import numpy as np
from jax import lax
from jax.experimental import pallas as pl
from jax.experimental.pallas import tpu as pltpu
from jax.experimental.pallas import tpu_sc as plsc

_IDS_MAPPING = [[0, 1], [2, 3, 4], [5, 6, 7], [8, 9], [10], [11, 12], [13, 14, 15, 16, 17, 18]]
_RATIO = 0.2
_NG = len(_IDS_MAPPING)

_BH = 120
_H_SC = 32
_NTILES = 32


def _planes_pred_s(x):
    planes = [None] * _NG
    for g, ids in enumerate(_IDS_MAPPING):
        if len(ids) > 1:
            acc = x[ids[0]]
            for c in ids[1:]:
                acc = acc + x[c]
            planes[g] = acc
    ex = [jnp.exp(v) for v in x]
    se = ex[0]
    for c in range(1, len(x)):
        se = se + ex[c]
    for g, ids in enumerate(_IDS_MAPPING):
        if len(ids) == 1:
            planes[g] = ex[ids[0]] / se
    s = planes[0] * planes[0]
    best = planes[0]
    pred = jnp.zeros_like(best, dtype=jnp.int32)
    for g in range(1, _NG):
        p = planes[g]
        s = s + p * p
        upd = p > best
        best = jnp.where(upd, p, best)
        pred = jnp.where(upd, g, pred)
    return s, pred


def _tc_body(x_ref, out_ref, acc_ref, *, n_steps):
    step = pl.program_id(0)

    @pl.when(step == 0)
    def _init():
        acc_ref[...] = jnp.zeros_like(acc_ref)

    c19 = x_ref.shape[1]
    x = [x_ref[0, c] for c in range(c19)]
    s, pred = _planes_pred_s(x)

    lane = lax.broadcasted_iota(jnp.int32, (1, 128), 1)
    svec = jnp.zeros((1, 128), jnp.float32)
    hvec = jnp.zeros((1, 128), jnp.float32)
    for k in range(_NG):
        mask = pred == k
        ps = jnp.sum(jnp.where(mask, s, 0.0))
        ph = jnp.sum(mask.astype(jnp.float32))
        svec = svec + jnp.where(lane == k, ps, 0.0)
        hvec = hvec + jnp.where(lane == k, ph, 0.0)
    acc_ref[0:1, :] += svec
    acc_ref[1:2, :] += hvec

    @pl.when(step == n_steps - 1)
    def _fin():
        out_ref[...] = acc_ref[...]


def _sc_kernel_fn(x_hbm, out_hbm, xv, bins, sem, *, h_tc, w, c19, px_t):
    wid = lax.axis_index("s") * 2 + lax.axis_index("c")
    n = wid // 8
    hc = (wid // 2) % 4
    wh = wid % 2
    h0 = h_tc + hc * 8
    w0 = wh * (w // 2)
    copies = []
    for c in range(c19):
        copies.append(
            pltpu.async_copy(
                x_hbm.at[n, c, pl.ds(h0, 8), pl.ds(w0, w // 2)], xv.at[c], sem
            )
        )
    for cp in copies:
        cp.wait()

    zero16 = jnp.zeros((16,), jnp.float32)
    one16 = jnp.ones((16,), jnp.float32)
    ngrp = (w // 2) // 16

    def body(i, carry):
        r = i // ngrp
        base = (i % ngrp) * 16
        x = [xv[c, r, pl.ds(base, 16)] for c in range(c19)]
        s, pred = _planes_pred_s(x)
        accs = list(carry)
        for k in range(_NG):
            m01 = jnp.where(pred == k, one16, zero16)
            accs[k] = accs[k] + m01 * s
            accs[_NG + k] = accs[_NG + k] + m01
        return tuple(accs)

    init = tuple(zero16 for _ in range(2 * _NG))
    accs = lax.fori_loop(0, px_t // 16, body, init)

    for r in range(16):
        bins[pl.ds(r * 16, 16)] = zero16
    for k in range(_NG):
        bins[pl.ds(k * 16, 16)] = accs[k]
        bins[pl.ds(128 + k * 16, 16)] = accs[_NG + k]
    pltpu.sync_copy(bins, out_hbm.at[pl.ds(wid * 256, 256)])


def _merge_body(tc_ref, sc_ref, out_ref, *, npow, inv_nc):
    arr = sc_ref[...]
    lane = lax.broadcasted_iota(jnp.int32, (1, 128), 1)
    svec = tc_ref[0:1, :]
    hvec = tc_ref[1:2, :]
    for k in range(_NG):
        sk = jnp.sum(arr[:, k, :])
        hk = jnp.sum(arr[:, 8 + k, :])
        svec = svec + jnp.where(lane == k, sk, 0.0)
        hvec = hvec + jnp.where(lane == k, hk, 0.0)
    den = jnp.maximum(jnp.exp(jnp.log(hvec) * _RATIO) * npow, 1.0)
    out_ref[0, 0] = -jnp.sum(svec / den) * inv_nc


def kernel(nw_out):
    n, c19, hh, w = nw_out.shape
    h_tc = hh - _H_SC
    n_steps = n * (h_tc // _BH)
    np_pix = n * hh * w
    npow = float(np.power(float(np_pix), 1.0 - _RATIO))
    inv_nc = 1.0 / (n * _NG)
    px_t = (n * _H_SC * w) // _NTILES

    tc_part = pl.pallas_call(
        functools.partial(_tc_body, n_steps=n_steps),
        grid=(n_steps,),
        in_specs=[
            pl.BlockSpec(
                (1, c19, _BH, w),
                lambda i: (i // (h_tc // _BH), 0, i % (h_tc // _BH), 0),
            )
        ],
        out_specs=pl.BlockSpec((2, 128), lambda i: (0, 0)),
        out_shape=jax.ShapeDtypeStruct((2, 128), jnp.float32),
        scratch_shapes=[pltpu.VMEM((2, 128), jnp.float32)],
        compiler_params=pltpu.CompilerParams(
            dimension_semantics=("arbitrary",),
        ),
    )(nw_out)

    mesh = plsc.VectorSubcoreMesh(core_axis_name="c", subcore_axis_name="s")
    sc_fn = functools.partial(_sc_kernel_fn, h_tc=h_tc, w=w, c19=c19, px_t=px_t)
    sc_part = pl.kernel(
        sc_fn,
        mesh=mesh,
        out_type=jax.ShapeDtypeStruct((_NTILES * 256,), jnp.float32),
        scratch_types=[
            pltpu.VMEM((c19, 8, w // 2), jnp.float32),
            pltpu.VMEM((256,), jnp.float32),
            pltpu.SemaphoreType.DMA,
        ],
    )(nw_out)
    sc_part = sc_part.reshape(_NTILES, 16, 16)

    out = pl.pallas_call(
        functools.partial(_merge_body, npow=npow, inv_nc=inv_nc),
        in_specs=[
            pl.BlockSpec((2, 128), lambda: (0, 0)),
            pl.BlockSpec((_NTILES, 16, 16), lambda: (0, 0, 0)),
        ],
        out_specs=pl.BlockSpec(memory_space=pltpu.SMEM),
        out_shape=jax.ShapeDtypeStruct((1, 1), jnp.float32),
    )(tc_part, sc_part)
    return out[0, 0]

# --- scband reference (transcript-rebuilt; emitter-appended) ---
"""Pipeline reference for scband-msiwc2-f-28535762714938 (READ-ONLY COPY).

The authoritative reference and input builder live on the scoring server;
editing this copy changes nothing except your own understanding.
"""

import jax, jax.numpy as jnp
import numpy as np

IDS_MAPPING = [[0, 1], [2, 3, 4], [5, 6, 7], [8, 9], [10], [11, 12], [13, 14, 15, 16, 17, 18]]
RATIO = 0.2


def setup_inputs(seed: int = 0) -> dict:
    key = jax.random.key(seed)
    nw_out = jax.random.normal(key, (4, 19, 512, 512), dtype=jnp.float32)
    return {"nw_out": nw_out}


def reference(nw_out):
    # prob over the fine-class channel dim
    prob = jax.nn.softmax(nw_out, axis=1)
    planes = []
    for ids in IDS_MAPPING:
        idx = jnp.asarray(ids, dtype=jnp.int32)
        if len(ids) == 1:
            # singleton groups take the softmax probability (keeps channel dim)
            planes.append(prob[:, idx, :, :])
        else:
            # multi-id groups sum the RAW logits (faithful to original module)
            planes.append(jnp.sum(nw_out[:, idx, :, :], axis=1, keepdims=True))
    out = jnp.concatenate(planes, axis=1)
    N, C, H, W = out.shape
    Np = N * H * W
    # pred computed on detached out (argmax has no gradient anyway)
    pred = jnp.argmax(jax.lax.stop_gradient(out), axis=1, keepdims=True)  # [N,1,H,W] int
    # torch.histc(pred, bins=C, min=0, max=C-1) on integer-valued preds == bincount
    hist = jnp.bincount(pred.reshape(-1), length=C).astype(out.dtype)  # [C]
    den_table = jnp.maximum(jnp.power(hist, RATIO) * np.power(Np, 1.0 - RATIO), 1.0)  # [C]
    den = den_table[pred]  # gather -> [N,1,H,W], broadcasts over C
    return -jnp.sum(jnp.power(out, 2) / den) / (N * C)

if __name__ == "__main__":
    import jax
    _d = setup_inputs()
    print(jax.jit(kernel)(*tuple(_d.values())))

</pallas_src>

<mosaic_0001>
#map = affine_map<(d0, d1) -> (0, 0, 0, 0)>
#map1 = affine_map<(d0, d1) -> (0)>
module attributes {stable_mosaic.version = 14 : i64} {
  func.func @_sc_kernel_fn(%arg0: i32, %arg1: i32, %arg2: memref<4x19x512x512xf32, #tpu.memory_space<hbm>>, %arg3: memref<8192xf32, #tpu.memory_space<hbm>>, %arg4: memref<19x8x256xf32, #tpu.memory_space<vmem>>, %arg5: memref<256xf32, #tpu.memory_space<vmem>>, %arg6: memref<!tpu.dma_semaphore, #tpu.memory_space<semaphore_mem>>) attributes {dimension_semantics = [#tpu.dimension_semantics<core_parallel>, #tpu.dimension_semantics<subcore_parallel>], iteration_bounds = array<i64: 2, 16>, scalar_prefetch = 0 : i64, scratch_operands = 3 : i64, tpu.core_type = #tpu.core_type<sc_vector_subcore>, window_params = [{transform_indices = #map}, {transform_indices = #map1}]} {
    %mul3A = arith.constant 2 : i32
    %mul3A_0 = arith.muli %arg1, %mul3A : i32
    %add3A = arith.addi %mul3A_0, %arg0 : i32
    %jit3A = arith.constant 8 : i32
    %div3A = arith.divsi %add3A, %jit3A : i32
    %sign3A = arith.constant 0 : i32
    %sign3A_1 = arith.cmpi sgt, %add3A, %sign3A : i32
    %sign3A_2 = arith.extui %sign3A_1 : i1 to i32
    %sign3A_3 = arith.constant 0 : i32
    %sign3A_4 = arith.cmpi slt, %add3A, %sign3A_3 : i32
    %sign3A_5 = arith.extui %sign3A_4 : i1 to i32
    %sign3A_6 = arith.subi %sign3A_2, %sign3A_5 : i32
    %sign3A_7 = arith.constant 0 : i32
    %sign3A_8 = arith.cmpi sgt, %jit3A, %sign3A_7 : i32
    %sign3A_9 = arith.extui %sign3A_8 : i1 to i32
    %sign3A_10 = arith.constant 0 : i32
    %sign3A_11 = arith.cmpi slt, %jit3A, %sign3A_10 : i32
    %sign3A_12 = arith.extui %sign3A_11 : i1 to i32
    %sign3A_13 = arith.subi %sign3A_9, %sign3A_12 : i32
    %ne3A = arith.cmpi ne, %sign3A_6, %sign3A_13 : i32
    %rem3A = arith.remsi %add3A, %jit3A : i32
    %ne3A_14 = arith.constant 0 : i32
    %ne3A_15 = arith.cmpi ne, %rem3A, %ne3A_14 : i32
    %and3A = arith.andi %ne3A, %ne3A_15 : i1
    %sub3A = arith.constant 1 : i32
    %sub3A_16 = arith.subi %div3A, %sub3A : i32
    %select_n3A = arith.select %and3A, %sub3A_16, %div3A : i32
    %jit3A_17 = arith.constant 2 : i32
    %div3A_18 = arith.divsi %add3A, %jit3A_17 : i32
    %sign3A_19 = arith.constant 0 : i32
    %sign3A_20 = arith.cmpi sgt, %add3A, %sign3A_19 : i32
    %sign3A_21 = arith.extui %sign3A_20 : i1 to i32
    %sign3A_22 = arith.constant 0 : i32
    %sign3A_23 = arith.cmpi slt, %add3A, %sign3A_22 : i32
    %sign3A_24 = arith.extui %sign3A_23 : i1 to i32
    %sign3A_25 = arith.subi %sign3A_21, %sign3A_24 : i32
    %sign3A_26 = arith.constant 0 : i32
    %sign3A_27 = arith.cmpi sgt, %jit3A_17, %sign3A_26 : i32
    %sign3A_28 = arith.extui %sign3A_27 : i1 to i32
    %sign3A_29 = arith.constant 0 : i32
    %sign3A_30 = arith.cmpi slt, %jit3A_17, %sign3A_29 : i32
    %sign3A_31 = arith.extui %sign3A_30 : i1 to i32
    %sign3A_32 = arith.subi %sign3A_28, %sign3A_31 : i32
    %ne3A_33 = arith.cmpi ne, %sign3A_25, %sign3A_32 : i32
    %rem3A_34 = arith.remsi %add3A, %jit3A_17 : i32
    %ne3A_35 = arith.constant 0 : i32
    %ne3A_36 = arith.cmpi ne, %rem3A_34, %ne3A_35 : i32
    %and3A_37 = arith.andi %ne3A_33, %ne3A_36 : i1
    %sub3A_38 = arith.constant 1 : i32
    %sub3A_39 = arith.subi %div3A_18, %sub3A_38 : i32
    %select_n3A_40 = arith.select %and3A_37, %sub3A_39, %div3A_18 : i32
    %jit3A_41 = arith.constant 4 : i32
    %eq3A = arith.constant 0 : i32
    %eq3A_42 = arith.cmpi eq, %jit3A_41, %eq3A : i32
    %jit3A_43 = arith.constant 1 : i32
    %select_n3A_44 = arith.select %eq3A_42, %jit3A_43, %jit3A_41 : i32
    %rem3A_45 = arith.remsi %select_n3A_40, %select_n3A_44 : i32
    %ne3A_46 = arith.constant 0 : i32
    %ne3A_47 = arith.cmpi ne, %rem3A_45, %ne3A_46 : i32
    %lt3A = arith.constant 0 : i32
    %lt3A_48 = arith.cmpi slt, %rem3A_45, %lt3A : i32
    %lt3A_49 = arith.constant 0 : i32
    %lt3A_50 = arith.cmpi slt, %select_n3A_44, %lt3A_49 : i32
    %ne3A_51 = arith.xori %lt3A_48, %lt3A_50 : i1
    %and3A_52 = arith.andi %ne3A_51, %ne3A_47 : i1
    %add3A_53 = arith.addi %rem3A_45, %select_n3A_44 : i32
    %select_n3A_54 = arith.select %and3A_52, %add3A_53, %rem3A_45 : i32
    %jit3A_55 = arith.constant 2 : i32
    %eq3A_56 = arith.constant 0 : i32
    %eq3A_57 = arith.cmpi eq, %jit3A_55, %eq3A_56 : i32
    %jit3A_58 = arith.constant 1 : i32
    %select_n3A_59 = arith.select %eq3A_57, %jit3A_58, %jit3A_55 : i32
    %rem3A_60 = arith.remsi %add3A, %select_n3A_59 : i32
    %ne3A_61 = arith.constant 0 : i32
    %ne3A_62 = arith.cmpi ne, %rem3A_60, %ne3A_61 : i32
    %lt3A_63 = arith.constant 0 : i32
    %lt3A_64 = arith.cmpi slt, %rem3A_60, %lt3A_63 : i32
    %lt3A_65 = arith.constant 0 : i32
    %lt3A_66 = arith.cmpi slt, %select_n3A_59, %lt3A_65 : i32
    %ne3A_67 = arith.xori %lt3A_64, %lt3A_66 : i1
    %and3A_68 = arith.andi %ne3A_67, %ne3A_62 : i1
    %add3A_69 = arith.addi %rem3A_60, %select_n3A_59 : i32
    %select_n3A_70 = arith.select %and3A_68, %add3A_69, %rem3A_60 : i32
    %mul3A_71 = arith.constant 8 : i32
    %mul3A_72 = arith.muli %select_n3A_54, %mul3A_71 : i32
    %add3A_73 = arith.constant 480 : i32
    %add3A_74 = arith.addi %add3A_73, %mul3A_72 : i32
    %mul3A_75 = arith.constant 256 : i32
    %mul3A_76 = arith.muli %select_n3A_70, %mul3A_75 : i32
    %dma_start3A = arith.constant 0 : i32
    %dma_start3A_77 = arith.constant 0 : i32
    %dma_start3A_78 = arith.constant 0 : i32
    %dma_start3A_79 = arith.constant 0 : i32
    %dma_start3A_80 = tpu.memref_slice %arg4[%dma_start3A_77, %dma_start3A_78, %dma_start3A_79] : memref<19x8x256xf32, #tpu.memory_space<vmem>> -> memref<1x8x256xf32, #tpu.memory_space<vmem>>
    %dma_start3A_81 = tpu.memref_squeeze %dma_start3A_80 : memref<1x8x256xf32, #tpu.memory_space<vmem>> -> memref<8x256xf32, #tpu.memory_space<vmem>>
    %dma_start3A_82 = tpu.memref_slice %arg2[%select_n3A, %dma_start3A, %add3A_74, %mul3A_76] : memref<4x19x512x512xf32, #tpu.memory_space<hbm>> -> memref<1x1x8x256xf32, #tpu.memory_space<hbm>>
    %dma_start3A_83 = tpu.memref_squeeze %dma_start3A_82 : memref<1x1x8x256xf32, #tpu.memory_space<hbm>> -> memref<8x256xf32, #tpu.memory_space<hbm>>
    %dma_start3A_84 = arith.constant 0 : i32
    %dma_start3A_85 = arith.constant 0 : i32
    %dma_start3A_86 = tpu.memref_slice %arg4[%dma_start3A_77, %dma_start3A_84, %dma_start3A_85] : memref<19x8x256xf32, #tpu.memory_space<vmem>> -> memref<1x8x256xf32, #tpu.memory_space<vmem>>
    %dma_start3A_87 = tpu.memref_squeeze %dma_start3A_86 : memref<1x8x256xf32, #tpu.memory_space<vmem>> -> memref<8x256xf32, #tpu.memory_space<vmem>>
    %dma_start3A_88 = tpu.memref_slice %arg2[%select_n3A, %dma_start3A, %add3A_74, %mul3A_76] : memref<4x19x512x512xf32, #tpu.memory_space<hbm>> -> memref<1x1x8x256xf32, #tpu.memory_space<hbm>>
    %dma_start3A_89 = tpu.memref_squeeze %dma_start3A_88 : memref<1x1x8x256xf32, #tpu.memory_space<hbm>> -> memref<8x256xf32, #tpu.memory_space<hbm>>
    tpu.enqueue_dma source(%dma_start3A_89 : memref<8x256xf32, #tpu.memory_space<hbm>>) target(%dma_start3A_87 : memref<8x256xf32, #tpu.memory_space<vmem>>) target_semaphore(%arg6 : memref<!tpu.dma_semaphore, #tpu.memory_space<semaphore_mem>>)
    %dma_start3A_90 = arith.constant 1 : i32
    %dma_start3A_91 = arith.constant 1 : i32
    %dma_start3A_92 = arith.constant 0 : i32
    %dma_start3A_93 = arith.constant 0 : i32
    %dma_start3A_94 = tpu.memref_slice %arg4[%dma_start3A_91, %dma_start3A_92, %dma_start3A_93] : memref<19x8x256xf32, #tpu.memory_space<vmem>> -> memref<1x8x256xf32, #tpu.memory_space<vmem>>
    %dma_start3A_95 = tpu.memref_squeeze %dma_start3A_94 : memref<1x8x256xf32, #tpu.memory_space<vmem>> -> memref<8x256xf32, #tpu.memory_space<vmem>>
    %dma_start3A_96 = tpu.memref_slice %arg2[%select_n3A, %dma_start3A_90, %add3A_74, %mul3A_76] : memref<4x19x512x512xf32, #tpu.memory_space<hbm>> -> memref<1x1x8x256xf32, #tpu.memory_space<hbm>>
    %dma_start3A_97 = tpu.memref_squeeze %dma_start3A_96 : memref<1x1x8x256xf32, #tpu.memory_space<hbm>> -> memref<8x256xf32, #tpu.memory_space<hbm>>
    %dma_start3A_98 = arith.constant 0 : i32
    %dma_start3A_99 = arith.constant 0 : i32
    %dma_start3A_100 = tpu.memref_slice %arg4[%dma_start3A_91, %dma_start3A_98, %dma_start3A_99] : memref<19x8x256xf32, #tpu.memory_space<vmem>> -> memref<1x8x256xf32, #tpu.memory_space<vmem>>
    %dma_start3A_101 = tpu.memref_squeeze %dma_start3A_100 : memref<1x8x256xf32, #tpu.memory_space<vmem>> -> memref<8x256xf32, #tpu.memory_space<vmem>>
    %dma_start3A_102 = tpu.memref_slice %arg2[%select_n3A, %dma_start3A_90, %add3A_74, %mul3A_76] : memref<4x19x512x512xf32, #tpu.memory_space<hbm>> -> memref<1x1x8x256xf32, #tpu.memory_space<hbm>>
    %dma_start3A_103 = tpu.memref_squeeze %dma_start3A_102 : memref<1x1x8x256xf32, #tpu.memory_space<hbm>> -> memref<8x256xf32, #tpu.memory_space<hbm>>
    tpu.enqueue_dma source(%dma_start3A_103 : memref<8x256xf32, #tpu.memory_space<hbm>>) target(%dma_start3A_101 : memref<8x256xf32, #tpu.memory_space<vmem>>) target_semaphore(%arg6 : memref<!tpu.dma_semaphore, #tpu.memory_space<semaphore_mem>>)
    %dma_start3A_104 = arith.constant 2 : i32
    %dma_start3A_105 = arith.constant 2 : i32
    %dma_start3A_106 = arith.constant 0 : i32
    %dma_start3A_107 = arith.constant 0 : i32
    %dma_start3A_108 = tpu.memref_slice %arg4[%dma_start3A_105, %dma_start3A_106, %dma_start3A_107] : memref<19x8x256xf32, #tpu.memory_space<vmem>> -> memref<1x8x256xf32, #tpu.memory_space<vmem>>
    %dma_start3A_109 = tpu.memref_squeeze %dma_start3A_108 : memref<1x8x256xf32, #tpu.memory_space<vmem>> -> memref<8x256xf32, #tpu.memory_space<vmem>>
    %dma_start3A_110 = tpu.memref_slice %arg2[%select_n3A, %dma_start3A_104, %add3A_74, %mul3A_76] : memref<4x19x512x512xf32, #tpu.memory_space<hbm>> -> memref<1x1x8x256xf32, #tpu.memory_space<hbm>>
    %dma_start3A_111 = tpu.memref_squeeze %dma_start3A_110 : memref<1x1x8x256xf32, #tpu.memory_space<hbm>> -> memref<8x256xf32, #tpu.memory_space<hbm>>
    %dma_start3A_112 = arith.constant 0 : i32
    %dma_start3A_113 = arith.constant 0 : i32
    %dma_start3A_114 = tpu.memref_slice %arg4[%dma_start3A_105, %dma_start3A_112, %dma_start3A_113] : memref<19x8x256xf32, #tpu.memory_space<vmem>> -> memref<1x8x256xf32, #tpu.memory_space<vmem>>
    %dma_start3A_115 = tpu.memref_squeeze %dma_start3A_114 : memref<1x8x256xf32, #tpu.memory_space<vmem>> -> memref<8x256xf32, #tpu.memory_space<vmem>>
    %dma_start3A_116 = tpu.memref_slice %arg2[%select_n3A, %dma_start3A_104, %add3A_74, %mul3A_76] : memref<4x19x512x512xf32, #tpu.memory_space<hbm>> -> memref<1x1x8x256xf32, #tpu.memory_space<hbm>>
    %dma_start3A_117 = tpu.memref_squeeze %dma_start3A_116 : memref<1x1x8x256xf32, #tpu.memory_space<hbm>> -> memref<8x256xf32, #tpu.memory_space<hbm>>
    tpu.enqueue_dma source(%dma_start3A_117 : memref<8x256xf32, #tpu.memory_space<hbm>>) target(%dma_start3A_115 : memref<8x256xf32, #tpu.memory_space<vmem>>) target_semaphore(%arg6 : memref<!tpu.dma_semaphore, #tpu.memory_space<semaphore_mem>>)
    %dma_start3A_118 = arith.constant 3 : i32
    %dma_start3A_119 = arith.constant 3 : i32
    %dma_start3A_120 = arith.constant 0 : i32
    %dma_start3A_121 = arith.constant 0 : i32
    %dma_start3A_122 = tpu.memref_slice %arg4[%dma_start3A_119, %dma_start3A_120, %dma_start3A_121] : memref<19x8x256xf32, #tpu.memory_space<vmem>> -> memref<1x8x256xf32, #tpu.memory_space<vmem>>
    %dma_start3A_123 = tpu.memref_squeeze %dma_start3A_122 : memref<1x8x256xf32, #tpu.memory_space<vmem>> -> memref<8x256xf32, #tpu.memory_space<vmem>>
    %dma_start3A_124 = tpu.memref_slice %arg2[%select_n3A, %dma_start3A_118, %add3A_74, %mul3A_76] : memref<4x19x512x512xf32, #tpu.memory_space<hbm>> -> memref<1x1x8x256xf32, #tpu.memory_space<hbm>>
    %dma_start3A_125 = tpu.memref_squeeze %dma_start3A_124 : memref<1x1x8x256xf32, #tpu.memory_space<hbm>> -> memref<8x256xf32, #tpu.memory_space<hbm>>
    %dma_start3A_126 = arith.constant 0 : i32
    %dma_start3A_127 = arith.constant 0 : i32
    %dma_start3A_128 = tpu.memref_slice %arg4[%dma_start3A_119, %dma_start3A_126, %dma_start3A_127] : memref<19x8x256xf32, #tpu.memory_space<vmem>> -> memref<1x8x256xf32, #tpu.memory_space<vmem>>
    %dma_start3A_129 = tpu.memref_squeeze %dma_start3A_128 : memref<1x8x256xf32, #tpu.memory_space<vmem>> -> memref<8x256xf32, #tpu.memory_space<vmem>>
    %dma_start3A_130 = tpu.memref_slice %arg2[%select_n3A, %dma_start3A_118, %add3A_74, %mul3A_76] : memref<4x19x512x512xf32, #tpu.memory_space<hbm>> -> memref<1x1x8x256xf32, #tpu.memory_space<hbm>>
    %dma_start3A_131 = tpu.memref_squeeze %dma_start3A_130 : memref<1x1x8x256xf32, #tpu.memory_space<hbm>> -> memref<8x256xf32, #tpu.memory_space<hbm>>
    tpu.enqueue_dma source(%dma_start3A_131 : memref<8x256xf32, #tpu.memory_space<hbm>>) target(%dma_start3A_129 : memref<8x256xf32, #tpu.memory_space<vmem>>) target_semaphore(%arg6 : memref<!tpu.dma_semaphore, #tpu.memory_space<semaphore_mem>>)
    %dma_start3A_132 = arith.constant 4 : i32
    %dma_start3A_133 = arith.constant 4 : i32
    %dma_start3A_134 = arith.constant 0 : i32
    %dma_start3A_135 = arith.constant 0 : i32
    %dma_start3A_136 = tpu.memref_slice %arg4[%dma_start3A_133, %dma_start3A_134, %dma_start3A_135] : memref<19x8x256xf32, #tpu.memory_space<vmem>> -> memref<1x8x256xf32, #tpu.memory_space<vmem>>
    %dma_start3A_137 = tpu.memref_squeeze %dma_start3A_136 : memref<1x8x256xf32, #tpu.memory_space<vmem>> -> memref<8x256xf32, #tpu.memory_space<vmem>>
    %dma_start3A_138 = tpu.memref_slice %arg2[%select_n3A, %dma_start3A_132, %add3A_74, %mul3A_76] : memref<4x19x512x512xf32, #tpu.memory_space<hbm>> -> memref<1x1x8x256xf32, #tpu.memory_space<hbm>>
    %dma_start3A_139 = tpu.memref_squeeze %dma_start3A_138 : memref<1x1x8x256xf32, #tpu.memory_space<hbm>> -> memref<8x256xf32, #tpu.memory_space<hbm>>
    %dma_start3A_140 = arith.constant 0 : i32
    %dma_start3A_141 = arith.constant 0 : i32
    %dma_start3A_142 = tpu.memref_slice %arg4[%dma_start3A_133, %dma_start3A_140, %dma_start3A_141] : memref<19x8x256xf32, #tpu.memory_space<vmem>> -> memref<1x8x256xf32, #tpu.memory_space<vmem>>
    %dma_start3A_143 = tpu.memref_squeeze %dma_start3A_142 : memref<1x8x256xf32, #tpu.memory_space<vmem>> -> memref<8x256xf32, #tpu.memory_space<vmem>>
    %dma_start3A_144 = tpu.memref_slice %arg2[%select_n3A, %dma_start3A_132, %add3A_74, %mul3A_76] : memref<4x19x512x512xf32, #tpu.memory_space<hbm>> -> memref<1x1x8x256xf32, #tpu.memory_space<hbm>>
    %dma_start3A_145 = tpu.memref_squeeze %dma_start3A_144 : memref<1x1x8x256xf32, #tpu.memory_space<hbm>> -> memref<8x256xf32, #tpu.memory_space<hbm>>
    tpu.enqueue_dma source(%dma_start3A_145 : memref<8x256xf32, #tpu.memory_space<hbm>>) target(%dma_start3A_143 : memref<8x256xf32, #tpu.memory_space<vmem>>) target_semaphore(%arg6 : memref<!tpu.dma_semaphore, #tpu.memory_space<semaphore_mem>>)
    %dma_start3A_146 = arith.constant 5 : i32
    %dma_start3A_147 = arith.constant 5 : i32
    %dma_start3A_148 = arith.constant 0 : i32
    %dma_start3A_149 = arith.constant 0 : i32
    %dma_start3A_150 = tpu.memref_slice %arg4[%dma_start3A_147, %dma_start3A_148, %dma_start3A_149] : memref<19x8x256xf32, #tpu.memory_space<vmem>> -> memref<1x8x256xf32, #tpu.memory_space<vmem>>
    %dma_start3A_151 = tpu.memref_squeeze %dma_start3A_150 : memref<1x8x256xf32, #tpu.memory_space<vmem>> -> memref<8x256xf32, #tpu.memory_space<vmem>>
    %dma_start3A_152 = tpu.memref_slice %arg2[%select_n3A, %dma_start3A_146, %add3A_74, %mul3A_76] : memref<4x19x512x512xf32, #tpu.memory_space<hbm>> -> memref<1x1x8x256xf32, #tpu.memory_space<hbm>>
    %dma_start3A_153 = tpu.memref_squeeze %dma_start3A_152 : memref<1x1x8x256xf32, #tpu.memory_space<hbm>> -> memref<8x256xf32, #tpu.memory_space<hbm>>
    %dma_start3A_154 = arith.constant 0 : i32
    %dma_start3A_155 = arith.constant 0 : i32
    %dma_start3A_156 = tpu.memref_slice %arg4[%dma_start3A_147, %dma_start3A_154, %dma_start3A_155] : memref<19x8x256xf32, #tpu.memory_space<vmem>> -> memref<1x8x256xf32, #tpu.memory_space<vmem>>
    %dma_start3A_157 = tpu.memref_squeeze %dma_start3A_156 : memref<1x8x256xf32, #tpu.memory_space<vmem>> -> memref<8x256xf32, #tpu.memory_space<vmem>>
    %dma_start3A_158 = tpu.memref_slice %arg2[%select_n3A, %dma_start3A_146, %add3A_74, %mul3A_76] : memref<4x19x512x512xf32, #tpu.memory_space<hbm>> -> memref<1x1x8x256xf32, #tpu.memory_space<hbm>>
    %dma_start3A_159 = tpu.memref_squeeze %dma_start3A_158 : memref<1x1x8x256xf32, #tpu.memory_space<hbm>> -> memref<8x256xf32, #tpu.memory_space<hbm>>
    tpu.enqueue_dma source(%dma_start3A_159 : memref<8x256xf32, #tpu.memory_space<hbm>>) target(%dma_start3A_157 : memref<8x256xf32, #tpu.memory_space<vmem>>) target_semaphore(%arg6 : memref<!tpu.dma_semaphore, #tpu.memory_space<semaphore_mem>>)
    %dma_start3A_160 = arith.constant 6 : i32
    %dma_start3A_161 = arith.constant 6 : i32
    %dma_start3A_162 = arith.constant 0 : i32
    %dma_start3A_163 = arith.constant 0 : i32
    %dma_start3A_164 = tpu.memref_slice %arg4[%dma_start3A_161, %dma_start3A_162, %dma_start3A_163] : memref<19x8x256xf32, #tpu.memory_space<vmem>> -> memref<1x8x256xf32, #tpu.memory_space<vmem>>
    %dma_start3A_165 = tpu.memref_squeeze %dma_start3A_164 : memref<1x8x256xf32, #tpu.memory_space<vmem>> -> memref<8x256xf32, #tpu.memory_space<vmem>>
    %dma_start3A_166 = tpu.memref_slice %arg2[%select_n3A, %dma_start3A_160, %add3A_74, %mul3A_76] : memref<4x19x512x512xf32, #tpu.memory_space<hbm>> -> memref<1x1x8x256xf32, #tpu.memory_space<hbm>>
    %dma_start3A_167 = tpu.memref_squeeze %dma_start3A_166 : memref<1x1x8x256xf32, #tpu.memory_space<hbm>> -> memref<8x256xf32, #tpu.memory_space<hbm>>
    %dma_start3A_168 = arith.constant 0 : i32
    %dma_start3A_169 = arith.constant 0 : i32
    %dma_start3A_170 = tpu.memref_slice %arg4[%dma_start3A_161, %dma_start3A_168, %dma_start3A_169] : memref<19x8x256xf32, #tpu.memory_space<vmem>> -> memref<1x8x256xf32, #tpu.memory_space<vmem>>
    %dma_start3A_171 = tpu.memref_squeeze %dma_start3A_170 : memref<1x8x256xf32, #tpu.memory_space<vmem>> -> memref<8x256xf32, #tpu.memory_space<vmem>>
    %dma_start3A_172 = tpu.memref_slice %arg2[%select_n3A, %dma_start3A_160, %add3A_74, %mul3A_76] : memref<4x19x512x512xf32, #tpu.memory_space<hbm>> -> memref<1x1x8x256xf32, #tpu.memory_space<hbm>>
    %dma_start3A_173 = tpu.memref_squeeze %dma_start3A_172 : memref<1x1x8x256xf32, #tpu.memory_space<hbm>> -> memref<8x256xf32, #tpu.memory_space<hbm>>
    tpu.enqueue_dma source(%dma_start3A_173 : memref<8x256xf32, #tpu.memory_space<hbm>>) target(%dma_start3A_171 : memref<8x256xf32, #tpu.memory_space<vmem>>) target_semaphore(%arg6 : memref<!tpu.dma_semaphore, #tpu.memory_space<semaphore_mem>>)
    %dma_start3A_174 = arith.constant 7 : i32
    %dma_start3A_175 = arith.constant 7 : i32
    %dma_start3A_176 = arith.constant 0 : i32
    %dma_start3A_177 = arith.constant 0 : i32
    %dma_start3A_178 = tpu.memref_slice %arg4[%dma_start3A_175, %dma_start3A_176, %dma_start3A_177] : memref<19x8x256xf32, #tpu.memory_space<vmem>> -> memref<1x8x256xf32, #tpu.memory_space<vmem>>
    %dma_start3A_179 = tpu.memref_squeeze %dma_start3A_178 : memref<1x8x256xf32, #tpu.memory_space<vmem>> -> memref<8x256xf32, #tpu.memory_space<vmem>>
    %dma_start3A_180 = tpu.memref_slice %arg2[%select_n3A, %dma_start3A_174, %add3A_74, %mul3A_76] : memref<4x19x512x512xf32, #tpu.memory_space<hbm>> -> memref<1x1x8x256xf32, #tpu.memory_space<hbm>>
    %dma_start3A_181 = tpu.memref_squeeze %dma_start3A_180 : memref<1x1x8x256xf32, #tpu.memory_space<hbm>> -> memref<8x256xf32, #tpu.memory_space<hbm>>
    %dma_start3A_182 = arith.constant 0 : i32
    %dma_start3A_183 = arith.constant 0 : i32
    %dma_start3A_184 = tpu.memref_slice %arg4[%dma_start3A_175, %dma_start3A_182, %dma_start3A_183] : memref<19x8x256xf32, #tpu.memory_space<vmem>> -> memref<1x8x256xf32, #tpu.memory_space<vmem>>
    %dma_start3A_185 = tpu.memref_squeeze %dma_start3A_184 : memref<1x8x256xf32, #tpu.memory_space<vmem>> -> memref<8x256xf32, #tpu.memory_space<vmem>>
    %dma_start3A_186 = tpu.memref_slice %arg2[%select_n3A, %dma_start3A_174, %add3A_74, %mul3A_76] : memref<4x19x512x512xf32, #tpu.memory_space<hbm>> -> memref<1x1x8x256xf32, #tpu.memory_space<hbm>>
    %dma_start3A_187 = tpu.memref_squeeze %dma_start3A_186 : memref<1x1x8x256xf32, #tpu.memory_space<hbm>> -> memref<8x256xf32, #tpu.memory_space<hbm>>
    tpu.enqueue_dma source(%dma_start3A_187 : memref<8x256xf32, #tpu.memory_space<hbm>>) target(%dma_start3A_185 : memref<8x256xf32, #tpu.memory_space<vmem>>) target_semaphore(%arg6 : memref<!tpu.dma_semaphore, #tpu.memory_space<semaphore_mem>>)
    %dma_start3A_188 = arith.constant 8 : i32
    %dma_start3A_189 = arith.constant 8 : i32
    %dma_start3A_190 = arith.constant 0 : i32
    %dma_start3A_191 = arith.constant 0 : i32
    %dma_start3A_192 = tpu.memref_slice %arg4[%dma_start3A_189, %dma_start3A_190, %dma_start3A_191] : memref<19x8x256xf32, #tpu.memory_space<vmem>> -> memref<1x8x256xf32, #tpu.memory_space<vmem>>
    %dma_start3A_193 = tpu.memref_squeeze %dma_start3A_192 : memref<1x8x256xf32, #tpu.memory_space<vmem>> -> memref<8x256xf32, #tpu.memory_space<vmem>>
    %dma_start3A_194 = tpu.memref_slice %arg2[%select_n3A, %dma_start3A_188, %add3A_74, %mul3A_76] : memref<4x19x512x512xf32, #tpu.memory_space<hbm>> -> memref<1x1x8x256xf32, #tpu.memory_space<hbm>>
    %dma_start3A_195 = tpu.memref_squeeze %dma_start3A_194 : memref<1x1x8x256xf32, #tpu.memory_space<hbm>> -> memref<8x256xf32, #tpu.memory_space<hbm>>
    %dma_start3A_196 = arith.constant 0 : i32
    %dma_start3A_197 = arith.constant 0 : i32
    %dma_start3A_198 = tpu.memref_slice %arg4[%dma_start3A_189, %dma_start3A_196, %dma_start3A_197] : memref<19x8x256xf32, #tpu.memory_space<vmem>> -> memref<1x8x256xf32, #tpu.memory_space<vmem>>
    %dma_start3A_199 = tpu.memref_squeeze %dma_start3A_198 : memref<1x8x256xf32, #tpu.memory_space<vmem>> -> memref<8x256xf32, #tpu.memory_space<vmem>>
    %dma_start3A_200 = tpu.memref_slice %arg2[%select_n3A, %dma_start3A_188, %add3A_74, %mul3A_76] : memref<4x19x512x512xf32, #tpu.memory_space<hbm>> -> memref<1x1x8x256xf32, #tpu.memory_space<hbm>>
    %dma_start3A_201 = tpu.memref_squeeze %dma_start3A_200 : memref<1x1x8x256xf32, #tpu.memory_space<hbm>> -> memref<8x256xf32, #tpu.memory_space<hbm>>
    tpu.enqueue_dma source(%dma_start3A_201 : memref<8x256xf32, #tpu.memory_space<hbm>>) target(%dma_start3A_199 : memref<8x256xf32, #tpu.memory_space<vmem>>) target_semaphore(%arg6 : memref<!tpu.dma_semaphore, #tpu.memory_space<semaphore_mem>>)
    %dma_start3A_202 = arith.constant 9 : i32
    %dma_start3A_203 = arith.constant 9 : i32
    %dma_start3A_204 = arith.constant 0 : i32
    %dma_start3A_205 = arith.constant 0 : i32
    %dma_start3A_206 = tpu.memref_slice %arg4[%dma_start3A_203, %dma_start3A_204, %dma_start3A_205] : memref<19x8x256xf32, #tpu.memory_space<vmem>> -> memref<1x8x256xf32, #tpu.memory_space<vmem>>
    %dma_start3A_207 = tpu.memref_squeeze %dma_start3A_206 : memref<1x8x256xf32, #tpu.memory_space<vmem>> -> memref<8x256xf32, #tpu.memory_space<vmem>>
    %dma_start3A_208 = tpu.memref_slice %arg2[%select_n3A, %dma_start3A_202, %add3A_74, %mul3A_76] : memref<4x19x512x512xf32, #tpu.memory_space<hbm>> -> memref<1x1x8x256xf32, #tpu.memory_space<hbm>>
    %dma_start3A_209 = tpu.memref_squeeze %dma_start3A_208 : memref<1x1x8x256xf32, #tpu.memory_space<hbm>> -> memref<8x256xf32, #tpu.memory_space<hbm>>
    %dma_start3A_210 = arith.constant 0 : i32
    %dma_start3A_211 = arith.constant 0 : i32
    %dma_start3A_212 = tpu.memref_slice %arg4[%dma_start3A_203, %dma_start3A_210, %dma_start3A_211] : memref<19x8x256xf32, #tpu.memory_space<vmem>> -> memref<1x8x256xf32, #tpu.memory_space<vmem>>
    %dma_start3A_213 = tpu.memref_squeeze %dma_start3A_212 : memref<1x8x256xf32, #tpu.memory_space<vmem>> -> memref<8x256xf32, #tpu.memory_space<vmem>>
    %dma_start3A_214 = tpu.memref_slice %arg2[%select_n3A, %dma_start3A_202, %add3A_74, %mul3A_76] : memref<4x19x512x512xf32, #tpu.memory_space<hbm>> -> memref<1x1x8x256xf32, #tpu.memory_space<hbm>>
    %dma_start3A_215 = tpu.memref_squeeze %dma_start3A_214 : memref<1x1x8x256xf32, #tpu.memory_space<hbm>> -> memref<8x256xf32, #tpu.memory_space<hbm>>
    tpu.enqueue_dma source(%dma_start3A_215 : memref<8x256xf32, #tpu.memory_space<hbm>>) target(%dma_start3A_213 : memref<8x256xf32, #tpu.memory_space<vmem>>) target_semaphore(%arg6 : memref<!tpu.dma_semaphore, #tpu.memory_space<semaphore_mem>>)
    %dma_start3A_216 = arith.constant 10 : i32
    %dma_start3A_217 = arith.constant 10 : i32
    %dma_start3A_218 = arith.constant 0 : i32
    %dma_start3A_219 = arith.constant 0 : i32
    %dma_start3A_220 = tpu.memref_slice %arg4[%dma_start3A_217, %dma_start3A_218, %dma_start3A_219] : memref<19x8x256xf32, #tpu.memory_space<vmem>> -> memref<1x8x256xf32, #tpu.memory_space<vmem>>
    %dma_start3A_221 = tpu.memref_squeeze %dma_start3A_220 : memref<1x8x256xf32, #tpu.memory_space<vmem>> -> memref<8x256xf32, #tpu.memory_space<vmem>>
    %dma_start3A_222 = tpu.memref_slice %arg2[%select_n3A, %dma_start3A_216, %add3A_74, %mul3A_76] : memref<4x19x512x512xf32, #tpu.memory_space<hbm>> -> memref<1x1x8x256xf32, #tpu.memory_space<hbm>>
    %dma_start3A_223 = tpu.memref_squeeze %dma_start3A_222 : memref<1x1x8x256xf32, #tpu.memory_space<hbm>> -> memref<8x256xf32, #tpu.memory_space<hbm>>
    %dma_start3A_224 = arith.constant 0 : i32
    %dma_start3A_225 = arith.constant 0 : i32
    %dma_start3A_226 = tpu.memref_slice %arg4[%dma_start3A_217, %dma_start3A_224, %dma_start3A_225] : memref<19x8x256xf32, #tpu.memory_space<vmem>> -> memref<1x8x256xf32, #tpu.memory_space<vmem>>
    %dma_start3A_227 = tpu.memref_squeeze %dma_start3A_226 : memref<1x8x256xf32, #tpu.memory_space<vmem>> -> memref<8x256xf32, #tpu.memory_space<vmem>>
    %dma_start3A_228 = tpu.memref_slice %arg2[%select_n3A, %dma_start3A_216, %add3A_74, %mul3A_76] : memref<4x19x512x512xf32, #tpu.memory_space<hbm>> -> memref<1x1x8x256xf32, #tpu.memory_space<hbm>>
    %dma_start3A_229 = tpu.memref_squeeze %dma_start3A_228 : memref<1x1x8x256xf32, #tpu.memory_space<hbm>> -> memref<8x256xf32, #tpu.memory_space<hbm>>
    tpu.enqueue_dma source(%dma_start3A_229 : memref<8x256xf32, #tpu.memory_space<hbm>>) target(%dma_start3A_227 : memref<8x256xf32, #tpu.memory_space<vmem>>) target_semaphore(%arg6 : memref<!tpu.dma_semaphore, #tpu.memory_space<semaphore_mem>>)
    %dma_start3A_230 = arith.constant 11 : i32
    %dma_start3A_231 = arith.constant 11 : i32
    %dma_start3A_232 = arith.constant 0 : i32
    %dma_start3A_233 = arith.constant 0 : i32
    %dma_start3A_234 = tpu.memref_slice %arg4[%dma_start3A_231, %dma_start3A_232, %dma_start3A_233] : memref<19x8x256xf32, #tpu.memory_space<vmem>> -> memref<1x8x256xf32, #tpu.memory_space<vmem>>
    %dma_start3A_235 = tpu.memref_squeeze %dma_start3A_234 : memref<1x8x256xf32, #tpu.memory_space<vmem>> -> memref<8x256xf32, #tpu.memory_space<vmem>>
    %dma_start3A_236 = tpu.memref_slice %arg2[%select_n3A, %dma_start3A_230, %add3A_74, %mul3A_76] : memref<4x19x512x512xf32, #tpu.memory_space<hbm>> -> memref<1x1x8x256xf32, #tpu.memory_space<hbm>>
    %dma_start3A_237 = tpu.memref_squeeze %dma_start3A_236 : memref<1x1x8x256xf32, #tpu.memory_space<hbm>> -> memref<8x256xf32, #tpu.memory_space<hbm>>
    %dma_start3A_238 = arith.constant 0 : i32
    %dma_start3A_239 = arith.constant 0 : i32
    %dma_start3A_240 = tpu.memref_slice %arg4[%dma_start3A_231, %dma_start3A_238, %dma_start3A_239] : memref<19x8x256xf32, #tpu.memory_space<vmem>> -> memref<1x8x256xf32, #tpu.memory_space<vmem>>
    %dma_start3A_241 = tpu.memref_squeeze %dma_start3A_240 : memref<1x8x256xf32, #tpu.memory_space<vmem>> -> memref<8x256xf32, #tpu.memory_space<vmem>>
    %dma_start3A_242 = tpu.memref_slice %arg2[%select_n3A, %dma_start3A_230, %add3A_74, %mul3A_76] : memref<4x19x512x512xf32, #tpu.memory_space<hbm>> -> memref<1x1x8x256xf32, #tpu.memory_space<hbm>>
    %dma_start3A_243 = tpu.memref_squeeze %dma_start3A_242 : memref<1x1x8x256xf32, #tpu.memory_space<hbm>> -> memref<8x256xf32, #tpu.memory_space<hbm>>
    tpu.enqueue_dma source(%dma_start3A_243 : memref<8x256xf32, #tpu.memory_space<hbm>>) target(%dma_start3A_241 : memref<8x256xf32, #tpu.memory_space<vmem>>) target_semaphore(%arg6 : memref<!tpu.dma_semaphore, #tpu.memory_space<semaphore_mem>>)
    %dma_start3A_244 = arith.constant 12 : i32
    %dma_start3A_245 = arith.constant 12 : i32
    %dma_start3A_246 = arith.constant 0 : i32
    %dma_start3A_247 = arith.constant 0 : i32
    %dma_start3A_248 = tpu.memref_slice %arg4[%dma_start3A_245, %dma_start3A_246, %dma_start3A_247] : memref<19x8x256xf32, #tpu.memory_space<vmem>> -> memref<1x8x256xf32, #tpu.memory_space<vmem>>
    %dma_start3A_249 = tpu.memref_squeeze %dma_start3A_248 : memref<1x8x256xf32, #tpu.memory_space<vmem>> -> memref<8x256xf32, #tpu.memory_space<vmem>>
    %dma_start3A_250 = tpu.memref_slice %arg2[%select_n3A, %dma_start3A_244, %add3A_74, %mul3A_76] : memref<4x19x512x512xf32, #tpu.memory_space<hbm>> -> memref<1x1x8x256xf32, #tpu.memory_space<hbm>>
    %dma_start3A_251 = tpu.memref_squeeze %dma_start3A_250 : memref<1x1x8x256xf32, #tpu.memory_space<hbm>> -> memref<8x256xf32, #tpu.memory_space<hbm>>
    %dma_start3A_252 = arith.constant 0 : i32
    %dma_start3A_253 = arith.constant 0 : i32
    %dma_start3A_254 = tpu.memref_slice %arg4[%dma_start3A_245, %dma_start3A_252, %dma_start3A_253] : memref<19x8x256xf32, #tpu.memory_space<vmem>> -> memref<1x8x256xf32, #tpu.memory_space<vmem>>
    %dma_start3A_255 = tpu.memref_squeeze %dma_start3A_254 : memref<1x8x256xf32, #tpu.memory_space<vmem>> -> memref<8x256xf32, #tpu.memory_space<vmem>>
    %dma_start3A_256 = tpu.memref_slice %arg2[%select_n3A, %dma_start3A_244, %add3A_74, %mul3A_76] : memref<4x19x512x512xf32, #tpu.memory_space<hbm>> -> memref<1x1x8x256xf32, #tpu.memory_space<hbm>>
    %dma_start3A_257 = tpu.memref_squeeze %dma_start3A_256 : memref<1x1x8x256xf32, #tpu.memory_space<hbm>> -> memref<8x256xf32, #tpu.memory_space<hbm>>
    tpu.enqueue_dma source(%dma_start3A_257 : memref<8x256xf32, #tpu.memory_space<hbm>>) target(%dma_start3A_255 : memref<8x256xf32, #tpu.memory_space<vmem>>) target_semaphore(%arg6 : memref<!tpu.dma_semaphore, #tpu.memory_space<semaphore_mem>>)
    %dma_start3A_258 = arith.constant 13 : i32
    %dma_start3A_259 = arith.constant 13 : i32
    %dma_start3A_260 = arith.constant 0 : i32
    %dma_start3A_261 = arith.constant 0 : i32
    %dma_start3A_262 = tpu.memref_slice %arg4[%dma_start3A_259, %dma_start3A_260, %dma_start3A_261] : memref<19x8x256xf32, #tpu.memory_space<vmem>> -> memref<1x8x256xf32, #tpu.memory_space<vmem>>
    %dma_start3A_263 = tpu.memref_squeeze %dma_start3A_262 : memref<1x8x256xf32, #tpu.memory_space<vmem>> -> memref<8x256xf32, #tpu.memory_space<vmem>>
    %dma_start3A_264 = tpu.memref_slice %arg2[%select_n3A, %dma_start3A_258, %add3A_74, %mul3A_76] : memref<4x19x512x512xf32, #tpu.memory_space<hbm>> -> memref<1x1x8x256xf32, #tpu.memory_space<hbm>>
    %dma_start3A_265 = tpu.memref_squeeze %dma_start3A_264 : memref<1x1x8x256xf32, #tpu.memory_space<hbm>> -> memref<8x256xf32, #tpu.memory_space<hbm>>
    %dma_start3A_266 = arith.constant 0 : i32
    %dma_start3A_267 = arith.constant 0 : i32
    %dma_start3A_268 = tpu.memref_slice %arg4[%dma_start3A_259, %dma_start3A_266, %dma_start3A_267] : memref<19x8x256xf32, #tpu.memory_space<vmem>> -> memref<1x8x256xf32, #tpu.memory_space<vmem>>
    %dma_start3A_269 = tpu.memref_squeeze %dma_start3A_268 : memref<1x8x256xf32, #tpu.memory_space<vmem>> -> memref<8x256xf32, #tpu.memory_space<vmem>>
    %dma_start3A_270 = tpu.memref_slice %arg2[%select_n3A, %dma_start3A_258, %add3A_74, %mul3A_76] : memref<4x19x512x512xf32, #tpu.memory_space<hbm>> -> memref<1x1x8x256xf32, #tpu.memory_space<hbm>>
    %dma_start3A_271 = tpu.memref_squeeze %dma_start3A_270 : memref<1x1x8x256xf32, #tpu.memory_space<hbm>> -> memref<8x256xf32, #tpu.memory_space<hbm>>
    tpu.enqueue_dma source(%dma_start3A_271 : memref<8x256xf32, #tpu.memory_space<hbm>>) target(%dma_start3A_269 : memref<8x256xf32, #tpu.memory_space<vmem>>) target_semaphore(%arg6 : memref<!tpu.dma_semaphore, #tpu.memory_space<semaphore_mem>>)
    %dma_start3A_272 = arith.constant 14 : i32
    %dma_start3A_273 = arith.constant 14 : i32
    %dma_start3A_274 = arith.constant 0 : i32
    %dma_start3A_275 = arith.constant 0 : i32
    %dma_start3A_276 = tpu.memref_slice %arg4[%dma_start3A_273, %dma_start3A_274, %dma_start3A_275] : memref<19x8x256xf32, #tpu.memory_space<vmem>> -> memref<1x8x256xf32, #tpu.memory_space<vmem>>
    %dma_start3A_277 = tpu.memref_squeeze %dma_start3A_276 : memref<1x8x256xf32, #tpu.memory_space<vmem>> -> memref<8x256xf32, #tpu.memory_space<vmem>>
    %dma_start3A_278 = tpu.memref_slice %arg2[%select_n3A, %dma_start3A_272, %add3A_74, %mul3A_76] : memref<4x19x512x512xf32, #tpu.memory_space<hbm>> -> memref<1x1x8x256xf32, #tpu.memory_space<hbm>>
    %dma_start3A_279 = tpu.memref_squeeze %dma_start3A_278 : memref<1x1x8x256xf32, #tpu.memory_space<hbm>> -> memref<8x256xf32, #tpu.memory_space<hbm>>
    %dma_start3A_280 = arith.constant 0 : i32
    %dma_start3A_281 = arith.constant 0 : i32
    %dma_start3A_282 = tpu.memref_slice %arg4[%dma_start3A_273, %dma_start3A_280, %dma_start3A_281] : memref<19x8x256xf32, #tpu.memory_space<vmem>> -> memref<1x8x256xf32, #tpu.memory_space<vmem>>
    %dma_start3A_283 = tpu.memref_squeeze %dma_start3A_282 : memref<1x8x256xf32, #tpu.memory_space<vmem>> -> memref<8x256xf32, #tpu.memory_space<vmem>>
    %dma_start3A_284 = tpu.memref_slice %arg2[%select_n3A, %dma_start3A_272, %add3A_74, %mul3A_76] : memref<4x19x512x512xf32, #tpu.memory_space<hbm>> -> memref<1x1x8x256xf32, #tpu.memory_space<hbm>>
    %dma_start3A_285 = tpu.memref_squeeze %dma_start3A_284 : memref<1x1x8x256xf32, #tpu.memory_space<hbm>> -> memref<8x256xf32, #tpu.memory_space<hbm>>
    tpu.enqueue_dma source(%dma_start3A_285 : memref<8x256xf32, #tpu.memory_space<hbm>>) target(%dma_start3A_283 : memref<8x256xf32, #tpu.memory_space<vmem>>) target_semaphore(%arg6 : memref<!tpu.dma_semaphore, #tpu.memory_space<semaphore_mem>>)
    %dma_start3A_286 = arith.constant 15 : i32
    %dma_start3A_287 = arith.constant 15 : i32
    %dma_start3A_288 = arith.constant 0 : i32
    %dma_start3A_289 = arith.constant 0 : i32
    %dma_start3A_290 = tpu.memref_slice %arg4[%dma_start3A_287, %dma_start3A_288, %dma_start3A_289] : memref<19x8x256xf32, #tpu.memory_space<vmem>> -> memref<1x8x256xf32, #tpu.memory_space<vmem>>
    %dma_start3A_291 = tpu.memref_squeeze %dma_start3A_290 : memref<1x8x256xf32, #tpu.memory_space<vmem>> -> memref<8x256xf32, #tpu.memory_space<vmem>>
    %dma_start3A_292 = tpu.memref_slice %arg2[%select_n3A, %dma_start3A_286, %add3A_74, %mul3A_76] : memref<4x19x512x512xf32, #tpu.memory_space<hbm>> -> memref<1x1x8x256xf32, #tpu.memory_space<hbm>>
    %dma_start3A_293 = tpu.memref_squeeze %dma_start3A_292 : memref<1x1x8x256xf32, #tpu.memory_space<hbm>> -> memref<8x256xf32, #tpu.memory_space<hbm>>
    %dma_start3A_294 = arith.constant 0 : i32
    %dma_start3A_295 = arith.constant 0 : i32
    %dma_start3A_296 = tpu.memref_slice %arg4[%dma_start3A_287, %dma_start3A_294, %dma_start3A_295] : memref<19x8x256xf32, #tpu.memory_space<vmem>> -> memref<1x8x256xf32, #tpu.memory_space<vmem>>
    %dma_start3A_297 = tpu.memref_squeeze %dma_start3A_296 : memref<1x8x256xf32, #tpu.memory_space<vmem>> -> memref<8x256xf32, #tpu.memory_space<vmem>>
    %dma_start3A_298 = tpu.memref_slice %arg2[%select_n3A, %dma_start3A_286, %add3A_74, %mul3A_76] : memref<4x19x512x512xf32, #tpu.memory_space<hbm>> -> memref<1x1x8x256xf32, #tpu.memory_space<hbm>>
    %dma_start3A_299 = tpu.memref_squeeze %dma_start3A_298 : memref<1x1x8x256xf32, #tpu.memory_space<hbm>> -> memref<8x256xf32, #tpu.memory_space<hbm>>
    tpu.enqueue_dma source(%dma_start3A_299 : memref<8x256xf32, #tpu.memory_space<hbm>>) target(%dma_start3A_297 : memref<8x256xf32, #tpu.memory_space<vmem>>) target_semaphore(%arg6 : memref<!tpu.dma_semaphore, #tpu.memory_space<semaphore_mem>>)
    %dma_start3A_300 = arith.constant 16 : i32
    %dma_start3A_301 = arith.constant 16 : i32
    %dma_start3A_302 = arith.constant 0 : i32
    %dma_start3A_303 = arith.constant 0 : i32
    %dma_start3A_304 = tpu.memref_slice %arg4[%dma_start3A_301, %dma_start3A_302, %dma_start3A_303] : memref<19x8x256xf32, #tpu.memory_space<vmem>> -> memref<1x8x256xf32, #tpu.memory_space<vmem>>
    %dma_start3A_305 = tpu.memref_squeeze %dma_start3A_304 : memref<1x8x256xf32, #tpu.memory_space<vmem>> -> memref<8x256xf32, #tpu.memory_space<vmem>>
    %dma_start3A_306 = tpu.memref_slice %arg2[%select_n3A, %dma_start3A_300, %add3A_74, %mul3A_76] : memref<4x19x512x512xf32, #tpu.memory_space<hbm>> -> memref<1x1x8x256xf32, #tpu.memory_space<hbm>>
    %dma_start3A_307 = tpu.memref_squeeze %dma_start3A_306 : memref<1x1x8x256xf32, #tpu.memory_space<hbm>> -> memref<8x256xf32, #tpu.memory_space<hbm>>
    %dma_start3A_308 = arith.constant 0 : i32
    %dma_start3A_309 = arith.constant 0 : i32
    %dma_start3A_310 = tpu.memref_slice %arg4[%dma_start3A_301, %dma_start3A_308, %dma_start3A_309] : memref<19x8x256xf32, #tpu.memory_space<vmem>> -> memref<1x8x256xf32, #tpu.memory_space<vmem>>
    %dma_start3A_311 = tpu.memref_squeeze %dma_start3A_310 : memref<1x8x256xf32, #tpu.memory_space<vmem>> -> memref<8x256xf32, #tpu.memory_space<vmem>>
    %dma_start3A_312 = tpu.memref_slice %arg2[%select_n3A, %dma_start3A_300, %add3A_74, %mul3A_76] : memref<4x19x512x512xf32, #tpu.memory_space<hbm>> -> memref<1x1x8x256xf32, #tpu.memory_space<hbm>>
    %dma_start3A_313 = tpu.memref_squeeze %dma_start3A_312 : memref<1x1x8x256xf32, #tpu.memory_space<hbm>> -> memref<8x256xf32, #tpu.memory_space<hbm>>
    tpu.enqueue_dma source(%dma_start3A_313 : memref<8x256xf32, #tpu.memory_space<hbm>>) target(%dma_start3A_311 : memref<8x256xf32, #tpu.memory_space<vmem>>) target_semaphore(%arg6 : memref<!tpu.dma_semaphore, #tpu.memory_space<semaphore_mem>>)
    %dma_start3A_314 = arith.constant 17 : i32
    %dma_start3A_315 = arith.constant 17 : i32
    %dma_start3A_316 = arith.constant 0 : i32
    %dma_start3A_317 = arith.constant 0 : i32
    %dma_start3A_318 = tpu.memref_slice %arg4[%dma_start3A_315, %dma_start3A_316, %dma_start3A_317] : memref<19x8x256xf32, #tpu.memory_space<vmem>> -> memref<1x8x256xf32, #tpu.memory_space<vmem>>
    %dma_start3A_319 = tpu.memref_squeeze %dma_start3A_318 : memref<1x8x256xf32, #tpu.memory_space<vmem>> -> memref<8x256xf32, #tpu.memory_space<vmem>>
    %dma_start3A_320 = tpu.memref_slice %arg2[%select_n3A, %dma_start3A_314, %add3A_74, %mul3A_76] : memref<4x19x512x512xf32, #tpu.memory_space<hbm>> -> memref<1x1x8x256xf32, #tpu.memory_space<hbm>>
    %dma_start3A_321 = tpu.memref_squeeze %dma_start3A_320 : memref<1x1x8x256xf32, #tpu.memory_space<hbm>> -> memref<8x256xf32, #tpu.memory_space<hbm>>
    %dma_start3A_322 = arith.constant 0 : i32
    %dma_start3A_323 = arith.constant 0 : i32
    %dma_start3A_324 = tpu.memref_slice %arg4[%dma_start3A_315, %dma_start3A_322, %dma_start3A_323] : memref<19x8x256xf32, #tpu.memory_space<vmem>> -> memref<1x8x256xf32, #tpu.memory_space<vmem>>
    %dma_start3A_325 = tpu.memref_squeeze %dma_start3A_324 : memref<1x8x256xf32, #tpu.memory_space<vmem>> -> memref<8x256xf32, #tpu.memory_space<vmem>>
    %dma_start3A_326 = tpu.memref_slice %arg2[%select_n3A, %dma_start3A_314, %add3A_74, %mul3A_76] : memref<4x19x512x512xf32, #tpu.memory_space<hbm>> -> memref<1x1x8x256xf32, #tpu.memory_space<hbm>>
    %dma_start3A_327 = tpu.memref_squeeze %dma_start3A_326 : memref<1x1x8x256xf32, #tpu.memory_space<hbm>> -> memref<8x256xf32, #tpu.memory_space<hbm>>
    tpu.enqueue_dma source(%dma_start3A_327 : memref<8x256xf32, #tpu.memory_space<hbm>>) target(%dma_start3A_325 : memref<8x256xf32, #tpu.memory_space<vmem>>) target_semaphore(%arg6 : memref<!tpu.dma_semaphore, #tpu.memory_space<semaphore_mem>>)
    %dma_start3A_328 = arith.constant 18 : i32
    %dma_start3A_329 = arith.constant 18 : i32
    %dma_start3A_330 = arith.constant 0 : i32
    %dma_start3A_331 = arith.constant 0 : i32
    %dma_start3A_332 = tpu.memref_slice %arg4[%dma_start3A_329, %dma_start3A_330, %dma_start3A_331] : memref<19x8x256xf32, #tpu.memory_space<vmem>> -> memref<1x8x256xf32, #tpu.memory_space<vmem>>
    %dma_start3A_333 = tpu.memref_squeeze %dma_start3A_332 : memref<1x8x256xf32, #tpu.memory_space<vmem>> -> memref<8x256xf32, #tpu.memory_space<vmem>>
    %dma_start3A_334 = tpu.memref_slice %arg2[%select_n3A, %dma_start3A_328, %add3A_74, %mul3A_76] : memref<4x19x512x512xf32, #tpu.memory_space<hbm>> -> memref<1x1x8x256xf32, #tpu.memory_space<hbm>>
    %dma_start3A_335 = tpu.memref_squeeze %dma_start3A_334 : memref<1x1x8x256xf32, #tpu.memory_space<hbm>> -> memref<8x256xf32, #tpu.memory_space<hbm>>
    %dma_start3A_336 = arith.constant 0 : i32
    %dma_start3A_337 = arith.constant 0 : i32
    %dma_start3A_338 = tpu.memref_slice %arg4[%dma_start3A_329, %dma_start3A_336, %dma_start3A_337] : memref<19x8x256xf32, #tpu.memory_space<vmem>> -> memref<1x8x256xf32, #tpu.memory_space<vmem>>
    %dma_start3A_339 = tpu.memref_squeeze %dma_start3A_338 : memref<1x8x256xf32, #tpu.memory_space<vmem>> -> memref<8x256xf32, #tpu.memory_space<vmem>>
    %dma_start3A_340 = tpu.memref_slice %arg2[%select_n3A, %dma_start3A_328, %add3A_74, %mul3A_76] : memref<4x19x512x512xf32, #tpu.memory_space<hbm>> -> memref<1x1x8x256xf32, #tpu.memory_space<hbm>>
    %dma_start3A_341 = tpu.memref_squeeze %dma_start3A_340 : memref<1x1x8x256xf32, #tpu.memory_space<hbm>> -> memref<8x256xf32, #tpu.memory_space<hbm>>
    tpu.enqueue_dma source(%dma_start3A_341 : memref<8x256xf32, #tpu.memory_space<hbm>>) target(%dma_start3A_339 : memref<8x256xf32, #tpu.memory_space<vmem>>) target_semaphore(%arg6 : memref<!tpu.dma_semaphore, #tpu.memory_space<semaphore_mem>>)
    %dma_wait3A = arith.constant 0 : i32
    %dma_wait3A_342 = arith.constant 0 : i32
    %dma_wait3A_343 = arith.constant 0 : i32
    %dma_wait3A_344 = arith.constant 0 : i32
    %dma_wait3A_345 = tpu.memref_slice %arg4[%dma_wait3A_342, %dma_wait3A_343, %dma_wait3A_344] : memref<19x8x256xf32, #tpu.memory_space<vmem>> -> memref<1x8x256xf32, #tpu.memory_space<vmem>>
    %dma_wait3A_346 = tpu.memref_squeeze %dma_wait3A_345 : memref<1x8x256xf32, #tpu.memory_space<vmem>> -> memref<8x256xf32, #tpu.memory_space<vmem>>
    %dma_wait3A_347 = tpu.memref_slice %arg2[%select_n3A, %dma_wait3A, %add3A_74, %mul3A_76] : memref<4x19x512x512xf32, #tpu.memory_space<hbm>> -> memref<1x1x8x256xf32, #tpu.memory_space<hbm>>
    %dma_wait3A_348 = tpu.memref_squeeze %dma_wait3A_347 : memref<1x1x8x256xf32, #tpu.memory_space<hbm>> -> memref<8x256xf32, #tpu.memory_space<hbm>>
    %dma_wait3A_349 = arith.constant 0 : i32
    %dma_wait3A_350 = arith.constant 0 : i32
    %dma_wait3A_351 = tpu.memref_slice %arg4[%dma_wait3A_342, %dma_wait3A_349, %dma_wait3A_350] : memref<19x8x256xf32, #tpu.memory_space<vmem>> -> memref<1x8x256xf32, #tpu.memory_space<vmem>>
    %dma_wait3A_352 = tpu.memref_squeeze %dma_wait3A_351 : memref<1x8x256xf32, #tpu.memory_space<vmem>> -> memref<8x256xf32, #tpu.memory_space<vmem>>
    %dma_wait3A_353 = tpu.memref_slice %arg2[%select_n3A, %dma_wait3A, %add3A_74, %mul3A_76] : memref<4x19x512x512xf32, #tpu.memory_space<hbm>> -> memref<1x1x8x256xf32, #tpu.memory_space<hbm>>
    %dma_wait3A_354 = tpu.memref_squeeze %dma_wait3A_353 : memref<1x1x8x256xf32, #tpu.memory_space<hbm>> -> memref<8x256xf32, #tpu.memory_space<hbm>>
    tpu.wait_dma2 semaphore(%arg6 : memref<!tpu.dma_semaphore, #tpu.memory_space<semaphore_mem>>) src(%dma_wait3A_354 : memref<8x256xf32, #tpu.memory_space<hbm>>) dst(%dma_wait3A_352 : memref<8x256xf32, #tpu.memory_space<vmem>>)
    %dma_wait3A_355 = arith.constant 1 : i32
    %dma_wait3A_356 = arith.constant 1 : i32
    %dma_wait3A_357 = arith.constant 0 : i32
    %dma_wait3A_358 = arith.constant 0 : i32
    %dma_wait3A_359 = tpu.memref_slice %arg4[%dma_wait3A_356, %dma_wait3A_357, %dma_wait3A_358] : memref<19x8x256xf32, #tpu.memory_space<vmem>> -> memref<1x8x256xf32, #tpu.memory_space<vmem>>
    %dma_wait3A_360 = tpu.memref_squeeze %dma_wait3A_359 : memref<1x8x256xf32, #tpu.memory_space<vmem>> -> memref<8x256xf32, #tpu.memory_space<vmem>>
    %dma_wait3A_361 = tpu.memref_slice %arg2[%select_n3A, %dma_wait3A_355, %add3A_74, %mul3A_76] : memref<4x19x512x512xf32, #tpu.memory_space<hbm>> -> memref<1x1x8x256xf32, #tpu.memory_space<hbm>>
    %dma_wait3A_362 = tpu.memref_squeeze %dma_wait3A_361 : memref<1x1x8x256xf32, #tpu.memory_space<hbm>> -> memref<8x256xf32, #tpu.memory_space<hbm>>
    %dma_wait3A_363 = arith.constant 0 : i32
    %dma_wait3A_364 = arith.constant 0 : i32
    %dma_wait3A_365 = tpu.memref_slice %arg4[%dma_wait3A_356, %dma_wait3A_363, %dma_wait3A_364] : memref<19x8x256xf32, #tpu.memory_space<vmem>> -> memref<1x8x256xf32, #tpu.memory_space<vmem>>
    %dma_wait3A_366 = tpu.memref_squeeze %dma_wait3A_365 : memref<1x8x256xf32, #tpu.memory_space<vmem>> -> memref<8x256xf32, #tpu.memory_space<vmem>>
    %dma_wait3A_367 = tpu.memref_slice %arg2[%select_n3A, %dma_wait3A_355, %add3A_74, %mul3A_76] : memref<4x19x512x512xf32, #tpu.memory_space<hbm>> -> memref<1x1x8x256xf32, #tpu.memory_space<hbm>>
    %dma_wait3A_368 = tpu.memref_squeeze %dma_wait3A_367 : memref<1x1x8x256xf32, #tpu.memory_space<hbm>> -> memref<8x256xf32, #tpu.memory_space<hbm>>
    tpu.wait_dma2 semaphore(%arg6 : memref<!tpu.dma_semaphore, #tpu.memory_space<semaphore_mem>>) src(%dma_wait3A_368 : memref<8x256xf32, #tpu.memory_space<hbm>>) dst(%dma_wait3A_366 : memref<8x256xf32, #tpu.memory_space<vmem>>)
    %dma_wait3A_369 = arith.constant 2 : i32
    %dma_wait3A_370 = arith.constant 2 : i32
    %dma_wait3A_371 = arith.constant 0 : i32
    %dma_wait3A_372 = arith.constant 0 : i32
    %dma_wait3A_373 = tpu.memref_slice %arg4[%dma_wait3A_370, %dma_wait3A_371, %dma_wait3A_372] : memref<19x8x256xf32, #tpu.memory_space<vmem>> -> memref<1x8x256xf32, #tpu.memory_space<vmem>>
    %dma_wait3A_374 = tpu.memref_squeeze %dma_wait3A_373 : memref<1x8x256xf32, #tpu.memory_space<vmem>> -> memref<8x256xf32, #tpu.memory_space<vmem>>
    %dma_wait3A_375 = tpu.memref_slice %arg2[%select_n3A, %dma_wait3A_369, %add3A_74, %mul3A_76] : memref<4x19x512x512xf32, #tpu.memory_space<hbm>> -> memref<1x1x8x256xf32, #tpu.memory_space<hbm>>
    %dma_wait3A_376 = tpu.memref_squeeze %dma_wait3A_375 : memref<1x1x8x256xf32, #tpu.memory_space<hbm>> -> memref<8x256xf32, #tpu.memory_space<hbm>>
    %dma_wait3A_377 = arith.constant 0 : i32
    %dma_wait3A_378 = arith.constant 0 : i32
    %dma_wait3A_379 = tpu.memref_slice %arg4[%dma_wait3A_370, %dma_wait3A_377, %dma_wait3A_378] : memref<19x8x256xf32, #tpu.memory_space<vmem>> -> memref<1x8x256xf32, #tpu.memory_space<vmem>>
    %dma_wait3A_380 = tpu.memref_squeeze %dma_wait3A_379 : memref<1x8x256xf32, #tpu.memory_space<vmem>> -> memref<8x256xf32, #tpu.memory_space<vmem>>
    %dma_wait3A_381 = tpu.memref_slice %arg2[%select_n3A, %dma_wait3A_369, %add3A_74, %mul3A_76] : memref<4x19x512x512xf32, #tpu.memory_space<hbm>> -> memref<1x1x8x256xf32, #tpu.memory_space<hbm>>
    %dma_wait3A_382 = tpu.memref_squeeze %dma_wait3A_381 : memref<1x1x8x256xf32, #tpu.memory_space<hbm>> -> memref<8x256xf32, #tpu.memory_space<hbm>>
    tpu.wait_dma2 semaphore(%arg6 : memref<!tpu.dma_semaphore, #tpu.memory_space<semaphore_mem>>) src(%dma_wait3A_382 : memref<8x256xf32, #tpu.memory_space<hbm>>) dst(%dma_wait3A_380 : memref<8x256xf32, #tpu.memory_space<vmem>>)
    %dma_wait3A_383 = arith.constant 3 : i32
    %dma_wait3A_384 = arith.constant 3 : i32
    %dma_wait3A_385 = arith.constant 0 : i32
    %dma_wait3A_386 = arith.constant 0 : i32
    %dma_wait3A_387 = tpu.memref_slice %arg4[%dma_wait3A_384, %dma_wait3A_385, %dma_wait3A_386] : memref<19x8x256xf32, #tpu.memory_space<vmem>> -> memref<1x8x256xf32, #tpu.memory_space<vmem>>
    %dma_wait3A_388 = tpu.memref_squeeze %dma_wait3A_387 : memref<1x8x256xf32, #tpu.memory_space<vmem>> -> memref<8x256xf32, #tpu.memory_space<vmem>>
    %dma_wait3A_389 = tpu.memref_slice %arg2[%select_n3A, %dma_wait3A_383, %add3A_74, %mul3A_76] : memref<4x19x512x512xf32, #tpu.memory_space<hbm>> -> memref<1x1x8x256xf32, #tpu.memory_space<hbm>>
    %dma_wait3A_390 = tpu.memref_squeeze %dma_wait3A_389 : memref<1x1x8x256xf32, #tpu.memory_space<hbm>> -> memref<8x256xf32, #tpu.memory_space<hbm>>
    %dma_wait3A_391 = arith.constant 0 : i32
    %dma_wait3A_392 = arith.constant 0 : i32
    %dma_wait3A_393 = tpu.memref_slice %arg4[%dma_wait3A_384, %dma_wait3A_391, %dma_wait3A_392] : memref<19x8x256xf32, #tpu.memory_space<vmem>> -> memref<1x8x256xf32, #tpu.memory_space<vmem>>
    %dma_wait3A_394 = tpu.memref_squeeze %dma_wait3A_393 : memref<1x8x256xf32, #tpu.memory_space<vmem>> -> memref<8x256xf32, #tpu.memory_space<vmem>>
    %dma_wait3A_395 = tpu.memref_slice %arg2[%select_n3A, %dma_wait3A_383, %add3A_74, %mul3A_76] : memref<4x19x512x512xf32, #tpu.memory_space<hbm>> -> memref<1x1x8x256xf32, #tpu.memory_space<hbm>>
    %dma_wait3A_396 = tpu.memref_squeeze %dma_wait3A_395 : memref<1x1x8x256xf32, #tpu.memory_space<hbm>> -> memref<8x256xf32, #tpu.memory_space<hbm>>
    tpu.wait_dma2 semaphore(%arg6 : memref<!tpu.dma_semaphore, #tpu.memory_space<semaphore_mem>>) src(%dma_wait3A_396 : memref<8x256xf32, #tpu.memory_space<hbm>>) dst(%dma_wait3A_394 : memref<8x256xf32, #tpu.memory_space<vmem>>)
    %dma_wait3A_397 = arith.constant 4 : i32
    %dma_wait3A_398 = arith.constant 4 : i32
    %dma_wait3A_399 = arith.constant 0 : i32
    %dma_wait3A_400 = arith.constant 0 : i32
    %dma_wait3A_401 = tpu.memref_slice %arg4[%dma_wait3A_398, %dma_wait3A_399, %dma_wait3A_400] : memref<19x8x256xf32, #tpu.memory_space<vmem>> -> memref<1x8x256xf32, #tpu.memory_space<vmem>>
    %dma_wait3A_402 = tpu.memref_squeeze %dma_wait3A_401 : memref<1x8x256xf32, #tpu.memory_space<vmem>> -> memref<8x256xf32, #tpu.memory_space<vmem>>
    %dma_wait3A_403 = tpu.memref_slice %arg2[%select_n3A, %dma_wait3A_397, %add3A_74, %mul3A_76] : memref<4x19x512x512xf32, #tpu.memory_space<hbm>> -> memref<1x1x8x256xf32, #tpu.memory_space<hbm>>
    %dma_wait3A_404 = tpu.memref_squeeze %dma_wait3A_403 : memref<1x1x8x256xf32, #tpu.memory_space<hbm>> -> memref<8x256xf32, #tpu.memory_space<hbm>>
    %dma_wait3A_405 = arith.constant 0 : i32
    %dma_wait3A_406 = arith.constant 0 : i32
    %dma_wait3A_407 = tpu.memref_slice %arg4[%dma_wait3A_398, %dma_wait3A_405, %dma_wait3A_406] : memref<19x8x256xf32, #tpu.memory_space<vmem>> -> memref<1x8x256xf32, #tpu.memory_space<vmem>>
    %dma_wait3A_408 = tpu.memref_squeeze %dma_wait3A_407 : memref<1x8x256xf32, #tpu.memory_space<vmem>> -> memref<8x256xf32, #tpu.memory_space<vmem>>
    %dma_wait3A_409 = tpu.memref_slice %arg2[%select_n3A, %dma_wait3A_397, %add3A_74, %mul3A_76] : memref<4x19x512x512xf32, #tpu.memory_space<hbm>> -> memref<1x1x8x256xf32, #tpu.memory_space<hbm>>
    %dma_wait3A_410 = tpu.memref_squeeze %dma_wait3A_409 : memref<1x1x8x256xf32, #tpu.memory_space<hbm>> -> memref<8x256xf32, #tpu.memory_space<hbm>>
    tpu.wait_dma2 semaphore(%arg6 : memref<!tpu.dma_semaphore, #tpu.memory_space<semaphore_mem>>) src(%dma_wait3A_410 : memref<8x256xf32, #tpu.memory_space<hbm>>) dst(%dma_wait3A_408 : memref<8x256xf32, #tpu.memory_space<vmem>>)
    %dma_wait3A_411 = arith.constant 5 : i32
    %dma_wait3A_412 = arith.constant 5 : i32
    %dma_wait3A_413 = arith.constant 0 : i32
    %dma_wait3A_414 = arith.constant 0 : i32
    %dma_wait3A_415 = tpu.memref_slice %arg4[%dma_wait3A_412, %dma_wait3A_413, %dma_wait3A_414] : memref<19x8x256xf32, #tpu.memory_space<vmem>> -> memref<1x8x256xf32, #tpu.memory_space<vmem>>
    %dma_wait3A_416 = tpu.memref_squeeze %dma_wait3A_415 : memref<1x8x256xf32, #tpu.memory_space<vmem>> -> memref<8x256xf32, #tpu.memory_space<vmem>>
    %dma_wait3A_417 = tpu.memref_slice %arg2[%select_n3A, %dma_wait3A_411, %add3A_74, %mul3A_76] : memref<4x19x512x512xf32, #tpu.memory_space<hbm>> -> memref<1x1x8x256xf32, #tpu.memory_space<hbm>>
    %dma_wait3A_418 = tpu.memref_squeeze %dma_wait3A_417 : memref<1x1x8x256xf32, #tpu.memory_space<hbm>> -> memref<8x256xf32, #tpu.memory_space<hbm>>
    %dma_wait3A_419 = arith.constant 0 : i32
    %dma_wait3A_420 = arith.constant 0 : i32
    %dma_wait3A_421 = tpu.memref_slice %arg4[%dma_wait3A_412, %dma_wait3A_419, %dma_wait3A_420] : memref<19x8x256xf32, #tpu.memory_space<vmem>> -> memref<1x8x256xf32, #tpu.memory_space<vmem>>
    %dma_wait3A_422 = tpu.memref_squeeze %dma_wait3A_421 : memref<1x8x256xf32, #tpu.memory_space<vmem>> -> memref<8x256xf32, #tpu.memory_space<vmem>>
    %dma_wait3A_423 = tpu.memref_slice %arg2[%select_n3A, %dma_wait3A_411, %add3A_74, %mul3A_76] : memref<4x19x512x512xf32, #tpu.memory_space<hbm>> -> memref<1x1x8x256xf32, #tpu.memory_space<hbm>>
    %dma_wait3A_424 = tpu.memref_squeeze %dma_wait3A_423 : memref<1x1x8x256xf32, #tpu.memory_space<hbm>> -> memref<8x256xf32, #tpu.memory_space<hbm>>
    tpu.wait_dma2 semaphore(%arg6 : memref<!tpu.dma_semaphore, #tpu.memory_space<semaphore_mem>>) src(%dma_wait3A_424 : memref<8x256xf32, #tpu.memory_space<hbm>>) dst(%dma_wait3A_422 : memref<8x256xf32, #tpu.memory_space<vmem>>)
    %dma_wait3A_425 = arith.constant 6 : i32
    %dma_wait3A_426 = arith.constant 6 : i32
    %dma_wait3A_427 = arith.constant 0 : i32
    %dma_wait3A_428 = arith.constant 0 : i32
    %dma_wait3A_429 = tpu.memref_slice %arg4[%dma_wait3A_426, %dma_wait3A_427, %dma_wait3A_428] : memref<19x8x256xf32, #tpu.memory_space<vmem>> -> memref<1x8x256xf32, #tpu.memory_space<vmem>>
    %dma_wait3A_430 = tpu.memref_squeeze %dma_wait3A_429 : memref<1x8x256xf32, #tpu.memory_space<vmem>> -> memref<8x256xf32, #tpu.memory_space<vmem>>
    %dma_wait3A_431 = tpu.memref_slice %arg2[%select_n3A, %dma_wait3A_425, %add3A_74, %mul3A_76] : memref<4x19x512x512xf32, #tpu.memory_space<hbm>> -> memref<1x1x8x256xf32, #tpu.memory_space<hbm>>
    %dma_wait3A_432 = tpu.memref_squeeze %dma_wait3A_431 : memref<1x1x8x256xf32, #tpu.memory_space<hbm>> -> memref<8x256xf32, #tpu.memory_space<hbm>>
    %dma_wait3A_433 = arith.constant 0 : i32
    %dma_wait3A_434 = arith.constant 0 : i32
    %dma_wait3A_435 = tpu.memref_slice %arg4[%dma_wait3A_426, %dma_wait3A_433, %dma_wait3A_434] : memref<19x8x256xf32, #tpu.memory_space<vmem>> -> memref<1x8x256xf32, #tpu.memory_space<vmem>>
    %dma_wait3A_436 = tpu.memref_squeeze %dma_wait3A_435 : memref<1x8x256xf32, #tpu.memory_space<vmem>> -> memref<8x256xf32, #tpu.memory_space<vmem>>
    %dma_wait3A_437 = tpu.memref_slice %arg2[%select_n3A, %dma_wait3A_425, %add3A_74, %mul3A_76] : memref<4x19x512x512xf32, #tpu.memory_space<hbm>> -> memref<1x1x8x256xf32, #tpu.memory_space<hbm>>
    %dma_wait3A_438 = tpu.memref_squeeze %dma_wait3A_437 : memref<1x1x8x256xf32, #tpu.memory_space<hbm>> -> memref<8x256xf32, #tpu.memory_space<hbm>>
    tpu.wait_dma2 semaphore(%arg6 : memref<!tpu.dma_semaphore, #tpu.memory_space<semaphore_mem>>) src(%dma_wait3A_438 : memref<8x256xf32, #tpu.memory_space<hbm>>) dst(%dma_wait3A_436 : memref<8x256xf32, #tpu.memory_space<vmem>>)
    %dma_wait3A_439 = arith.constant 7 : i32
    %dma_wait3A_440 = arith.constant 7 : i32
    %dma_wait3A_441 = arith.constant 0 : i32
    %dma_wait3A_442 = arith.constant 0 : i32
    %dma_wait3A_443 = tpu.memref_slice %arg4[%dma_wait3A_440, %dma_wait3A_441, %dma_wait3A_442] : memref<19x8x256xf32, #tpu.memory_space<vmem>> -> memref<1x8x256xf32, #tpu.memory_space<vmem>>
    %dma_wait3A_444 = tpu.memref_squeeze %dma_wait3A_443 : memref<1x8x256xf32, #tpu.memory_space<vmem>> -> memref<8x256xf32, #tpu.memory_space<vmem>>
    %dma_wait3A_445 = tpu.memref_slice %arg2[%select_n3A, %dma_wait3A_439, %add3A_74, %mul3A_76] : memref<4x19x512x512xf32, #tpu.memory_space<hbm>> -> memref<1x1x8x256xf32, #tpu.memory_space<hbm>>
    %dma_wait3A_446 = tpu.memref_squeeze %dma_wait3A_445 : memref<1x1x8x256xf32, #tpu.memory_space<hbm>> -> memref<8x256xf32, #tpu.memory_space<hbm>>
    %dma_wait3A_447 = arith.constant 0 : i32
    %dma_wait3A_448 = arith.constant 0 : i32
    %dma_wait3A_449 = tpu.memref_slice %arg4[%dma_wait3A_440, %dma_wait3A_447, %dma_wait3A_448] : memref<19x8x256xf32, #tpu.memory_space<vmem>> -> memref<1x8x256xf32, #tpu.memory_space<vmem>>
    %dma_wait3A_450 = tpu.memref_squeeze %dma_wait3A_449 : memref<1x8x256xf32, #tpu.memory_space<vmem>> -> memref<8x256xf32, #tpu.memory_space<vmem>>
    %dma_wait3A_451 = tpu.memref_slice %arg2[%select_n3A, %dma_wait3A_439, %add3A_74, %mul3A_76] : memref<4x19x512x512xf32, #tpu.memory_space<hbm>> -> memref<1x1x8x256xf32, #tpu.memory_space<hbm>>
    %dma_wait3A_452 = tpu.memref_squeeze %dma_wait3A_451 : memref<1x1x8x256xf32, #tpu.memory_space<hbm>> -> memref<8x256xf32, #tpu.memory_space<hbm>>
    tpu.wait_dma2 semaphore(%arg6 : memref<!tpu.dma_semaphore, #tpu.memory_space<semaphore_mem>>) src(%dma_wait3A_452 : memref<8x256xf32, #tpu.memory_space<hbm>>) dst(%dma_wait3A_450 : memref<8x256xf32, #tpu.memory_space<vmem>>)
    %dma_wait3A_453 = arith.constant 8 : i32
    %dma_wait3A_454 = arith.constant 8 : i32
    %dma_wait3A_455 = arith.constant 0 : i32
    %dma_wait3A_456 = arith.constant 0 : i32
    %dma_wait3A_457 = tpu.memref_slice %arg4[%dma_wait3A_454, %dma_wait3A_455, %dma_wait3A_456] : memref<19x8x256xf32, #tpu.memory_space<vmem>> -> memref<1x8x256xf32, #tpu.memory_space<vmem>>
    %dma_wait3A_458 = tpu.memref_squeeze %dma_wait3A_457 : memref<1x8x256xf32, #tpu.memory_space<vmem>> -> memref<8x256xf32, #tpu.memory_space<vmem>>
    %dma_wait3A_459 = tpu.memref_slice %arg2[%select_n3A, %dma_wait3A_453, %add3A_74, %mul3A_76] : memref<4x19x512x512xf32, #tpu.memory_space<hbm>> -> memref<1x1x8x256xf32, #tpu.memory_space<hbm>>
    %dma_wait3A_460 = tpu.memref_squeeze %dma_wait3A_459 : memref<1x1x8x256xf32, #tpu.memory_space<hbm>> -> memref<8x256xf32, #tpu.memory_space<hbm>>
    %dma_wait3A_461 = arith.constant 0 : i32
    %dma_wait3A_462 = arith.constant 0 : i32
    %dma_wait3A_463 = tpu.memref_slice %arg4[%dma_wait3A_454, %dma_wait3A_461, %dma_wait3A_462] : memref<19x8x256xf32, #tpu.memory_space<vmem>> -> memref<1x8x256xf32, #tpu.memory_space<vmem>>
    %dma_wait3A_464 = tpu.memref_squeeze %dma_wait3A_463 : memref<1x8x256xf32, #tpu.memory_space<vmem>> -> memref<8x256xf32, #tpu.memory_space<vmem>>
    %dma_wait3A_465 = tpu.memref_slice %arg2[%select_n3A, %dma_wait3A_453, %add3A_74, %mul3A_76] : memref<4x19x512x512xf32, #tpu.memory_space<hbm>> -> memref<1x1x8x256xf32, #tpu.memory_space<hbm>>
    %dma_wait3A_466 = tpu.memref_squeeze %dma_wait3A_465 : memref<1x1x8x256xf32, #tpu.memory_space<hbm>> -> memref<8x256xf32, #tpu.memory_space<hbm>>
    tpu.wait_dma2 semaphore(%arg6 : memref<!tpu.dma_semaphore, #tpu.memory_space<semaphore_mem>>) src(%dma_wait3A_466 : memref<8x256xf32, #tpu.memory_space<hbm>>) dst(%dma_wait3A_464 : memref<8x256xf32, #tpu.memory_space<vmem>>)
    %dma_wait3A_467 = arith.constant 9 : i32
    %dma_wait3A_468 = arith.constant 9 : i32
    %dma_wait3A_469 = arith.constant 0 : i32
    %dma_wait3A_470 = arith.constant 0 : i32
    %dma_wait3A_471 = tpu.memref_slice %arg4[%dma_wait3A_468, %dma_wait3A_469, %dma_wait3A_470] : memref<19x8x256xf32, #tpu.memory_space<vmem>> -> memref<1x8x256xf32, #tpu.memory_space<vmem>>
    %dma_wait3A_472 = tpu.memref_squeeze %dma_wait3A_471 : memref<1x8x256xf32, #tpu.memory_space<vmem>> -> memref<8x256xf32, #tpu.memory_space<vmem>>
    %dma_wait3A_473 = tpu.memref_slice %arg2[%select_n3A, %dma_wait3A_467, %add3A_74, %mul3A_76] : memref<4x19x512x512xf32, #tpu.memory_space<hbm>> -> memref<1x1x8x256xf32, #tpu.memory_space<hbm>>
    %dma_wait3A_474 = tpu.memref_squeeze %dma_wait3A_473 : memref<1x1x8x256xf32, #tpu.memory_space<hbm>> -> memref<8x256xf32, #tpu.memory_space<hbm>>
    %dma_wait3A_475 = arith.constant 0 : i32
    %dma_wait3A_476 = arith.constant 0 : i32
    %dma_wait3A_477 = tpu.memref_slice %arg4[%dma_wait3A_468, %dma_wait3A_475, %dma_wait3A_476] : memref<19x8x256xf32, #tpu.memory_space<vmem>> -> memref<1x8x256xf32, #tpu.memory_space<vmem>>
    %dma_wait3A_478 = tpu.memref_squeeze %dma_wait3A_477 : memref<1x8x256xf32, #tpu.memory_space<vmem>> -> memref<8x256xf32, #tpu.memory_space<vmem>>
    %dma_wait3A_479 = tpu.memref_slice %arg2[%select_n3A, %dma_wait3A_467, %add3A_74, %mul3A_76] : memref<4x19x512x512xf32, #tpu.memory_space<hbm>> -> memref<1x1x8x256xf32, #tpu.memory_space<hbm>>
    %dma_wait3A_480 = tpu.memref_squeeze %dma_wait3A_479 : memref<1x1x8x256xf32, #tpu.memory_space<hbm>> -> memref<8x256xf32, #tpu.memory_space<hbm>>
    tpu.wait_dma2 semaphore(%arg6 : memref<!tpu.dma_semaphore, #tpu.memory_space<semaphore_mem>>) src(%dma_wait3A_480 : memref<8x256xf32, #tpu.memory_space<hbm>>) dst(%dma_wait3A_478 : memref<8x256xf32, #tpu.memory_space<vmem>>)
    %dma_wait3A_481 = arith.constant 10 : i32
    %dma_wait3A_482 = arith.constant 10 : i32
    %dma_wait3A_483 = arith.constant 0 : i32
    %dma_wait3A_484 = arith.constant 0 : i32
    %dma_wait3A_485 = tpu.memref_slice %arg4[%dma_wait3A_482, %dma_wait3A_483, %dma_wait3A_484] : memref<19x8x256xf32, #tpu.memory_space<vmem>> -> memref<1x8x256xf32, #tpu.memory_space<vmem>>
    %dma_wait3A_486 = tpu.memref_squeeze %dma_wait3A_485 : memref<1x8x256xf32, #tpu.memory_space<vmem>> -> memref<8x256xf32, #tpu.memory_space<vmem>>
    %dma_wait3A_487 = tpu.memref_slice %arg2[%select_n3A, %dma_wait3A_481, %add3A_74, %mul3A_76] : memref<4x19x512x512xf32, #tpu.memory_space<hbm>> -> memref<1x1x8x256xf32, #tpu.memory_space<hbm>>
    %dma_wait3A_488 = tpu.memref_squeeze %dma_wait3A_487 : memref<1x1x8x256xf32, #tpu.memory_space<hbm>> -> memref<8x256xf32, #tpu.memory_space<hbm>>
    %dma_wait3A_489 = arith.constant 0 : i32
    %dma_wait3A_490 = arith.constant 0 : i32
    %dma_wait3A_491 = tpu.memref_slice %arg4[%dma_wait3A_482, %dma_wait3A_489, %dma_wait3A_490] : memref<19x8x256xf32, #tpu.memory_space<vmem>> -> memref<1x8x256xf32, #tpu.memory_space<vmem>>
    %dma_wait3A_492 = tpu.memref_squeeze %dma_wait3A_491 : memref<1x8x256xf32, #tpu.memory_space<vmem>> -> memref<8x256xf32, #tpu.memory_space<vmem>>
    %dma_wait3A_493 = tpu.memref_slice %arg2[%select_n3A, %dma_wait3A_481, %add3A_74, %mul3A_76] : memref<4x19x512x512xf32, #tpu.memory_space<hbm>> -> memref<1x1x8x256xf32, #tpu.memory_space<hbm>>
    %dma_wait3A_494 = tpu.memref_squeeze %dma_wait3A_493 : memref<1x1x8x256xf32, #tpu.memory_space<hbm>> -> memref<8x256xf32, #tpu.memory_space<hbm>>
    tpu.wait_dma2 semaphore(%arg6 : memref<!tpu.dma_semaphore, #tpu.memory_space<semaphore_mem>>) src(%dma_wait3A_494 : memref<8x256xf32, #tpu.memory_space<hbm>>) dst(%dma_wait3A_492 : memref<8x256xf32, #tpu.memory_space<vmem>>)
    %dma_wait3A_495 = arith.constant 11 : i32
    %dma_wait3A_496 = arith.constant 11 : i32
    %dma_wait3A_497 = arith.constant 0 : i32
    %dma_wait3A_498 = arith.constant 0 : i32
    %dma_wait3A_499 = tpu.memref_slice %arg4[%dma_wait3A_496, %dma_wait3A_497, %dma_wait3A_498] : memref<19x8x256xf32, #tpu.memory_space<vmem>> -> memref<1x8x256xf32, #tpu.memory_space<vmem>>
    %dma_wait3A_500 = tpu.memref_squeeze %dma_wait3A_499 : memref<1x8x256xf32, #tpu.memory_space<vmem>> -> memref<8x256xf32, #tpu.memory_space<vmem>>
    %dma_wait3A_501 = tpu.memref_slice %arg2[%select_n3A, %dma_wait3A_495, %add3A_74, %mul3A_76] : memref<4x19x512x512xf32, #tpu.memory_space<hbm>> -> memref<1x1x8x256xf32, #tpu.memory_space<hbm>>
    %dma_wait3A_502 = tpu.memref_squeeze %dma_wait3A_501 : memref<1x1x8x256xf32, #tpu.memory_space<hbm>> -> memref<8x256xf32, #tpu.memory_space<hbm>>
    %dma_wait3A_503 = arith.constant 0 : i32
    %dma_wait3A_504 = arith.constant 0 : i32
    %dma_wait3A_505 = tpu.memref_slice %arg4[%dma_wait3A_496, %dma_wait3A_503, %dma_wait3A_504] : memref<19x8x256xf32, #tpu.memory_space<vmem>> -> memref<1x8x256xf32, #tpu.memory_space<vmem>>
    %dma_wait3A_506 = tpu.memref_squeeze %dma_wait3A_505 : memref<1x8x256xf32, #tpu.memory_space<vmem>> -> memref<8x256xf32, #tpu.memory_space<vmem>>
    %dma_wait3A_507 = tpu.memref_slice %arg2[%select_n3A, %dma_wait3A_495, %add3A_74, %mul3A_76] : memref<4x19x512x512xf32, #tpu.memory_space<hbm>> -> memref<1x1x8x256xf32, #tpu.memory_space<hbm>>
    %dma_wait3A_508 = tpu.memref_squeeze %dma_wait3A_507 : memref<1x1x8x256xf32, #tpu.memory_space<hbm>> -> memref<8x256xf32, #tpu.memory_space<hbm>>
    tpu.wait_dma2 semaphore(%arg6 : memref<!tpu.dma_semaphore, #tpu.memory_space<semaphore_mem>>) src(%dma_wait3A_508 : memref<8x256xf32, #tpu.memory_space<hbm>>) dst(%dma_wait3A_506 : memref<8x256xf32, #tpu.memory_space<vmem>>)
    %dma_wait3A_509 = arith.constant 12 : i32
    %dma_wait3A_510 = arith.constant 12 : i32
    %dma_wait3A_511 = arith.constant 0 : i32
    %dma_wait3A_512 = arith.constant 0 : i32
    %dma_wait3A_513 = tpu.memref_slice %arg4[%dma_wait3A_510, %dma_wait3A_511, %dma_wait3A_512] : memref<19x8x256xf32, #tpu.memory_space<vmem>> -> memref<1x8x256xf32, #tpu.memory_space<vmem>>
    %dma_wait3A_514 = tpu.memref_squeeze %dma_wait3A_513 : memref<1x8x256xf32, #tpu.memory_space<vmem>> -> memref<8x256xf32, #tpu.memory_space<vmem>>
    %dma_wait3A_515 = tpu.memref_slice %arg2[%select_n3A, %dma_wait3A_509, %add3A_74, %mul3A_76] : memref<4x19x512x512xf32, #tpu.memory_space<hbm>> -> memref<1x1x8x256xf32, #tpu.memory_space<hbm>>
    %dma_wait3A_516 = tpu.memref_squeeze %dma_wait3A_515 : memref<1x1x8x256xf32, #tpu.memory_space<hbm>> -> memref<8x256xf32, #tpu.memory_space<hbm>>
    %dma_wait3A_517 = arith.constant 0 : i32
    %dma_wait3A_518 = arith.constant 0 : i32
    %dma_wait3A_519 = tpu.memref_slice %arg4[%dma_wait3A_510, %dma_wait3A_517, %dma_wait3A_518] : memref<19x8x256xf32, #tpu.memory_space<vmem>> -> memref<1x8x256xf32, #tpu.memory_space<vmem>>
    %dma_wait3A_520 = tpu.memref_squeeze %dma_wait3A_519 : memref<1x8x256xf32, #tpu.memory_space<vmem>> -> memref<8x256xf32, #tpu.memory_space<vmem>>
    %dma_wait3A_521 = tpu.memref_slice %arg2[%select_n3A, %dma_wait3A_509, %add3A_74, %mul3A_76] : memref<4x19x512x512xf32, #tpu.memory_space<hbm>> -> memref<1x1x8x256xf32, #tpu.memory_space<hbm>>
    %dma_wait3A_522 = tpu.memref_squeeze %dma_wait3A_521 : memref<1x1x8x256xf32, #tpu.memory_space<hbm>> -> memref<8x256xf32, #tpu.memory_space<hbm>>
    tpu.wait_dma2 semaphore(%arg6 : memref<!tpu.dma_semaphore, #tpu.memory_space<semaphore_mem>>) src(%dma_wait3A_522 : memref<8x256xf32, #tpu.memory_space<hbm>>) dst(%dma_wait3A_520 : memref<8x256xf32, #tpu.memory_space<vmem>>)
    %dma_wait3A_523 = arith.constant 13 : i32
    %dma_wait3A_524 = arith.constant 13 : i32
    %dma_wait3A_525 = arith.constant 0 : i32
    %dma_wait3A_526 = arith.constant 0 : i32
    %dma_wait3A_527 = tpu.memref_slice %arg4[%dma_wait3A_524, %dma_wait3A_525, %dma_wait3A_526] : memref<19x8x256xf32, #tpu.memory_space<vmem>> -> memref<1x8x256xf32, #tpu.memory_space<vmem>>
    %dma_wait3A_528 = tpu.memref_squeeze %dma_wait3A_527 : memref<1x8x256xf32, #tpu.memory_space<vmem>> -> memref<8x256xf32, #tpu.memory_space<vmem>>
    %dma_wait3A_529 = tpu.memref_slice %arg2[%select_n3A, %dma_wait3A_523, %add3A_74, %mul3A_76] : memref<4x19x512x512xf32, #tpu.memory_space<hbm>> -> memref<1x1x8x256xf32, #tpu.memory_space<hbm>>
    %dma_wait3A_530 = tpu.memref_squeeze %dma_wait3A_529 : memref<1x1x8x256xf32, #tpu.memory_space<hbm>> -> memref<8x256xf32, #tpu.memory_space<hbm>>
    %dma_wait3A_531 = arith.constant 0 : i32
    %dma_wait3A_532 = arith.constant 0 : i32
    %dma_wait3A_533 = tpu.memref_slice %arg4[%dma_wait3A_524, %dma_wait3A_531, %dma_wait3A_532] : memref<19x8x256xf32, #tpu.memory_space<vmem>> -> memref<1x8x256xf32, #tpu.memory_space<vmem>>
    %dma_wait3A_534 = tpu.memref_squeeze %dma_wait3A_533 : memref<1x8x256xf32, #tpu.memory_space<vmem>> -> memref<8x256xf32, #tpu.memory_space<vmem>>
    %dma_wait3A_535 = tpu.memref_slice %arg2[%select_n3A, %dma_wait3A_523, %add3A_74, %mul3A_76] : memref<4x19x512x512xf32, #tpu.memory_space<hbm>> -> memref<1x1x8x256xf32, #tpu.memory_space<hbm>>
    %dma_wait3A_536 = tpu.memref_squeeze %dma_wait3A_535 : memref<1x1x8x256xf32, #tpu.memory_space<hbm>> -> memref<8x256xf32, #tpu.memory_space<hbm>>
    tpu.wait_dma2 semaphore(%arg6 : memref<!tpu.dma_semaphore, #tpu.memory_space<semaphore_mem>>) src(%dma_wait3A_536 : memref<8x256xf32, #tpu.memory_space<hbm>>) dst(%dma_wait3A_534 : memref<8x256xf32, #tpu.memory_space<vmem>>)
    %dma_wait3A_537 = arith.constant 14 : i32
    %dma_wait3A_538 = arith.constant 14 : i32
    %dma_wait3A_539 = arith.constant 0 : i32
    %dma_wait3A_540 = arith.constant 0 : i32
    %dma_wait3A_541 = tpu.memref_slice %arg4[%dma_wait3A_538, %dma_wait3A_539, %dma_wait3A_540] : memref<19x8x256xf32, #tpu.memory_space<vmem>> -> memref<1x8x256xf32, #tpu.memory_space<vmem>>
    %dma_wait3A_542 = tpu.memref_squeeze %dma_wait3A_541 : memref<1x8x256xf32, #tpu.memory_space<vmem>> -> memref<8x256xf32, #tpu.memory_space<vmem>>
    %dma_wait3A_543 = tpu.memref_slice %arg2[%select_n3A, %dma_wait3A_537, %add3A_74, %mul3A_76] : memref<4x19x512x512xf32, #tpu.memory_space<hbm>> -> memref<1x1x8x256xf32, #tpu.memory_space<hbm>>
    %dma_wait3A_544 = tpu.memref_squeeze %dma_wait3A_543 : memref<1x1x8x256xf32, #tpu.memory_space<hbm>> -> memref<8x256xf32, #tpu.memory_space<hbm>>
    %dma_wait3A_545 = arith.constant 0 : i32
    %dma_wait3A_546 = arith.constant 0 : i32
    %dma_wait3A_547 = tpu.memref_slice %arg4[%dma_wait3A_538, %dma_wait3A_545, %dma_wait3A_546] : memref<19x8x256xf32, #tpu.memory_space<vmem>> -> memref<1x8x256xf32, #tpu.memory_space<vmem>>
    %dma_wait3A_548 = tpu.memref_squeeze %dma_wait3A_547 : memref<1x8x256xf32, #tpu.memory_space<vmem>> -> memref<8x256xf32, #tpu.memory_space<vmem>>
    %dma_wait3A_549 = tpu.memref_slice %arg2[%select_n3A, %dma_wait3A_537, %add3A_74, %mul3A_76] : memref<4x19x512x512xf32, #tpu.memory_space<hbm>> -> memref<1x1x8x256xf32, #tpu.memory_space<hbm>>
    %dma_wait3A_550 = tpu.memref_squeeze %dma_wait3A_549 : memref<1x1x8x256xf32, #tpu.memory_space<hbm>> -> memref<8x256xf32, #tpu.memory_space<hbm>>
    tpu.wait_dma2 semaphore(%arg6 : memref<!tpu.dma_semaphore, #tpu.memory_space<semaphore_mem>>) src(%dma_wait3A_550 : memref<8x256xf32, #tpu.memory_space<hbm>>) dst(%dma_wait3A_548 : memref<8x256xf32, #tpu.memory_space<vmem>>)
    %dma_wait3A_551 = arith.constant 15 : i32
    %dma_wait3A_552 = arith.constant 15 : i32
    %dma_wait3A_553 = arith.constant 0 : i32
    %dma_wait3A_554 = arith.constant 0 : i32
    %dma_wait3A_555 = tpu.memref_slice %arg4[%dma_wait3A_552, %dma_wait3A_553, %dma_wait3A_554] : memref<19x8x256xf32, #tpu.memory_space<vmem>> -> memref<1x8x256xf32, #tpu.memory_space<vmem>>
    %dma_wait3A_556 = tpu.memref_squeeze %dma_wait3A_555 : memref<1x8x256xf32, #tpu.memory_space<vmem>> -> memref<8x256xf32, #tpu.memory_space<vmem>>
    %dma_wait3A_557 = tpu.memref_slice %arg2[%select_n3A, %dma_wait3A_551, %add3A_74, %mul3A_76] : memref<4x19x512x512xf32, #tpu.memory_space<hbm>> -> memref<1x1x8x256xf32, #tpu.memory_space<hbm>>
    %dma_wait3A_558 = tpu.memref_squeeze %dma_wait3A_557 : memref<1x1x8x256xf32, #tpu.memory_space<hbm>> -> memref<8x256xf32, #tpu.memory_space<hbm>>
    %dma_wait3A_559 = arith.constant 0 : i32
    %dma_wait3A_560 = arith.constant 0 : i32
    %dma_wait3A_561 = tpu.memref_slice %arg4[%dma_wait3A_552, %dma_wait3A_559, %dma_wait3A_560] : memref<19x8x256xf32, #tpu.memory_space<vmem>> -> memref<1x8x256xf32, #tpu.memory_space<vmem>>
    %dma_wait3A_562 = tpu.memref_squeeze %dma_wait3A_561 : memref<1x8x256xf32, #tpu.memory_space<vmem>> -> memref<8x256xf32, #tpu.memory_space<vmem>>
    %dma_wait3A_563 = tpu.memref_slice %arg2[%select_n3A, %dma_wait3A_551, %add3A_74, %mul3A_76] : memref<4x19x512x512xf32, #tpu.memory_space<hbm>> -> memref<1x1x8x256xf32, #tpu.memory_space<hbm>>
    %dma_wait3A_564 = tpu.memref_squeeze %dma_wait3A_563 : memref<1x1x8x256xf32, #tpu.memory_space<hbm>> -> memref<8x256xf32, #tpu.memory_space<hbm>>
    tpu.wait_dma2 semaphore(%arg6 : memref<!tpu.dma_semaphore, #tpu.memory_space<semaphore_mem>>) src(%dma_wait3A_564 : memref<8x256xf32, #tpu.memory_space<hbm>>) dst(%dma_wait3A_562 : memref<8x256xf32, #tpu.memory_space<vmem>>)
    %dma_wait3A_565 = arith.constant 16 : i32
    %dma_wait3A_566 = arith.constant 16 : i32
    %dma_wait3A_567 = arith.constant 0 : i32
    %dma_wait3A_568 = arith.constant 0 : i32
    %dma_wait3A_569 = tpu.memref_slice %arg4[%dma_wait3A_566, %dma_wait3A_567, %dma_wait3A_568] : memref<19x8x256xf32, #tpu.memory_space<vmem>> -> memref<1x8x256xf32, #tpu.memory_space<vmem>>
    %dma_wait3A_570 = tpu.memref_squeeze %dma_wait3A_569 : memref<1x8x256xf32, #tpu.memory_space<vmem>> -> memref<8x256xf32, #tpu.memory_space<vmem>>
    %dma_wait3A_571 = tpu.memref_slice %arg2[%select_n3A, %dma_wait3A_565, %add3A_74, %mul3A_76] : memref<4x19x512x512xf32, #tpu.memory_space<hbm>> -> memref<1x1x8x256xf32, #tpu.memory_space<hbm>>
    %dma_wait3A_572 = tpu.memref_squeeze %dma_wait3A_571 : memref<1x1x8x256xf32, #tpu.memory_space<hbm>> -> memref<8x256xf32, #tpu.memory_space<hbm>>
    %dma_wait3A_573 = arith.constant 0 : i32
    %dma_wait3A_574 = arith.constant 0 : i32
    %dma_wait3A_575 = tpu.memref_slice %arg4[%dma_wait3A_566, %dma_wait3A_573, %dma_wait3A_574] : memref<19x8x256xf32, #tpu.memory_space<vmem>> -> memref<1x8x256xf32, #tpu.memory_space<vmem>>
    %dma_wait3A_576 = tpu.memref_squeeze %dma_wait3A_575 : memref<1x8x256xf32, #tpu.memory_space<vmem>> -> memref<8x256xf32, #tpu.memory_space<vmem>>
    %dma_wait3A_577 = tpu.memref_slice %arg2[%select_n3A, %dma_wait3A_565, %add3A_74, %mul3A_76] : memref<4x19x512x512xf32, #tpu.memory_space<hbm>> -> memref<1x1x8x256xf32, #tpu.memory_space<hbm>>
    %dma_wait3A_578 = tpu.memref_squeeze %dma_wait3A_577 : memref<1x1x8x256xf32, #tpu.memory_space<hbm>> -> memref<8x256xf32, #tpu.memory_space<hbm>>
    tpu.wait_dma2 semaphore(%arg6 : memref<!tpu.dma_semaphore, #tpu.memory_space<semaphore_mem>>) src(%dma_wait3A_578 : memref<8x256xf32, #tpu.memory_space<hbm>>) dst(%dma_wait3A_576 : memref<8x256xf32, #tpu.memory_space<vmem>>)
    %dma_wait3A_579 = arith.constant 17 : i32
    %dma_wait3A_580 = arith.constant 17 : i32
    %dma_wait3A_581 = arith.constant 0 : i32
    %dma_wait3A_582 = arith.constant 0 : i32
    %dma_wait3A_583 = tpu.memref_slice %arg4[%dma_wait3A_580, %dma_wait3A_581, %dma_wait3A_582] : memref<19x8x256xf32, #tpu.memory_space<vmem>> -> memref<1x8x256xf32, #tpu.memory_space<vmem>>
    %dma_wait3A_584 = tpu.memref_squeeze %dma_wait3A_583 : memref<1x8x256xf32, #tpu.memory_space<vmem>> -> memref<8x256xf32, #tpu.memory_space<vmem>>
    %dma_wait3A_585 = tpu.memref_slice %arg2[%select_n3A, %dma_wait3A_579, %add3A_74, %mul3A_76] : memref<4x19x512x512xf32, #tpu.memory_space<hbm>> -> memref<1x1x8x256xf32, #tpu.memory_space<hbm>>
    %dma_wait3A_586 = tpu.memref_squeeze %dma_wait3A_585 : memref<1x1x8x256xf32, #tpu.memory_space<hbm>> -> memref<8x256xf32, #tpu.memory_space<hbm>>
    %dma_wait3A_587 = arith.constant 0 : i32
    %dma_wait3A_588 = arith.constant 0 : i32
    %dma_wait3A_589 = tpu.memref_slice %arg4[%dma_wait3A_580, %dma_wait3A_587, %dma_wait3A_588] : memref<19x8x256xf32, #tpu.memory_space<vmem>> -> memref<1x8x256xf32, #tpu.memory_space<vmem>>
    %dma_wait3A_590 = tpu.memref_squeeze %dma_wait3A_589 : memref<1x8x256xf32, #tpu.memory_space<vmem>> -> memref<8x256xf32, #tpu.memory_space<vmem>>
    %dma_wait3A_591 = tpu.memref_slice %arg2[%select_n3A, %dma_wait3A_579, %add3A_74, %mul3A_76] : memref<4x19x512x512xf32, #tpu.memory_space<hbm>> -> memref<1x1x8x256xf32, #tpu.memory_space<hbm>>
    %dma_wait3A_592 = tpu.memref_squeeze %dma_wait3A_591 : memref<1x1x8x256xf32, #tpu.memory_space<hbm>> -> memref<8x256xf32, #tpu.memory_space<hbm>>
    tpu.wait_dma2 semaphore(%arg6 : memref<!tpu.dma_semaphore, #tpu.memory_space<semaphore_mem>>) src(%dma_wait3A_592 : memref<8x256xf32, #tpu.memory_space<hbm>>) dst(%dma_wait3A_590 : memref<8x256xf32, #tpu.memory_space<vmem>>)
    %dma_wait3A_593 = arith.constant 18 : i32
    %dma_wait3A_594 = arith.constant 18 : i32
    %dma_wait3A_595 = arith.constant 0 : i32
    %dma_wait3A_596 = arith.constant 0 : i32
    %dma_wait3A_597 = tpu.memref_slice %arg4[%dma_wait3A_594, %dma_wait3A_595, %dma_wait3A_596] : memref<19x8x256xf32, #tpu.memory_space<vmem>> -> memref<1x8x256xf32, #tpu.memory_space<vmem>>
    %dma_wait3A_598 = tpu.memref_squeeze %dma_wait3A_597 : memref<1x8x256xf32, #tpu.memory_space<vmem>> -> memref<8x256xf32, #tpu.memory_space<vmem>>
    %dma_wait3A_599 = tpu.memref_slice %arg2[%select_n3A, %dma_wait3A_593, %add3A_74, %mul3A_76] : memref<4x19x512x512xf32, #tpu.memory_space<hbm>> -> memref<1x1x8x256xf32, #tpu.memory_space<hbm>>
    %dma_wait3A_600 = tpu.memref_squeeze %dma_wait3A_599 : memref<1x1x8x256xf32, #tpu.memory_space<hbm>> -> memref<8x256xf32, #tpu.memory_space<hbm>>
    %dma_wait3A_601 = arith.constant 0 : i32
    %dma_wait3A_602 = arith.constant 0 : i32
    %dma_wait3A_603 = tpu.memref_slice %arg4[%dma_wait3A_594, %dma_wait3A_601, %dma_wait3A_602] : memref<19x8x256xf32, #tpu.memory_space<vmem>> -> memref<1x8x256xf32, #tpu.memory_space<vmem>>
    %dma_wait3A_604 = tpu.memref_squeeze %dma_wait3A_603 : memref<1x8x256xf32, #tpu.memory_space<vmem>> -> memref<8x256xf32, #tpu.memory_space<vmem>>
    %dma_wait3A_605 = tpu.memref_slice %arg2[%select_n3A, %dma_wait3A_593, %add3A_74, %mul3A_76] : memref<4x19x512x512xf32, #tpu.memory_space<hbm>> -> memref<1x1x8x256xf32, #tpu.memory_space<hbm>>
    %dma_wait3A_606 = tpu.memref_squeeze %dma_wait3A_605 : memref<1x1x8x256xf32, #tpu.memory_space<hbm>> -> memref<8x256xf32, #tpu.memory_space<hbm>>
    tpu.wait_dma2 semaphore(%arg6 : memref<!tpu.dma_semaphore, #tpu.memory_space<semaphore_mem>>) src(%dma_wait3A_606 : memref<8x256xf32, #tpu.memory_space<hbm>>) dst(%dma_wait3A_604 : memref<8x256xf32, #tpu.memory_space<vmem>>)
    %broadcast_in_dim3A = arith.constant 0.000000e+00 : f32
    %broadcast_in_dim3A_607 = vector.broadcast %broadcast_in_dim3A : f32 to vector<16xf32>
    %broadcast_in_dim3A_608 = arith.constant 1.000000e+00 : f32
    %broadcast_in_dim3A_609 = vector.broadcast %broadcast_in_dim3A_608 : f32 to vector<16xf32>
    %scan3A = arith.constant 0 : i32
    %scan3A_610 = arith.constant 128 : i32
    %scan3A_611 = arith.addi %scan3A, %scan3A_610 : i32
    %scan3A_612 = arith.constant 1 : i32
    %scan3A_613:14 = scf.for %scan3A_736 = %scan3A to %scan3A_611 step %scan3A_612 iter_args(%scan3A_737 = %broadcast_in_dim3A_607, %scan3A_738 = %broadcast_in_dim3A_607, %scan3A_739 = %broadcast_in_dim3A_607, %scan3A_740 = %broadcast_in_dim3A_607, %scan3A_741 = %broadcast_in_dim3A_607, %scan3A_742 = %broadcast_in_dim3A_607, %scan3A_743 = %broadcast_in_dim3A_607, %scan3A_744 = %broadcast_in_dim3A_607, %scan3A_745 = %broadcast_in_dim3A_607, %scan3A_746 = %broadcast_in_dim3A_607, %scan3A_747 = %broadcast_in_dim3A_607, %scan3A_748 = %broadcast_in_dim3A_607, %scan3A_749 = %broadcast_in_dim3A_607, %scan3A_750 = %broadcast_in_dim3A_607) -> (vector<16xf32>, vector<16xf32>, vector<16xf32>, vector<16xf32>, vector<16xf32>, vector<16xf32>, vector<16xf32>, vector<16xf32>, vector<16xf32>, vector<16xf32>, vector<16xf32>, vector<16xf32>, vector<16xf32>, vector<16xf32>)  : i32 {
      %jit3A_751 = arith.constant 16 : i32
      %div3A_752 = arith.divsi %scan3A_736, %jit3A_751 : i32
      %sign3A_753 = arith.constant 0 : i32
      %sign3A_754 = arith.cmpi sgt, %scan3A_736, %sign3A_753 : i32
      %sign3A_755 = arith.extui %sign3A_754 : i1 to i32
      %sign3A_756 = arith.constant 0 : i32
      %sign3A_757 = arith.cmpi slt, %scan3A_736, %sign3A_756 : i32
      %sign3A_758 = arith.extui %sign3A_757 : i1 to i32
      %sign3A_759 = arith.subi %sign3A_755, %sign3A_758 : i32
      %sign3A_760 = arith.constant 0 : i32
      %sign3A_761 = arith.cmpi sgt, %jit3A_751, %sign3A_760 : i32
      %sign3A_762 = arith.extui %sign3A_761 : i1 to i32
      %sign3A_763 = arith.constant 0 : i32
      %sign3A_764 = arith.cmpi slt, %jit3A_751, %sign3A_763 : i32
      %sign3A_765 = arith.extui %sign3A_764 : i1 to i32
      %sign3A_766 = arith.subi %sign3A_762, %sign3A_765 : i32
      %ne3A_767 = arith.cmpi ne, %sign3A_759, %sign3A_766 : i32
      %rem3A_768 = arith.remsi %scan3A_736, %jit3A_751 : i32
      %ne3A_769 = arith.constant 0 : i32
      %ne3A_770 = arith.cmpi ne, %rem3A_768, %ne3A_769 : i32
      %and3A_771 = arith.andi %ne3A_767, %ne3A_770 : i1
      %sub3A_772 = arith.constant 1 : i32
      %sub3A_773 = arith.subi %div3A_752, %sub3A_772 : i32
      %select_n3A_774 = arith.select %and3A_771, %sub3A_773, %div3A_752 : i32
      %jit3A_775 = arith.constant 16 : i32
      %eq3A_776 = arith.constant 0 : i32
      %eq3A_777 = arith.cmpi eq, %jit3A_775, %eq3A_776 : i32
      %jit3A_778 = arith.constant 1 : i32
      %select_n3A_779 = arith.select %eq3A_777, %jit3A_778, %jit3A_775 : i32
      %rem3A_780 = arith.remsi %scan3A_736, %select_n3A_779 : i32
      %ne3A_781 = arith.constant 0 : i32
      %ne3A_782 = arith.cmpi ne, %rem3A_780, %ne3A_781 : i32
      %lt3A_783 = arith.constant 0 : i32
      %lt3A_784 = arith.cmpi slt, %rem3A_780, %lt3A_783 : i32
      %lt3A_785 = arith.constant 0 : i32
      %lt3A_786 = arith.cmpi slt, %select_n3A_779, %lt3A_785 : i32
      %ne3A_787 = arith.xori %lt3A_784, %lt3A_786 : i1
      %and3A_788 = arith.andi %ne3A_787, %ne3A_782 : i1
      %add3A_789 = arith.addi %rem3A_780, %select_n3A_779 : i32
      %select_n3A_790 = arith.select %and3A_788, %add3A_789, %rem3A_780 : i32
      %mul3A_791 = arith.constant 16 : i32
      %mul3A_792 = arith.muli %select_n3A_790, %mul3A_791 : i32
      %get3A = arith.constant 0 : i32
      %get3A_793 = arith.index_cast %get3A : i32 to index
      %get3A_794 = arith.index_cast %select_n3A_774 : i32 to index
      %get3A_795 = arith.index_cast %mul3A_792 : i32 to index
      %get3A_796 = tpu.vector_load %arg4[%get3A_793, %get3A_794, %get3A_795] {strides = array<i32>} : memref<19x8x256xf32, #tpu.memory_space<vmem>>, vector<1x1x16xf32>,
      %get3A_797 = vector.shape_cast %get3A_796 : vector<1x1x16xf32> to vector<16xf32>
      %get3A_798 = arith.constant 1 : i32
      %get3A_799 = arith.index_cast %get3A_798 : i32 to index
      %get3A_800 = arith.index_cast %select_n3A_774 : i32 to index
      %get3A_801 = arith.index_cast %mul3A_792 : i32 to index
      %get3A_802 = tpu.vector_load %arg4[%get3A_799, %get3A_800, %get3A_801] {strides = array<i32>} : memref<19x8x256xf32, #tpu.memory_space<vmem>>, vector<1x1x16xf32>,
      %get3A_803 = vector.shape_cast %get3A_802 : vector<1x1x16xf32> to vector<16xf32>
      %get3A_804 = arith.constant 2 : i32
      %get3A_805 = arith.index_cast %get3A_804 : i32 to index
      %get3A_806 = arith.index_cast %select_n3A_774 : i32 to index
      %get3A_807 = arith.index_cast %mul3A_792 : i32 to index
      %get3A_808 = tpu.vector_load %arg4[%get3A_805, %get3A_806, %get3A_807] {strides = array<i32>} : memref<19x8x256xf32, #tpu.memory_space<vmem>>, vector<1x1x16xf32>,
      %get3A_809 = vector.shape_cast %get3A_808 : vector<1x1x16xf32> to vector<16xf32>
      %get3A_810 = arith.constant 3 : i32
      %get3A_811 = arith.index_cast %get3A_810 : i32 to index
      %get3A_812 = arith.index_cast %select_n3A_774 : i32 to index
      %get3A_813 = arith.index_cast %mul3A_792 : i32 to index
      %get3A_814 = tpu.vector_load %arg4[%get3A_811, %get3A_812, %get3A_813] {strides = array<i32>} : memref<19x8x256xf32, #tpu.memory_space<vmem>>, vector<1x1x16xf32>,
      %get3A_815 = vector.shape_cast %get3A_814 : vector<1x1x16xf32> to vector<16xf32>
      %get3A_816 = arith.constant 4 : i32
      %get3A_817 = arith.index_cast %get3A_816 : i32 to index
      %get3A_818 = arith.index_cast %select_n3A_774 : i32 to index
      %get3A_819 = arith.index_cast %mul3A_792 : i32 to index
      %get3A_820 = tpu.vector_load %arg4[%get3A_817, %get3A_818, %get3A_819] {strides = array<i32>} : memref<19x8x256xf32, #tpu.memory_space<vmem>>, vector<1x1x16xf32>,
      %get3A_821 = vector.shape_cast %get3A_820 : vector<1x1x16xf32> to vector<16xf32>
      %get3A_822 = arith.constant 5 : i32
      %get3A_823 = arith.index_cast %get3A_822 : i32 to index
      %get3A_824 = arith.index_cast %select_n3A_774 : i32 to index
      %get3A_825 = arith.index_cast %mul3A_792 : i32 to index
      %get3A_826 = tpu.vector_load %arg4[%get3A_823, %get3A_824, %get3A_825] {strides = array<i32>} : memref<19x8x256xf32, #tpu.memory_space<vmem>>, vector<1x1x16xf32>,
      %get3A_827 = vector.shape_cast %get3A_826 : vector<1x1x16xf32> to vector<16xf32>
      %get3A_828 = arith.constant 6 : i32
      %get3A_829 = arith.index_cast %get3A_828 : i32 to index
      %get3A_830 = arith.index_cast %select_n3A_774 : i32 to index
      %get3A_831 = arith.index_cast %mul3A_792 : i32 to index
      %get3A_832 = tpu.vector_load %arg4[%get3A_829, %get3A_830, %get3A_831] {strides = array<i32>} : memref<19x8x256xf32, #tpu.memory_space<vmem>>, vector<1x1x16xf32>,
      %get3A_833 = vector.shape_cast %get3A_832 : vector<1x1x16xf32> to vector<16xf32>
      %get3A_834 = arith.constant 7 : i32
      %get3A_835 = arith.index_cast %get3A_834 : i32 to index
      %get3A_836 = arith.index_cast %select_n3A_774 : i32 to index
      %get3A_837 = arith.index_cast %mul3A_792 : i32 to index
      %get3A_838 = tpu.vector_load %arg4[%get3A_835, %get3A_836, %get3A_837] {strides = array<i32>} : memref<19x8x256xf32, #tpu.memory_space<vmem>>, vector<1x1x16xf32>,
      %get3A_839 = vector.shape_cast %get3A_838 : vector<1x1x16xf32> to vector<16xf32>
      %get3A_840 = arith.constant 8 : i32
      %get3A_841 = arith.index_cast %get3A_840 : i32 to index
      %get3A_842 = arith.index_cast %select_n3A_774 : i32 to index
      %get3A_843 = arith.index_cast %mul3A_792 : i32 to index
      %get3A_844 = tpu.vector_load %arg4[%get3A_841, %get3A_842, %get3A_843] {strides = array<i32>} : memref<19x8x256xf32, #tpu.memory_space<vmem>>, vector<1x1x16xf32>,
      %get3A_845 = vector.shape_cast %get3A_844 : vector<1x1x16xf32> to vector<16xf32>
      %get3A_846 = arith.constant 9 : i32
      %get3A_847 = arith.index_cast %get3A_846 : i32 to index
      %get3A_848 = arith.index_cast %select_n3A_774 : i32 to index
      %get3A_849 = arith.index_cast %mul3A_792 : i32 to index
      %get3A_850 = tpu.vector_load %arg4[%get3A_847, %get3A_848, %get3A_849] {strides = array<i32>} : memref<19x8x256xf32, #tpu.memory_space<vmem>>, vector<1x1x16xf32>,
      %get3A_851 = vector.shape_cast %get3A_850 : vector<1x1x16xf32> to vector<16xf32>
      %get3A_852 = arith.constant 10 : i32
      %get3A_853 = arith.index_cast %get3A_852 : i32 to index
      %get3A_854 = arith.index_cast %select_n3A_774 : i32 to index
      %get3A_855 = arith.index_cast %mul3A_792 : i32 to index
      %get3A_856 = tpu.vector_load %arg4[%get3A_853, %get3A_854, %get3A_855] {strides = array<i32>} : memref<19x8x256xf32, #tpu.memory_space<vmem>>, vector<1x1x16xf32>,
      %get3A_857 = vector.shape_cast %get3A_856 : vector<1x1x16xf32> to vector<16xf32>
      %get3A_858 = arith.constant 11 : i32
      %get3A_859 = arith.index_cast %get3A_858 : i32 to index
      %get3A_860 = arith.index_cast %select_n3A_774 : i32 to index
      %get3A_861 = arith.index_cast %mul3A_792 : i32 to index
      %get3A_862 = tpu.vector_load %arg4[%get3A_859, %get3A_860, %get3A_861] {strides = array<i32>} : memref<19x8x256xf32, #tpu.memory_space<vmem>>, vector<1x1x16xf32>,
      %get3A_863 = vector.shape_cast %get3A_862 : vector<1x1x16xf32> to vector<16xf32>
      %get3A_864 = arith.constant 12 : i32
      %get3A_865 = arith.index_cast %get3A_864 : i32 to index
      %get3A_866 = arith.index_cast %select_n3A_774 : i32 to index
      %get3A_867 = arith.index_cast %mul3A_792 : i32 to index
      %get3A_868 = tpu.vector_load %arg4[%get3A_865, %get3A_866, %get3A_867] {strides = array<i32>} : memref<19x8x256xf32, #tpu.memory_space<vmem>>, vector<1x1x16xf32>,
      %get3A_869 = vector.shape_cast %get3A_868 : vector<1x1x16xf32> to vector<16xf32>
      %get3A_870 = arith.constant 13 : i32
      %get3A_871 = arith.index_cast %get3A_870 : i32 to index
      %get3A_872 = arith.index_cast %select_n3A_774 : i32 to index
      %get3A_873 = arith.index_cast %mul3A_792 : i32 to index
      %get3A_874 = tpu.vector_load %arg4[%get3A_871, %get3A_872, %get3A_873] {strides = array<i32>} : memref<19x8x256xf32, #tpu.memory_space<vmem>>, vector<1x1x16xf32>,
      %get3A_875 = vector.shape_cast %get3A_874 : vector<1x1x16xf32> to vector<16xf32>
      %get3A_876 = arith.constant 14 : i32
      %get3A_877 = arith.index_cast %get3A_876 : i32 to index
      %get3A_878 = arith.index_cast %select_n3A_774 : i32 to index
      %get3A_879 = arith.index_cast %mul3A_792 : i32 to index
      %get3A_880 = tpu.vector_load %arg4[%get3A_877, %get3A_878, %get3A_879] {strides = array<i32>} : memref<19x8x256xf32, #tpu.memory_space<vmem>>, vector<1x1x16xf32>,
      %get3A_881 = vector.shape_cast %get3A_880 : vector<1x1x16xf32> to vector<16xf32>
      %get3A_882 = arith.constant 15 : i32
      %get3A_883 = arith.index_cast %get3A_882 : i32 to index
      %get3A_884 = arith.index_cast %select_n3A_774 : i32 to index
      %get3A_885 = arith.index_cast %mul3A_792 : i32 to index
      %get3A_886 = tpu.vector_load %arg4[%get3A_883, %get3A_884, %get3A_885] {strides = array<i32>} : memref<19x8x256xf32, #tpu.memory_space<vmem>>, vector<1x1x16xf32>,
      %get3A_887 = vector.shape_cast %get3A_886 : vector<1x1x16xf32> to vector<16xf32>
      %get3A_888 = arith.constant 16 : i32
      %get3A_889 = arith.index_cast %get3A_888 : i32 to index
      %get3A_890 = arith.index_cast %select_n3A_774 : i32 to index
      %get3A_891 = arith.index_cast %mul3A_792 : i32 to index
      %get3A_892 = tpu.vector_load %arg4[%get3A_889, %get3A_890, %get3A_891] {strides = array<i32>} : memref<19x8x256xf32, #tpu.memory_space<vmem>>, vector<1x1x16xf32>,
      %get3A_893 = vector.shape_cast %get3A_892 : vector<1x1x16xf32> to vector<16xf32>
      %get3A_894 = arith.constant 17 : i32
      %get3A_895 = arith.index_cast %get3A_894 : i32 to index
      %get3A_896 = arith.index_cast %select_n3A_774 : i32 to index
      %get3A_897 = arith.index_cast %mul3A_792 : i32 to index
      %get3A_898 = tpu.vector_load %arg4[%get3A_895, %get3A_896, %get3A_897] {strides = array<i32>} : memref<19x8x256xf32, #tpu.memory_space<vmem>>, vector<1x1x16xf32>,
      %get3A_899 = vector.shape_cast %get3A_898 : vector<1x1x16xf32> to vector<16xf32>
      %get3A_900 = arith.constant 18 : i32
      %get3A_901 = arith.index_cast %get3A_900 : i32 to index
      %get3A_902 = arith.index_cast %select_n3A_774 : i32 to index
      %get3A_903 = arith.index_cast %mul3A_792 : i32 to index
      %get3A_904 = tpu.vector_load %arg4[%get3A_901, %get3A_902, %get3A_903] {strides = array<i32>} : memref<19x8x256xf32, #tpu.memory_space<vmem>>, vector<1x1x16xf32>,
      %get3A_905 = vector.shape_cast %get3A_904 : vector<1x1x16xf32> to vector<16xf32>
      %add3A_906 = arith.addf %get3A_797, %get3A_803 : vector<16xf32>
      %add3A_907 = arith.addf %get3A_809, %get3A_815 : vector<16xf32>
      %add3A_908 = arith.addf %add3A_907, %get3A_821 : vector<16xf32>
      %add3A_909 = arith.addf %get3A_827, %get3A_833 : vector<16xf32>
      %add3A_910 = arith.addf %add3A_909, %get3A_839 : vector<16xf32>
      %add3A_911 = arith.addf %get3A_845, %get3A_851 : vector<16xf32>
      %add3A_912 = arith.addf %get3A_863, %get3A_869 : vector<16xf32>
      %add3A_913 = arith.addf %get3A_875, %get3A_881 : vector<16xf32>
      %add3A_914 = arith.addf %add3A_913, %get3A_887 : vector<16xf32>
      %add3A_915 = arith.addf %add3A_914, %get3A_893 : vector<16xf32>
      %add3A_916 = arith.addf %add3A_915, %get3A_899 : vector<16xf32>
      %add3A_917 = arith.addf %add3A_916, %get3A_905 : vector<16xf32>
      %exp3A = math.exp %get3A_797 : vector<16xf32>
      %exp3A_918 = math.exp %get3A_803 : vector<16xf32>
      %exp3A_919 = math.exp %get3A_809 : vector<16xf32>
      %exp3A_920 = math.exp %get3A_815 : vector<16xf32>
      %exp3A_921 = math.exp %get3A_821 : vector<16xf32>
      %exp3A_922 = math.exp %get3A_827 : vector<16xf32>
      %exp3A_923 = math.exp %get3A_833 : vector<16xf32>
      %exp3A_924 = math.exp %get3A_839 : vector<16xf32>
      %exp3A_925 = math.exp %get3A_845 : vector<16xf32>
      %exp3A_926 = math.exp %get3A_851 : vector<16xf32>
      %exp3A_927 = math.exp %get3A_857 : vector<16xf32>
      %exp3A_928 = math.exp %get3A_863 : vector<16xf32>
      %exp3A_929 = math.exp %get3A_869 : vector<16xf32>
      %exp3A_930 = math.exp %get3A_875 : vector<16xf32>
      %exp3A_931 = math.exp %get3A_881 : vector<16xf32>
      %exp3A_932 = math.exp %get3A_887 : vector<16xf32>
      %exp3A_933 = math.exp %get3A_893 : vector<16xf32>
      %exp3A_934 = math.exp %get3A_899 : vector<16xf32>
      %exp3A_935 = math.exp %get3A_905 : vector<16xf32>
      %add3A_936 = arith.addf %exp3A, %exp3A_918 : vector<16xf32>
      %add3A_937 = arith.addf %add3A_936, %exp3A_919 : vector<16xf32>
      %add3A_938 = arith.addf %add3A_937, %exp3A_920 : vector<16xf32>
      %add3A_939 = arith.addf %add3A_938, %exp3A_921 : vector<16xf32>
      %add3A_940 = arith.addf %add3A_939, %exp3A_922 : vector<16xf32>
      %add3A_941 = arith.addf %add3A_940, %exp3A_923 : vector<16xf32>
      %add3A_942 = arith.addf %add3A_941, %exp3A_924 : vector<16xf32>
      %add3A_943 = arith.addf %add3A_942, %exp3A_925 : vector<16xf32>
      %add3A_944 = arith.addf %add3A_943, %exp3A_926 : vector<16xf32>
      %add3A_945 = arith.addf %add3A_944, %exp3A_927 : vector<16xf32>
      %add3A_946 = arith.addf %add3A_945, %exp3A_928 : vector<16xf32>
      %add3A_947 = arith.addf %add3A_946, %exp3A_929 : vector<16xf32>
      %add3A_948 = arith.addf %add3A_947, %exp3A_930 : vector<16xf32>
      %add3A_949 = arith.addf %add3A_948, %exp3A_931 : vector<16xf32>
      %add3A_950 = arith.addf %add3A_949, %exp3A_932 : vector<16xf32>
      %add3A_951 = arith.addf %add3A_950, %exp3A_933 : vector<16xf32>
      %add3A_952 = arith.addf %add3A_951, %exp3A_934 : vector<16xf32>
      %add3A_953 = arith.addf %add3A_952, %exp3A_935 : vector<16xf32>
      %div3A_954 = arith.divf %exp3A_927, %add3A_953 : vector<16xf32>
      %mul3A_955 = arith.mulf %add3A_906, %add3A_906 : vector<16xf32>
      %broadcast_in_dim3A_956 = arith.constant 0 : i32
      %broadcast_in_dim3A_957 = vector.broadcast %broadcast_in_dim3A_956 : i32 to vector<16xi32>
      %mul3A_958 = arith.mulf %add3A_908, %add3A_908 : vector<16xf32>
      %add3A_959 = arith.addf %mul3A_955, %mul3A_958 : vector<16xf32>
      %gt3A = arith.cmpf ogt, %add3A_908, %add3A_906 : vector<16xf32>
      %select_n3A_960 = arith.select %gt3A, %add3A_908, %add3A_906 : vector<16xi1>, vector<16xf32>
      %jit3A_961 = arith.constant 1 : i32
      %broadcast_in_dim3A_962 = vector.broadcast %jit3A_961 : i32 to vector<16xi32>
      %select_n3A_963 = arith.select %gt3A, %broadcast_in_dim3A_962, %broadcast_in_dim3A_957 : vector<16xi1>, vector<16xi32>
      %mul3A_964 = arith.mulf %add3A_910, %add3A_910 : vector<16xf32>
      %add3A_965 = arith.addf %add3A_959, %mul3A_964 : vector<16xf32>
      %gt3A_966 = arith.cmpf ogt, %add3A_910, %select_n3A_960 : vector<16xf32>
      %select_n3A_967 = arith.select %gt3A_966, %add3A_910, %select_n3A_960 : vector<16xi1>, vector<16xf32>
      %jit3A_968 = arith.constant 2 : i32
      %broadcast_in_dim3A_969 = vector.broadcast %jit3A_968 : i32 to vector<16xi32>
      %select_n3A_970 = arith.select %gt3A_966, %broadcast_in_dim3A_969, %select_n3A_963 : vector<16xi1>, vector<16xi32>
      %mul3A_971 = arith.mulf %add3A_911, %add3A_911 : vector<16xf32>
      %add3A_972 = arith.addf %add3A_965, %mul3A_971 : vector<16xf32>
      %gt3A_973 = arith.cmpf ogt, %add3A_911, %select_n3A_967 : vector<16xf32>
      %select_n3A_974 = arith.select %gt3A_973, %add3A_911, %select_n3A_967 : vector<16xi1>, vector<16xf32>
      %jit3A_975 = arith.constant 3 : i32
      %broadcast_in_dim3A_976 = vector.broadcast %jit3A_975 : i32 to vector<16xi32>
      %select_n3A_977 = arith.select %gt3A_973, %broadcast_in_dim3A_976, %select_n3A_970 : vector<16xi1>, vector<16xi32>
      %mul3A_978 = arith.mulf %div3A_954, %div3A_954 : vector<16xf32>
      %add3A_979 = arith.addf %add3A_972, %mul3A_978 : vector<16xf32>
      %gt3A_980 = arith.cmpf ogt, %div3A_954, %select_n3A_974 : vector<16xf32>
      %select_n3A_981 = arith.select %gt3A_980, %div3A_954, %select_n3A_974 : vector<16xi1>, vector<16xf32>
      %jit3A_982 = arith.constant 4 : i32
      %broadcast_in_dim3A_983 = vector.broadcast %jit3A_982 : i32 to vector<16xi32>
      %select_n3A_984 = arith.select %gt3A_980, %broadcast_in_dim3A_983, %select_n3A_977 : vector<16xi1>, vector<16xi32>
      %mul3A_985 = arith.mulf %add3A_912, %add3A_912 : vector<16xf32>
      %add3A_986 = arith.addf %add3A_979, %mul3A_985 : vector<16xf32>
      %gt3A_987 = arith.cmpf ogt, %add3A_912, %select_n3A_981 : vector<16xf32>
      %select_n3A_988 = arith.select %gt3A_987, %add3A_912, %select_n3A_981 : vector<16xi1>, vector<16xf32>
      %jit3A_989 = arith.constant 5 : i32
      %broadcast_in_dim3A_990 = vector.broadcast %jit3A_989 : i32 to vector<16xi32>
      %select_n3A_991 = arith.select %gt3A_987, %broadcast_in_dim3A_990, %select_n3A_984 : vector<16xi1>, vector<16xi32>
      %mul3A_992 = arith.mulf %add3A_917, %add3A_917 : vector<16xf32>
      %add3A_993 = arith.addf %add3A_986, %mul3A_992 : vector<16xf32>
      %gt3A_994 = arith.cmpf ogt, %add3A_917, %select_n3A_988 : vector<16xf32>
      %select_n3A_995 = arith.select %gt3A_994, %add3A_917, %select_n3A_988 : vector<16xi1>, vector<16xf32>
      %jit3A_996 = arith.constant 6 : i32
      %broadcast_in_dim3A_997 = vector.broadcast %jit3A_996 : i32 to vector<16xi32>
      %select_n3A_998 = arith.select %gt3A_994, %broadcast_in_dim3A_997, %select_n3A_991 : vector<16xi1>, vector<16xi32>
      %eq3A_999 = arith.constant 0 : i32
      %eq3A_1000 = vector.broadcast %eq3A_999 : i32 to vector<16xi32>
      %eq3A_1001 = arith.cmpi eq, %select_n3A_998, %eq3A_1000 : vector<16xi32>
      %select_n3A_1002 = arith.select %eq3A_1001, %broadcast_in_dim3A_609, %broadcast_in_dim3A_607 : vector<16xi1>, vector<16xf32>
      %mul3A_1003 = arith.mulf %select_n3A_1002, %add3A_993 : vector<16xf32>
      %add3A_1004 = arith.addf %scan3A_737, %mul3A_1003 : vector<16xf32>
      %add3A_1005 = arith.addf %scan3A_744, %select_n3A_1002 : vector<16xf32>
      %eq3A_1006 = arith.constant 1 : i32
      %eq3A_1007 = vector.broadcast %eq3A_1006 : i32 to vector<16xi32>
      %eq3A_1008 = arith.cmpi eq, %select_n3A_998, %eq3A_1007 : vector<16xi32>
      %select_n3A_1009 = arith.select %eq3A_1008, %broadcast_in_dim3A_609, %broadcast_in_dim3A_607 : vector<16xi1>, vector<16xf32>
      %mul3A_1010 = arith.mulf %select_n3A_1009, %add3A_993 : vector<16xf32>
      %add3A_1011 = arith.addf %scan3A_738, %mul3A_1010 : vector<16xf32>
      %add3A_1012 = arith.addf %scan3A_745, %select_n3A_1009 : vector<16xf32>
      %eq3A_1013 = arith.constant 2 : i32
      %eq3A_1014 = vector.broadcast %eq3A_1013 : i32 to vector<16xi32>
      %eq3A_1015 = arith.cmpi eq, %select_n3A_998, %eq3A_1014 : vector<16xi32>
      %select_n3A_1016 = arith.select %eq3A_1015, %broadcast_in_dim3A_609, %broadcast_in_dim3A_607 : vector<16xi1>, vector<16xf32>
      %mul3A_1017 = arith.mulf %select_n3A_1016, %add3A_993 : vector<16xf32>
      %add3A_1018 = arith.addf %scan3A_739, %mul3A_1017 : vector<16xf32>
      %add3A_1019 = arith.addf %scan3A_746, %select_n3A_1016 : vector<16xf32>
      %eq3A_1020 = arith.constant 3 : i32
      %eq3A_1021 = vector.broadcast %eq3A_1020 : i32 to vector<16xi32>
      %eq3A_1022 = arith.cmpi eq, %select_n3A_998, %eq3A_1021 : vector<16xi32>
      %select_n3A_1023 = arith.select %eq3A_1022, %broadcast_in_dim3A_609, %broadcast_in_dim3A_607 : vector<16xi1>, vector<16xf32>
      %mul3A_1024 = arith.mulf %select_n3A_1023, %add3A_993 : vector<16xf32>
      %add3A_1025 = arith.addf %scan3A_740, %mul3A_1024 : vector<16xf32>
      %add3A_1026 = arith.addf %scan3A_747, %select_n3A_1023 : vector<16xf32>
      %eq3A_1027 = arith.constant 4 : i32
      %eq3A_1028 = vector.broadcast %eq3A_1027 : i32 to vector<16xi32>
      %eq3A_1029 = arith.cmpi eq, %select_n3A_998, %eq3A_1028 : vector<16xi32>
      %select_n3A_1030 = arith.select %eq3A_1029, %broadcast_in_dim3A_609, %broadcast_in_dim3A_607 : vector<16xi1>, vector<16xf32>
      %mul3A_1031 = arith.mulf %select_n3A_1030, %add3A_993 : vector<16xf32>
      %add3A_1032 = arith.addf %scan3A_741, %mul3A_1031 : vector<16xf32>
      %add3A_1033 = arith.addf %scan3A_748, %select_n3A_1030 : vector<16xf32>
      %eq3A_1034 = arith.constant 5 : i32
      %eq3A_1035 = vector.broadcast %eq3A_1034 : i32 to vector<16xi32>
      %eq3A_1036 = arith.cmpi eq, %select_n3A_998, %eq3A_1035 : vector<16xi32>
      %select_n3A_1037 = arith.select %eq3A_1036, %broadcast_in_dim3A_609, %broadcast_in_dim3A_607 : vector<16xi1>, vector<16xf32>
      %mul3A_1038 = arith.mulf %select_n3A_1037, %add3A_993 : vector<16xf32>
      %add3A_1039 = arith.addf %scan3A_742, %mul3A_1038 : vector<16xf32>
      %add3A_1040 = arith.addf %scan3A_749, %select_n3A_1037 : vector<16xf32>
      %eq3A_1041 = arith.constant 6 : i32
      %eq3A_1042 = vector.broadcast %eq3A_1041 : i32 to vector<16xi32>
      %eq3A_1043 = arith.cmpi eq, %select_n3A_998, %eq3A_1042 : vector<16xi32>
      %select_n3A_1044 = arith.select %eq3A_1043, %broadcast_in_dim3A_609, %broadcast_in_dim3A_607 : vector<16xi1>, vector<16xf32>
      %mul3A_1045 = arith.mulf %select_n3A_1044, %add3A_993 : vector<16xf32>
      %add3A_1046 = arith.addf %scan3A_743, %mul3A_1045 : vector<16xf32>
      %add3A_1047 = arith.addf %scan3A_750, %select_n3A_1044 : vector<16xf32>
      scf.yield %add3A_1004, %add3A_1011, %add3A_1018, %add3A_1025, %add3A_1032, %add3A_1039, %add3A_1046, %add3A_1005, %add3A_1012, %add3A_1019, %add3A_1026, %add3A_1033, %add3A_1040, %add3A_1047 : vector<16xf32>, vector<16xf32>, vector<16xf32>, vector<16xf32>, vector<16xf32>, vector<16xf32>, vector<16xf32>, vector<16xf32>, vector<16xf32>, vector<16xf32>, vector<16xf32>, vector<16xf32>, vector<16xf32>, vector<16xf32>
    }
    %scan3A_614 = arith.constant 128 : i32
    %swap3A = arith.constant 0 : index
    %swap3A_615 = tpu.vector_load %arg5[%swap3A] {strides = array<i32>} : memref<256xf32, #tpu.memory_space<vmem>>, vector<16xf32>,
    %swap3A_616 = vector.shape_cast %swap3A_615 : vector<16xf32> to vector<16xf32>
    %swap3A_617 = vector.shape_cast %broadcast_in_dim3A_607 : vector<16xf32> to vector<16xf32>
    tpu.vector_store %arg5[%swap3A], %swap3A_617 {strides = array<i32>} : memref<256xf32, #tpu.memory_space<vmem>>, vector<16xf32>,
    %swap3A_618 = arith.constant 16 : index
    %swap3A_619 = tpu.vector_load %arg5[%swap3A_618] {strides = array<i32>} : memref<256xf32, #tpu.memory_space<vmem>>, vector<16xf32>,
    %swap3A_620 = vector.shape_cast %swap3A_619 : vector<16xf32> to vector<16xf32>
    %swap3A_621 = vector.shape_cast %broadcast_in_dim3A_607 : vector<16xf32> to vector<16xf32>
    tpu.vector_store %arg5[%swap3A_618], %swap3A_621 {strides = array<i32>} : memref<256xf32, #tpu.memory_space<vmem>>, vector<16xf32>,
    %swap3A_622 = arith.constant 32 : index
    %swap3A_623 = tpu.vector_load %arg5[%swap3A_622] {strides = array<i32>} : memref<256xf32, #tpu.memory_space<vmem>>, vector<16xf32>,
    %swap3A_624 = vector.shape_cast %swap3A_623 : vector<16xf32> to vector<16xf32>
    %swap3A_625 = vector.shape_cast %broadcast_in_dim3A_607 : vector<16xf32> to vector<16xf32>
    tpu.vector_store %arg5[%swap3A_622], %swap3A_625 {strides = array<i32>} : memref<256xf32, #tpu.memory_space<vmem>>, vector<16xf32>,
    %swap3A_626 = arith.constant 48 : index
    %swap3A_627 = tpu.vector_load %arg5[%swap3A_626] {strides = array<i32>} : memref<256xf32, #tpu.memory_space<vmem>>, vector<16xf32>,
    %swap3A_628 = vector.shape_cast %swap3A_627 : vector<16xf32> to vector<16xf32>
    %swap3A_629 = vector.shape_cast %broadcast_in_dim3A_607 : vector<16xf32> to vector<16xf32>
    tpu.vector_store %arg5[%swap3A_626], %swap3A_629 {strides = array<i32>} : memref<256xf32, #tpu.memory_space<vmem>>, vector<16xf32>,
    %swap3A_630 = arith.constant 64 : index
    %swap3A_631 = tpu.vector_load %arg5[%swap3A_630] {strides = array<i32>} : memref<256xf32, #tpu.memory_space<vmem>>, vector<16xf32>,
    %swap3A_632 = vector.shape_cast %swap3A_631 : vector<16xf32> to vector<16xf32>
    %swap3A_633 = vector.shape_cast %broadcast_in_dim3A_607 : vector<16xf32> to vector<16xf32>
    tpu.vector_store %arg5[%swap3A_630], %swap3A_633 {strides = array<i32>} : memref<256xf32, #tpu.memory_space<vmem>>, vector<16xf32>,
    %swap3A_634 = arith.constant 80 : index
    %swap3A_635 = tpu.vector_load %arg5[%swap3A_634] {strides = array<i32>} : memref<256xf32, #tpu.memory_space<vmem>>, vector<16xf32>,
    %swap3A_636 = vector.shape_cast %swap3A_635 : vector<16xf32> to vector<16xf32>
    %swap3A_637 = vector.shape_cast %broadcast_in_dim3A_607 : vector<16xf32> to vector<16xf32>
    tpu.vector_store %arg5[%swap3A_634], %swap3A_637 {strides = array<i32>} : memref<256xf32, #tpu.memory_space<vmem>>, vector<16xf32>,
    %swap3A_638 = arith.constant 96 : index
    %swap3A_639 = tpu.vector_load %arg5[%swap3A_638] {strides = array<i32>} : memref<256xf32, #tpu.memory_space<vmem>>, vector<16xf32>,
    %swap3A_640 = vector.shape_cast %swap3A_639 : vector<16xf32> to vector<16xf32>
    %swap3A_641 = vector.shape_cast %broadcast_in_dim3A_607 : vector<16xf32> to vector<16xf32>
    tpu.vector_store %arg5[%swap3A_638], %swap3A_641 {strides = array<i32>} : memref<256xf32, #tpu.memory_space<vmem>>, vector<16xf32>,
    %swap3A_642 = arith.constant 112 : index
    %swap3A_643 = tpu.vector_load %arg5[%swap3A_642] {strides = array<i32>} : memref<256xf32, #tpu.memory_space<vmem>>, vector<16xf32>,
    %swap3A_644 = vector.shape_cast %swap3A_643 : vector<16xf32> to vector<16xf32>
    %swap3A_645 = vector.shape_cast %broadcast_in_dim3A_607 : vector<16xf32> to vector<16xf32>
    tpu.vector_store %arg5[%swap3A_642], %swap3A_645 {strides = array<i32>} : memref<256xf32, #tpu.memory_space<vmem>>, vector<16xf32>,
    %swap3A_646 = arith.constant 128 : index
    %swap3A_647 = tpu.vector_load %arg5[%swap3A_646] {strides = array<i32>} : memref<256xf32, #tpu.memory_space<vmem>>, vector<16xf32>,
    %swap3A_648 = vector.shape_cast %swap3A_647 : vector<16xf32> to vector<16xf32>
    %swap3A_649 = vector.shape_cast %broadcast_in_dim3A_607 : vector<16xf32> to vector<16xf32>
    tpu.vector_store %arg5[%swap3A_646], %swap3A_649 {strides = array<i32>} : memref<256xf32, #tpu.memory_space<vmem>>, vector<16xf32>,
    %swap3A_650 = arith.constant 144 : index
    %swap3A_651 = tpu.vector_load %arg5[%swap3A_650] {strides = array<i32>} : memref<256xf32, #tpu.memory_space<vmem>>, vector<16xf32>,
    %swap3A_652 = vector.shape_cast %swap3A_651 : vector<16xf32> to vector<16xf32>
    %swap3A_653 = vector.shape_cast %broadcast_in_dim3A_607 : vector<16xf32> to vector<16xf32>
    tpu.vector_store %arg5[%swap3A_650], %swap3A_653 {strides = array<i32>} : memref<256xf32, #tpu.memory_space<vmem>>, vector<16xf32>,
    %swap3A_654 = arith.constant 160 : index
    %swap3A_655 = tpu.vector_load %arg5[%swap3A_654] {strides = array<i32>} : memref<256xf32, #tpu.memory_space<vmem>>, vector<16xf32>,
    %swap3A_656 = vector.shape_cast %swap3A_655 : vector<16xf32> to vector<16xf32>
    %swap3A_657 = vector.shape_cast %broadcast_in_dim3A_607 : vector<16xf32> to vector<16xf32>
    tpu.vector_store %arg5[%swap3A_654], %swap3A_657 {strides = array<i32>} : memref<256xf32, #tpu.memory_space<vmem>>, vector<16xf32>,
    %swap3A_658 = arith.constant 176 : index
    %swap3A_659 = tpu.vector_load %arg5[%swap3A_658] {strides = array<i32>} : memref<256xf32, #tpu.memory_space<vmem>>, vector<16xf32>,
    %swap3A_660 = vector.shape_cast %swap3A_659 : vector<16xf32> to vector<16xf32>
    %swap3A_661 = vector.shape_cast %broadcast_in_dim3A_607 : vector<16xf32> to vector<16xf32>
    tpu.vector_store %arg5[%swap3A_658], %swap3A_661 {strides = array<i32>} : memref<256xf32, #tpu.memory_space<vmem>>, vector<16xf32>,
    %swap3A_662 = arith.constant 192 : index
    %swap3A_663 = tpu.vector_load %arg5[%swap3A_662] {strides = array<i32>} : memref<256xf32, #tpu.memory_space<vmem>>, vector<16xf32>,
    %swap3A_664 = vector.shape_cast %swap3A_663 : vector<16xf32> to vector<16xf32>
    %swap3A_665 = vector.shape_cast %broadcast_in_dim3A_607 : vector<16xf32> to vector<16xf32>
    tpu.vector_store %arg5[%swap3A_662], %swap3A_665 {strides = array<i32>} : memref<256xf32, #tpu.memory_space<vmem>>, vector<16xf32>,
    %swap3A_666 = arith.constant 208 : index
    %swap3A_667 = tpu.vector_load %arg5[%swap3A_666] {strides = array<i32>} : memref<256xf32, #tpu.memory_space<vmem>>, vector<16xf32>,
    %swap3A_668 = vector.shape_cast %swap3A_667 : vector<16xf32> to vector<16xf32>
    %swap3A_669 = vector.shape_cast %broadcast_in_dim3A_607 : vector<16xf32> to vector<16xf32>
    tpu.vector_store %arg5[%swap3A_666], %swap3A_669 {strides = array<i32>} : memref<256xf32, #tpu.memory_space<vmem>>, vector<16xf32>,
    %swap3A_670 = arith.constant 224 : index
    %swap3A_671 = tpu.vector_load %arg5[%swap3A_670] {strides = array<i32>} : memref<256xf32, #tpu.memory_space<vmem>>, vector<16xf32>,
    %swap3A_672 = vector.shape_cast %swap3A_671 : vector<16xf32> to vector<16xf32>
    %swap3A_673 = vector.shape_cast %broadcast_in_dim3A_607 : vector<16xf32> to vector<16xf32>
    tpu.vector_store %arg5[%swap3A_670], %swap3A_673 {strides = array<i32>} : memref<256xf32, #tpu.memory_space<vmem>>, vector<16xf32>,
    %swap3A_674 = arith.constant 240 : index
    %swap3A_675 = tpu.vector_load %arg5[%swap3A_674] {strides = array<i32>} : memref<256xf32, #tpu.memory_space<vmem>>, vector<16xf32>,
    %swap3A_676 = vector.shape_cast %swap3A_675 : vector<16xf32> to vector<16xf32>
    %swap3A_677 = vector.shape_cast %broadcast_in_dim3A_607 : vector<16xf32> to vector<16xf32>
    tpu.vector_store %arg5[%swap3A_674], %swap3A_677 {strides = array<i32>} : memref<256xf32, #tpu.memory_space<vmem>>, vector<16xf32>,
    %swap3A_678 = arith.constant 0 : index
    %swap3A_679 = tpu.vector_load %arg5[%swap3A_678] {strides = array<i32>} : memref<256xf32, #tpu.memory_space<vmem>>, vector<16xf32>,
    %swap3A_680 = vector.shape_cast %swap3A_679 : vector<16xf32> to vector<16xf32>
    %swap3A_681 = vector.shape_cast %scan3A_613#0 : vector<16xf32> to vector<16xf32>
    tpu.vector_store %arg5[%swap3A_678], %swap3A_681 {strides = array<i32>} : memref<256xf32, #tpu.memory_space<vmem>>, vector<16xf32>,
    %swap3A_682 = arith.constant 128 : index
    %swap3A_683 = tpu.vector_load %arg5[%swap3A_682] {strides = array<i32>} : memref<256xf32, #tpu.memory_space<vmem>>, vector<16xf32>,
    %swap3A_684 = vector.shape_cast %swap3A_683 : vector<16xf32> to vector<16xf32>
    %swap3A_685 = vector.shape_cast %scan3A_613#7 : vector<16xf32> to vector<16xf32>
    tpu.vector_store %arg5[%swap3A_682], %swap3A_685 {strides = array<i32>} : memref<256xf32, #tpu.memory_space<vmem>>, vector<16xf32>,
    %swap3A_686 = arith.constant 16 : index
    %swap3A_687 = tpu.vector_load %arg5[%swap3A_686] {strides = array<i32>} : memref<256xf32, #tpu.memory_space<vmem>>, vector<16xf32>,
    %swap3A_688 = vector.shape_cast %swap3A_687 : vector<16xf32> to vector<16xf32>
    %swap3A_689 = vector.shape_cast %scan3A_613#1 : vector<16xf32> to vector<16xf32>
    tpu.vector_store %arg5[%swap3A_686], %swap3A_689 {strides = array<i32>} : memref<256xf32, #tpu.memory_space<vmem>>, vector<16xf32>,
    %swap3A_690 = arith.constant 144 : index
    %swap3A_691 = tpu.vector_load %arg5[%swap3A_690] {strides = array<i32>} : memref<256xf32, #tpu.memory_space<vmem>>, vector<16xf32>,
    %swap3A_692 = vector.shape_cast %swap3A_691 : vector<16xf32> to vector<16xf32>
    %swap3A_693 = vector.shape_cast %scan3A_613#8 : vector<16xf32> to vector<16xf32>
    tpu.vector_store %arg5[%swap3A_690], %swap3A_693 {strides = array<i32>} : memref<256xf32, #tpu.memory_space<vmem>>, vector<16xf32>,
    %swap3A_694 = arith.constant 32 : index
    %swap3A_695 = tpu.vector_load %arg5[%swap3A_694] {strides = array<i32>} : memref<256xf32, #tpu.memory_space<vmem>>, vector<16xf32>,
    %swap3A_696 = vector.shape_cast %swap3A_695 : vector<16xf32> to vector<16xf32>
    %swap3A_697 = vector.shape_cast %scan3A_613#2 : vector<16xf32> to vector<16xf32>
    tpu.vector_store %arg5[%swap3A_694], %swap3A_697 {strides = array<i32>} : memref<256xf32, #tpu.memory_space<vmem>>, vector<16xf32>,
    %swap3A_698 = arith.constant 160 : index
    %swap3A_699 = tpu.vector_load %arg5[%swap3A_698] {strides = array<i32>} : memref<256xf32, #tpu.memory_space<vmem>>, vector<16xf32>,
    %swap3A_700 = vector.shape_cast %swap3A_699 : vector<16xf32> to vector<16xf32>
    %swap3A_701 = vector.shape_cast %scan3A_613#9 : vector<16xf32> to vector<16xf32>
    tpu.vector_store %arg5[%swap3A_698], %swap3A_701 {strides = array<i32>} : memref<256xf32, #tpu.memory_space<vmem>>, vector<16xf32>,
    %swap3A_702 = arith.constant 48 : index
    %swap3A_703 = tpu.vector_load %arg5[%swap3A_702] {strides = array<i32>} : memref<256xf32, #tpu.memory_space<vmem>>, vector<16xf32>,
    %swap3A_704 = vector.shape_cast %swap3A_703 : vector<16xf32> to vector<16xf32>
    %swap3A_705 = vector.shape_cast %scan3A_613#3 : vector<16xf32> to vector<16xf32>
    tpu.vector_store %arg5[%swap3A_702], %swap3A_705 {strides = array<i32>} : memref<256xf32, #tpu.memory_space<vmem>>, vector<16xf32>,
    %swap3A_706 = arith.constant 176 : index
    %swap3A_707 = tpu.vector_load %arg5[%swap3A_706] {strides = array<i32>} : memref<256xf32, #tpu.memory_space<vmem>>, vector<16xf32>,
    %swap3A_708 = vector.shape_cast %swap3A_707 : vector<16xf32> to vector<16xf32>
    %swap3A_709 = vector.shape_cast %scan3A_613#10 : vector<16xf32> to vector<16xf32>
    tpu.vector_store %arg5[%swap3A_706], %swap3A_709 {strides = array<i32>} : memref<256xf32, #tpu.memory_space<vmem>>, vector<16xf32>,
    %swap3A_710 = arith.constant 64 : index
    %swap3A_711 = tpu.vector_load %arg5[%swap3A_710] {strides = array<i32>} : memref<256xf32, #tpu.memory_space<vmem>>, vector<16xf32>,
    %swap3A_712 = vector.shape_cast %swap3A_711 : vector<16xf32> to vector<16xf32>
    %swap3A_713 = vector.shape_cast %scan3A_613#4 : vector<16xf32> to vector<16xf32>
    tpu.vector_store %arg5[%swap3A_710], %swap3A_713 {strides = array<i32>} : memref<256xf32, #tpu.memory_space<vmem>>, vector<16xf32>,
    %swap3A_714 = arith.constant 192 : index
    %swap3A_715 = tpu.vector_load %arg5[%swap3A_714] {strides = array<i32>} : memref<256xf32, #tpu.memory_space<vmem>>, vector<16xf32>,
    %swap3A_716 = vector.shape_cast %swap3A_715 : vector<16xf32> to vector<16xf32>
    %swap3A_717 = vector.shape_cast %scan3A_613#11 : vector<16xf32> to vector<16xf32>
    tpu.vector_store %arg5[%swap3A_714], %swap3A_717 {strides = array<i32>} : memref<256xf32, #tpu.memory_space<vmem>>, vector<16xf32>,
    %swap3A_718 = arith.constant 80 : index
    %swap3A_719 = tpu.vector_load %arg5[%swap3A_718] {strides = array<i32>} : memref<256xf32, #tpu.memory_space<vmem>>, vector<16xf32>,
    %swap3A_720 = vector.shape_cast %swap3A_719 : vector<16xf32> to vector<16xf32>
    %swap3A_721 = vector.shape_cast %scan3A_613#5 : vector<16xf32> to vector<16xf32>
    tpu.vector_store %arg5[%swap3A_718], %swap3A_721 {strides = array<i32>} : memref<256xf32, #tpu.memory_space<vmem>>, vector<16xf32>,
    %swap3A_722 = arith.constant 208 : index
    %swap3A_723 = tpu.vector_load %arg5[%swap3A_722] {strides = array<i32>} : memref<256xf32, #tpu.memory_space<vmem>>, vector<16xf32>,
    %swap3A_724 = vector.shape_cast %swap3A_723 : vector<16xf32> to vector<16xf32>
    %swap3A_725 = vector.shape_cast %scan3A_613#12 : vector<16xf32> to vector<16xf32>
    tpu.vector_store %arg5[%swap3A_722], %swap3A_725 {strides = array<i32>} : memref<256xf32, #tpu.memory_space<vmem>>, vector<16xf32>,
    %swap3A_726 = arith.constant 96 : index
    %swap3A_727 = tpu.vector_load %arg5[%swap3A_726] {strides = array<i32>} : memref<256xf32, #tpu.memory_space<vmem>>, vector<16xf32>,
    %swap3A_728 = vector.shape_cast %swap3A_727 : vector<16xf32> to vector<16xf32>
    %swap3A_729 = vector.shape_cast %scan3A_613#6 : vector<16xf32> to vector<16xf32>
    tpu.vector_store %arg5[%swap3A_726], %swap3A_729 {strides = array<i32>} : memref<256xf32, #tpu.memory_space<vmem>>, vector<16xf32>,
    %swap3A_730 = arith.constant 224 : index
    %swap3A_731 = tpu.vector_load %arg5[%swap3A_730] {strides = array<i32>} : memref<256xf32, #tpu.memory_space<vmem>>, vector<16xf32>,
    %swap3A_732 = vector.shape_cast %swap3A_731 : vector<16xf32> to vector<16xf32>
    %swap3A_733 = vector.shape_cast %scan3A_613#13 : vector<16xf32> to vector<16xf32>
    tpu.vector_store %arg5[%swap3A_730], %swap3A_733 {strides = array<i32>} : memref<256xf32, #tpu.memory_space<vmem>>, vector<16xf32>,
    %mul3A_734 = arith.constant 256 : i32
    %mul3A_735 = arith.muli %add3A, %mul3A_734 : i32
    "tpu.region"() ({
      %run_scoped3A = tpu.sem_alloc : memref<!tpu.dma_semaphore, #tpu.memory_space<semaphore_mem>>
      %dma_start3A_736 = tpu.memref_slice %arg3[%mul3A_735] : memref<8192xf32, #tpu.memory_space<hbm>> -> memref<256xf32, #tpu.memory_space<hbm>>
      %dma_start3A_737 = tpu.memref_slice %arg3[%mul3A_735] : memref<8192xf32, #tpu.memory_space<hbm>> -> memref<256xf32, #tpu.memory_space<hbm>>
      tpu.enqueue_dma source(%arg5 : memref<256xf32, #tpu.memory_space<vmem>>) target(%dma_start3A_737 : memref<256xf32, #tpu.memory_space<hbm>>) target_semaphore(%run_scoped3A : memref<!tpu.dma_semaphore, #tpu.memory_space<semaphore_mem>>)
      %dma_wait3A_738 = tpu.memref_slice %arg3[%mul3A_735] : memref<8192xf32, #tpu.memory_space<hbm>> -> memref<256xf32, #tpu.memory_space<hbm>>
      %dma_wait3A_739 = tpu.memref_slice %arg3[%mul3A_735] : memref<8192xf32, #tpu.memory_space<hbm>> -> memref<256xf32, #tpu.memory_space<hbm>>
      tpu.wait_dma2 semaphore(%run_scoped3A : memref<!tpu.dma_semaphore, #tpu.memory_space<semaphore_mem>>) src(%arg5 : memref<256xf32, #tpu.memory_space<vmem>>) dst(%dma_wait3A_739 : memref<256xf32, #tpu.memory_space<hbm>>)
      tpu.yield
    }) : () -> ()
    return
  }
}

module attributes {stable_mosaic.version = 14 : i64} {
  func.func @_tc_body(%arg0: i32, %arg1: memref<1x19x120x512xf32, #tpu.memory_space<vmem>>, %arg2: memref<2x128xf32, #tpu.memory_space<vmem>>, %arg3: memref<2x128xf32, #tpu.memory_space<vmem>>) attributes {dimension_semantics = [#tpu.dimension_semantics<arbitrary>], iteration_bounds = array<i64: 16>, scalar_prefetch = 0 : i64, scratch_operands = 1 : i64, tpu.core_type = #tpu.core_type<tc>, window_params = [{transform_indices = @transform_0, window_bounds = array<i64: 1, 19, 120, 512>}, {pipeline_mode = #tpu.pipeline_mode<synchronous>, transform_indices = @transform_1, window_bounds = array<i64: 2, 128>}]} {
    %eq3A = arith.constant 0 : i32
    %eq3A_0 = arith.cmpi eq, %arg0, %eq3A : i32
    %convert_element_type3A = arith.extui %eq3A_0 : i1 to i32
    %cond3A = arith.constant 0 : i32
    %cond3A_1 = arith.cmpi ne, %convert_element_type3A, %cond3A : i32
    scf.if %cond3A_1 {
      %broadcast_in_dim3A_460 = arith.constant 0.000000e+00 : f32
      %broadcast_in_dim3A_461 = vector.broadcast %broadcast_in_dim3A_460 : f32 to vector<2x128xf32>
      %swap3A_462 = arith.constant 0 : index
      %swap3A_463 = arith.constant 0 : index
      %swap3A_464 = vector.load %arg3[%swap3A_462, %swap3A_463] : memref<2x128xf32, #tpu.memory_space<vmem>>, vector<2x128xf32>
      tpu.vector_store %arg3[%swap3A_462, %swap3A_463], %broadcast_in_dim3A_461 {strides = array<i32>} : memref<2x128xf32, #tpu.memory_space<vmem>>, vector<2x128xf32>,
    } else {
    }
    %get3A = arith.constant 0 : index
    %get3A_2 = arith.constant 0 : index
    %get3A_3 = arith.constant 0 : index
    %get3A_4 = arith.constant 0 : index
    %get3A_5 = vector.load %arg1[%get3A, %get3A_2, %get3A_3, %get3A_4] : memref<1x19x120x512xf32, #tpu.memory_space<vmem>>, vector<1x1x120x512xf32>
    %get3A_6 = vector.shape_cast %get3A_5 : vector<1x1x120x512xf32> to vector<120x512xf32>
    %get3A_7 = arith.constant 0 : index
    %get3A_8 = arith.constant 1 : index
    %get3A_9 = arith.constant 0 : index
    %get3A_10 = arith.constant 0 : index
    %get3A_11 = vector.load %arg1[%get3A_7, %get3A_8, %get3A_9, %get3A_10] : memref<1x19x120x512xf32, #tpu.memory_space<vmem>>, vector<1x1x120x512xf32>
    %get3A_12 = vector.shape_cast %get3A_11 : vector<1x1x120x512xf32> to vector<120x512xf32>
    %get3A_13 = arith.constant 0 : index
    %get3A_14 = arith.constant 2 : index
    %get3A_15 = arith.constant 0 : index
    %get3A_16 = arith.constant 0 : index
    %get3A_17 = vector.load %arg1[%get3A_13, %get3A_14, %get3A_15, %get3A_16] : memref<1x19x120x512xf32, #tpu.memory_space<vmem>>, vector<1x1x120x512xf32>
    %get3A_18 = vector.shape_cast %get3A_17 : vector<1x1x120x512xf32> to vector<120x512xf32>
    %get3A_19 = arith.constant 0 : index
    %get3A_20 = arith.constant 3 : index
    %get3A_21 = arith.constant 0 : index
    %get3A_22 = arith.constant 0 : index
    %get3A_23 = vector.load %arg1[%get3A_19, %get3A_20, %get3A_21, %get3A_22] : memref<1x19x120x512xf32, #tpu.memory_space<vmem>>, vector<1x1x120x512xf32>
    %get3A_24 = vector.shape_cast %get3A_23 : vector<1x1x120x512xf32> to vector<120x512xf32>
    %get3A_25 = arith.constant 0 : index
    %get3A_26 = arith.constant 4 : index
    %get3A_27 = arith.constant 0 : index
    %get3A_28 = arith.constant 0 : index
    %get3A_29 = vector.load %arg1[%get3A_25, %get3A_26, %get3A_27, %get3A_28] : memref<1x19x120x512xf32, #tpu.memory_space<vmem>>, vector<1x1x120x512xf32>
    %get3A_30 = vector.shape_cast %get3A_29 : vector<1x1x120x512xf32> to vector<120x512xf32>
    %get3A_31 = arith.constant 0 : index
    %get3A_32 = arith.constant 5 : index
    %get3A_33 = arith.constant 0 : index
    %get3A_34 = arith.constant 0 : index
    %get3A_35 = vector.load %arg1[%get3A_31, %get3A_32, %get3A_33, %get3A_34] : memref<1x19x120x512xf32, #tpu.memory_space<vmem>>, vector<1x1x120x512xf32>
    %get3A_36 = vector.shape_cast %get3A_35 : vector<1x1x120x512xf32> to vector<120x512xf32>
    %get3A_37 = arith.constant 0 : index
    %get3A_38 = arith.constant 6 : index
    %get3A_39 = arith.constant 0 : index
    %get3A_40 = arith.constant 0 : index
    %get3A_41 = vector.load %arg1[%get3A_37, %get3A_38, %get3A_39, %get3A_40] : memref<1x19x120x512xf32, #tpu.memory_space<vmem>>, vector<1x1x120x512xf32>
    %get3A_42 = vector.shape_cast %get3A_41 : vector<1x1x120x512xf32> to vector<120x512xf32>
    %get3A_43 = arith.constant 0 : index
    %get3A_44 = arith.constant 7 : index
    %get3A_45 = arith.constant 0 : index
    %get3A_46 = arith.constant 0 : index
    %get3A_47 = vector.load %arg1[%get3A_43, %get3A_44, %get3A_45, %get3A_46] : memref<1x19x120x512xf32, #tpu.memory_space<vmem>>, vector<1x1x120x512xf32>
    %get3A_48 = vector.shape_cast %get3A_47 : vector<1x1x120x512xf32> to vector<120x512xf32>
    %get3A_49 = arith.constant 0 : index
    %get3A_50 = arith.constant 8 : index
    %get3A_51 = arith.constant 0 : index
    %get3A_52 = arith.constant 0 : index
    %get3A_53 = vector.load %arg1[%get3A_49, %get3A_50, %get3A_51, %get3A_52] : memref<1x19x120x512xf32, #tpu.memory_space<vmem>>, vector<1x1x120x512xf32>
    %get3A_54 = vector.shape_cast %get3A_53 : vector<1x1x120x512xf32> to vector<120x512xf32>
    %get3A_55 = arith.constant 0 : index
    %get3A_56 = arith.constant 9 : index
    %get3A_57 = arith.constant 0 : index
    %get3A_58 = arith.constant 0 : index
    %get3A_59 = vector.load %arg1[%get3A_55, %get3A_56, %get3A_57, %get3A_58] : memref<1x19x120x512xf32, #tpu.memory_space<vmem>>, vector<1x1x120x512xf32>
    %get3A_60 = vector.shape_cast %get3A_59 : vector<1x1x120x512xf32> to vector<120x512xf32>
    %get3A_61 = arith.constant 0 : index
    %get3A_62 = arith.constant 10 : index
    %get3A_63 = arith.constant 0 : index
    %get3A_64 = arith.constant 0 : index
    %get3A_65 = vector.load %arg1[%get3A_61, %get3A_62, %get3A_63, %get3A_64] : memref<1x19x120x512xf32, #tpu.memory_space<vmem>>, vector<1x1x120x512xf32>
    %get3A_66 = vector.shape_cast %get3A_65 : vector<1x1x120x512xf32> to vector<120x512xf32>
    %get3A_67 = arith.constant 0 : index
    %get3A_68 = arith.constant 11 : index
    %get3A_69 = arith.constant 0 : index
    %get3A_70 = arith.constant 0 : index
    %get3A_71 = vector.load %arg1[%get3A_67, %get3A_68, %get3A_69, %get3A_70] : memref<1x19x120x512xf32, #tpu.memory_space<vmem>>, vector<1x1x120x512xf32>
    %get3A_72 = vector.shape_cast %get3A_71 : vector<1x1x120x512xf32> to vector<120x512xf32>
    %get3A_73 = arith.constant 0 : index
    %get3A_74 = arith.constant 12 : index
    %get3A_75 = arith.constant 0 : index
    %get3A_76 = arith.constant 0 : index
    %get3A_77 = vector.load %arg1[%get3A_73, %get3A_74, %get3A_75, %get3A_76] : memref<1x19x120x512xf32, #tpu.memory_space<vmem>>, vector<1x1x120x512xf32>
    %get3A_78 = vector.shape_cast %get3A_77 : vector<1x1x120x512xf32> to vector<120x512xf32>
    %get3A_79 = arith.constant 0 : index
    %get3A_80 = arith.constant 13 : index
    %get3A_81 = arith.constant 0 : index
    %get3A_82 = arith.constant 0 : index
    %get3A_83 = vector.load %arg1[%get3A_79, %get3A_80, %get3A_81, %get3A_82] : memref<1x19x120x512xf32, #tpu.memory_space<vmem>>, vector<1x1x120x512xf32>
    %get3A_84 = vector.shape_cast %get3A_83 : vector<1x1x120x512xf32> to vector<120x512xf32>
    %get3A_85 = arith.constant 0 : index
    %get3A_86 = arith.constant 14 : index
    %get3A_87 = arith.constant 0 : index
    %get3A_88 = arith.constant 0 : index
    %get3A_89 = vector.load %arg1[%get3A_85, %get3A_86, %get3A_87, %get3A_88] : memref<1x19x120x512xf32, #tpu.memory_space<vmem>>, vector<1x1x120x512xf32>
    %get3A_90 = vector.shape_cast %get3A_89 : vector<1x1x120x512xf32> to vector<120x512xf32>
    %get3A_91 = arith.constant 0 : index
    %get3A_92 = arith.constant 15 : index
    %get3A_93 = arith.constant 0 : index
    %get3A_94 = arith.constant 0 : index
    %get3A_95 = vector.load %arg1[%get3A_91, %get3A_92, %get3A_93, %get3A_94] : memref<1x19x120x512xf32, #tpu.memory_space<vmem>>, vector<1x1x120x512xf32>
    %get3A_96 = vector.shape_cast %get3A_95 : vector<1x1x120x512xf32> to vector<120x512xf32>
    %get3A_97 = arith.constant 0 : index
    %get3A_98 = arith.constant 16 : index
    %get3A_99 = arith.constant 0 : index
    %get3A_100 = arith.constant 0 : index
    %get3A_101 = vector.load %arg1[%get3A_97, %get3A_98, %get3A_99, %get3A_100] : memref<1x19x120x512xf32, #tpu.memory_space<vmem>>, vector<1x1x120x512xf32>
    %get3A_102 = vector.shape_cast %get3A_101 : vector<1x1x120x512xf32> to vector<120x512xf32>
    %get3A_103 = arith.constant 0 : index
    %get3A_104 = arith.constant 17 : index
    %get3A_105 = arith.constant 0 : index
    %get3A_106 = arith.constant 0 : index
    %get3A_107 = vector.load %arg1[%get3A_103, %get3A_104, %get3A_105, %get3A_106] : memref<1x19x120x512xf32, #tpu.memory_space<vmem>>, vector<1x1x120x512xf32>
    %get3A_108 = vector.shape_cast %get3A_107 : vector<1x1x120x512xf32> to vector<120x512xf32>
    %get3A_109 = arith.constant 0 : index
    %get3A_110 = arith.constant 18 : index
    %get3A_111 = arith.constant 0 : index
    %get3A_112 = arith.constant 0 : index
    %get3A_113 = vector.load %arg1[%get3A_109, %get3A_110, %get3A_111, %get3A_112] : memref<1x19x120x512xf32, #tpu.memory_space<vmem>>, vector<1x1x120x512xf32>
    %get3A_114 = vector.shape_cast %get3A_113 : vector<1x1x120x512xf32> to vector<120x512xf32>
    %add3A = arith.addf %get3A_6, %get3A_12 : vector<120x512xf32>
    %add3A_115 = arith.addf %get3A_18, %get3A_24 : vector<120x512xf32>
    %add3A_116 = arith.addf %add3A_115, %get3A_30 : vector<120x512xf32>
    %add3A_117 = arith.addf %get3A_36, %get3A_42 : vector<120x512xf32>
    %add3A_118 = arith.addf %add3A_117, %get3A_48 : vector<120x512xf32>
    %add3A_119 = arith.addf %get3A_54, %get3A_60 : vector<120x512xf32>
    %add3A_120 = arith.addf %get3A_72, %get3A_78 : vector<120x512xf32>
    %add3A_121 = arith.addf %get3A_84, %get3A_90 : vector<120x512xf32>
    %add3A_122 = arith.addf %add3A_121, %get3A_96 : vector<120x512xf32>
    %add3A_123 = arith.addf %add3A_122, %get3A_102 : vector<120x512xf32>
    %add3A_124 = arith.addf %add3A_123, %get3A_108 : vector<120x512xf32>
    %add3A_125 = arith.addf %add3A_124, %get3A_114 : vector<120x512xf32>
    %exp3A = math.exp %get3A_6 : vector<120x512xf32>
    %exp3A_126 = math.exp %get3A_12 : vector<120x512xf32>
    %exp3A_127 = math.exp %get3A_18 : vector<120x512xf32>
    %exp3A_128 = math.exp %get3A_24 : vector<120x512xf32>
    %exp3A_129 = math.exp %get3A_30 : vector<120x512xf32>
    %exp3A_130 = math.exp %get3A_36 : vector<120x512xf32>
    %exp3A_131 = math.exp %get3A_42 : vector<120x512xf32>
    %exp3A_132 = math.exp %get3A_48 : vector<120x512xf32>
    %exp3A_133 = math.exp %get3A_54 : vector<120x512xf32>
    %exp3A_134 = math.exp %get3A_60 : vector<120x512xf32>
    %exp3A_135 = math.exp %get3A_66 : vector<120x512xf32>
    %exp3A_136 = math.exp %get3A_72 : vector<120x512xf32>
    %exp3A_137 = math.exp %get3A_78 : vector<120x512xf32>
    %exp3A_138 = math.exp %get3A_84 : vector<120x512xf32>
    %exp3A_139 = math.exp %get3A_90 : vector<120x512xf32>
    %exp3A_140 = math.exp %get3A_96 : vector<120x512xf32>
    %exp3A_141 = math.exp %get3A_102 : vector<120x512xf32>
    %exp3A_142 = math.exp %get3A_108 : vector<120x512xf32>
    %exp3A_143 = math.exp %get3A_114 : vector<120x512xf32>
    %add3A_144 = arith.addf %exp3A, %exp3A_126 : vector<120x512xf32>
    %add3A_145 = arith.addf %add3A_144, %exp3A_127 : vector<120x512xf32>
    %add3A_146 = arith.addf %add3A_145, %exp3A_128 : vector<120x512xf32>
    %add3A_147 = arith.addf %add3A_146, %exp3A_129 : vector<120x512xf32>
    %add3A_148 = arith.addf %add3A_147, %exp3A_130 : vector<120x512xf32>
    %add3A_149 = arith.addf %add3A_148, %exp3A_131 : vector<120x512xf32>
    %add3A_150 = arith.addf %add3A_149, %exp3A_132 : vector<120x512xf32>
    %add3A_151 = arith.addf %add3A_150, %exp3A_133 : vector<120x512xf32>
    %add3A_152 = arith.addf %add3A_151, %exp3A_134 : vector<120x512xf32>
    %add3A_153 = arith.addf %add3A_152, %exp3A_135 : vector<120x512xf32>
    %add3A_154 = arith.addf %add3A_153, %exp3A_136 : vector<120x512xf32>
    %add3A_155 = arith.addf %add3A_154, %exp3A_137 : vector<120x512xf32>
    %add3A_156 = arith.addf %add3A_155, %exp3A_138 : vector<120x512xf32>
    %add3A_157 = arith.addf %add3A_156, %exp3A_139 : vector<120x512xf32>
    %add3A_158 = arith.addf %add3A_157, %exp3A_140 : vector<120x512xf32>
    %add3A_159 = arith.addf %add3A_158, %exp3A_141 : vector<120x512xf32>
    %add3A_160 = arith.addf %add3A_159, %exp3A_142 : vector<120x512xf32>
    %add3A_161 = arith.addf %add3A_160, %exp3A_143 : vector<120x512xf32>
    %div3A = arith.divf %exp3A_135, %add3A_161 : vector<120x512xf32>
    %mul3A = arith.mulf %add3A, %add3A : vector<120x512xf32>
    %broadcast_in_dim3A = arith.constant 0 : i32
    %broadcast_in_dim3A_162 = vector.broadcast %broadcast_in_dim3A : i32 to vector<120x512xi32>
    %mul3A_163 = arith.mulf %add3A_116, %add3A_116 : vector<120x512xf32>
    %add3A_164 = arith.addf %mul3A, %mul3A_163 : vector<120x512xf32>
    %gt3A = arith.cmpf ogt, %add3A_116, %add3A : vector<120x512xf32>
    %select_n3A = arith.select %gt3A, %add3A_116, %add3A : vector<120x512xi1>, vector<120x512xf32>
    %jit3A = arith.constant 1 : i32
    %broadcast_in_dim3A_165 = vector.broadcast %jit3A : i32 to vector<120x512xi32>
    %select_n3A_166 = arith.select %gt3A, %broadcast_in_dim3A_165, %broadcast_in_dim3A_162 : vector<120x512xi1>, vector<120x512xi32>
    %mul3A_167 = arith.mulf %add3A_118, %add3A_118 : vector<120x512xf32>
    %add3A_168 = arith.addf %add3A_164, %mul3A_167 : vector<120x512xf32>
    %gt3A_169 = arith.cmpf ogt, %add3A_118, %select_n3A : vector<120x512xf32>
    %select_n3A_170 = arith.select %gt3A_169, %add3A_118, %select_n3A : vector<120x512xi1>, vector<120x512xf32>
    %jit3A_171 = arith.constant 2 : i32
    %broadcast_in_dim3A_172 = vector.broadcast %jit3A_171 : i32 to vector<120x512xi32>
    %select_n3A_173 = arith.select %gt3A_169, %broadcast_in_dim3A_172, %select_n3A_166 : vector<120x512xi1>, vector<120x512xi32>
    %mul3A_174 = arith.mulf %add3A_119, %add3A_119 : vector<120x512xf32>
    %add3A_175 = arith.addf %add3A_168, %mul3A_174 : vector<120x512xf32>
    %gt3A_176 = arith.cmpf ogt, %add3A_119, %select_n3A_170 : vector<120x512xf32>
    %select_n3A_177 = arith.select %gt3A_176, %add3A_119, %select_n3A_170 : vector<120x512xi1>, vector<120x512xf32>
    %jit3A_178 = arith.constant 3 : i32
    %broadcast_in_dim3A_179 = vector.broadcast %jit3A_178 : i32 to vector<120x512xi32>
    %select_n3A_180 = arith.select %gt3A_176, %broadcast_in_dim3A_179, %select_n3A_173 : vector<120x512xi1>, vector<120x512xi32>
    %mul3A_181 = arith.mulf %div3A, %div3A : vector<120x512xf32>
    %add3A_182 = arith.addf %add3A_175, %mul3A_181 : vector<120x512xf32>
    %gt3A_183 = arith.cmpf ogt, %div3A, %select_n3A_177 : vector<120x512xf32>
    %select_n3A_184 = arith.select %gt3A_183, %div3A, %select_n3A_177 : vector<120x512xi1>, vector<120x512xf32>
    %jit3A_185 = arith.constant 4 : i32
    %broadcast_in_dim3A_186 = vector.broadcast %jit3A_185 : i32 to vector<120x512xi32>
    %select_n3A_187 = arith.select %gt3A_183, %broadcast_in_dim3A_186, %select_n3A_180 : vector<120x512xi1>, vector<120x512xi32>
    %mul3A_188 = arith.mulf %add3A_120, %add3A_120 : vector<120x512xf32>
    %add3A_189 = arith.addf %add3A_182, %mul3A_188 : vector<120x512xf32>
    %gt3A_190 = arith.cmpf ogt, %add3A_120, %select_n3A_184 : vector<120x512xf32>
    %select_n3A_191 = arith.select %gt3A_190, %add3A_120, %select_n3A_184 : vector<120x512xi1>, vector<120x512xf32>
    %jit3A_192 = arith.constant 5 : i32
    %broadcast_in_dim3A_193 = vector.broadcast %jit3A_192 : i32 to vector<120x512xi32>
    %select_n3A_194 = arith.select %gt3A_190, %broadcast_in_dim3A_193, %select_n3A_187 : vector<120x512xi1>, vector<120x512xi32>
    %mul3A_195 = arith.mulf %add3A_125, %add3A_125 : vector<120x512xf32>
    %add3A_196 = arith.addf %add3A_189, %mul3A_195 : vector<120x512xf32>
    %gt3A_197 = arith.cmpf ogt, %add3A_125, %select_n3A_191 : vector<120x512xf32>
    %jit3A_198 = arith.constant 6 : i32
    %broadcast_in_dim3A_199 = vector.broadcast %jit3A_198 : i32 to vector<120x512xi32>
    %select_n3A_200 = arith.select %gt3A_197, %broadcast_in_dim3A_199, %select_n3A_194 : vector<120x512xi1>, vector<120x512xi32>
    %iota3A = tpu.iota {dimensions = array<i32: 1>} : vector<1x128xi32>
    %broadcast_in_dim3A_201 = arith.constant 0.000000e+00 : f32
    %broadcast_in_dim3A_202 = vector.broadcast %broadcast_in_dim3A_201 : f32 to vector<1x128xf32>
    %broadcast_in_dim3A_203 = arith.constant 0.000000e+00 : f32
    %broadcast_in_dim3A_204 = vector.broadcast %broadcast_in_dim3A_203 : f32 to vector<1x128xf32>
    %eq3A_205 = arith.constant 0 : i32
    %eq3A_206 = vector.broadcast %eq3A_205 : i32 to vector<120x512xi32>
    %eq3A_207 = arith.cmpi eq, %select_n3A_200, %eq3A_206 : vector<120x512xi32>
    %jit3A_208 = arith.constant 0.000000e+00 : f32
    %broadcast_in_dim3A_209 = vector.broadcast %jit3A_208 : f32 to vector<120x512xf32>
    %select_n3A_210 = arith.select %eq3A_207, %add3A_196, %broadcast_in_dim3A_209 : vector<120x512xi1>, vector<120x512xf32>
    %reduce_sum3A = vector.shape_cast %select_n3A_210 : vector<120x512xf32> to vector<1x120x512xf32>
    %reduce_sum3A_211 = arith.constant dense<0.000000e+00> : vector<1xf32>
    %reduce_sum3A_212 = vector.multi_reduction <add>, %reduce_sum3A, %reduce_sum3A_211 [1, 2] : vector<1x120x512xf32> to vector<1xf32>
    %reduce_sum3A_213 = vector.shape_cast %reduce_sum3A_212 : vector<1xf32> to vector<1x1x1xf32>
    %reduce_sum3A_214 = vector.extract %reduce_sum3A_213[0, 0, 0] : f32 from vector<1x1x1xf32>
    %convert_element_type3A_215 = arith.extui %eq3A_207 : vector<120x512xi1> to vector<120x512xi32>
    %convert_element_type3A_216 = arith.sitofp %convert_element_type3A_215 : vector<120x512xi32> to vector<120x512xf32>
    %reduce_sum3A_217 = vector.shape_cast %convert_element_type3A_216 : vector<120x512xf32> to vector<1x120x512xf32>
    %reduce_sum3A_218 = arith.constant dense<0.000000e+00> : vector<1xf32>
    %reduce_sum3A_219 = vector.multi_reduction <add>, %reduce_sum3A_217, %reduce_sum3A_218 [1, 2] : vector<1x120x512xf32> to vector<1xf32>
    %reduce_sum3A_220 = vector.shape_cast %reduce_sum3A_219 : vector<1xf32> to vector<1x1x1xf32>
    %reduce_sum3A_221 = vector.extract %reduce_sum3A_220[0, 0, 0] : f32 from vector<1x1x1xf32>
    %eq3A_222 = arith.constant 0 : i32
    %eq3A_223 = vector.broadcast %eq3A_222 : i32 to vector<1x128xi32>
    %eq3A_224 = arith.cmpi eq, %iota3A, %eq3A_223 : vector<1x128xi32>
    %jit3A_225 = arith.constant 0.000000e+00 : f32
    %broadcast_in_dim3A_226 = vector.broadcast %reduce_sum3A_214 : f32 to vector<1x128xf32>
    %broadcast_in_dim3A_227 = vector.broadcast %jit3A_225 : f32 to vector<1x128xf32>
    %select_n3A_228 = arith.select %eq3A_224, %broadcast_in_dim3A_226, %broadcast_in_dim3A_227 : vector<1x128xi1>, vector<1x128xf32>
    %add3A_229 = arith.addf %broadcast_in_dim3A_202, %select_n3A_228 : vector<1x128xf32>
    %eq3A_230 = arith.constant 0 : i32
    %eq3A_231 = vector.broadcast %eq3A_230 : i32 to vector<1x128xi32>
    %eq3A_232 = arith.cmpi eq, %iota3A, %eq3A_231 : vector<1x128xi32>
    %jit3A_233 = arith.constant 0.000000e+00 : f32
    %broadcast_in_dim3A_234 = vector.broadcast %reduce_sum3A_221 : f32 to vector<1x128xf32>
    %broadcast_in_dim3A_235 = vector.broadcast %jit3A_233 : f32 to vector<1x128xf32>
    %select_n3A_236 = arith.select %eq3A_232, %broadcast_in_dim3A_234, %broadcast_in_dim3A_235 : vector<1x128xi1>, vector<1x128xf32>
    %add3A_237 = arith.addf %broadcast_in_dim3A_204, %select_n3A_236 : vector<1x128xf32>
    %eq3A_238 = arith.constant 1 : i32
    %eq3A_239 = vector.broadcast %eq3A_238 : i32 to vector<120x512xi32>
    %eq3A_240 = arith.cmpi eq, %select_n3A_200, %eq3A_239 : vector<120x512xi32>
    %jit3A_241 = arith.constant 0.000000e+00 : f32
    %broadcast_in_dim3A_242 = vector.broadcast %jit3A_241 : f32 to vector<120x512xf32>
    %select_n3A_243 = arith.select %eq3A_240, %add3A_196, %broadcast_in_dim3A_242 : vector<120x512xi1>, vector<120x512xf32>
    %reduce_sum3A_244 = vector.shape_cast %select_n3A_243 : vector<120x512xf32> to vector<1x120x512xf32>
    %reduce_sum3A_245 = arith.constant dense<0.000000e+00> : vector<1xf32>
    %reduce_sum3A_246 = vector.multi_reduction <add>, %reduce_sum3A_244, %reduce_sum3A_245 [1, 2] : vector<1x120x512xf32> to vector<1xf32>
    %reduce_sum3A_247 = vector.shape_cast %reduce_sum3A_246 : vector<1xf32> to vector<1x1x1xf32>
    %reduce_sum3A_248 = vector.extract %reduce_sum3A_247[0, 0, 0] : f32 from vector<1x1x1xf32>
    %convert_element_type3A_249 = arith.extui %eq3A_240 : vector<120x512xi1> to vector<120x512xi32>
    %convert_element_type3A_250 = arith.sitofp %convert_element_type3A_249 : vector<120x512xi32> to vector<120x512xf32>
    %reduce_sum3A_251 = vector.shape_cast %convert_element_type3A_250 : vector<120x512xf32> to vector<1x120x512xf32>
    %reduce_sum3A_252 = arith.constant dense<0.000000e+00> : vector<1xf32>
    %reduce_sum3A_253 = vector.multi_reduction <add>, %reduce_sum3A_251, %reduce_sum3A_252 [1, 2] : vector<1x120x512xf32> to vector<1xf32>
    %reduce_sum3A_254 = vector.shape_cast %reduce_sum3A_253 : vector<1xf32> to vector<1x1x1xf32>
    %reduce_sum3A_255 = vector.extract %reduce_sum3A_254[0, 0, 0] : f32 from vector<1x1x1xf32>
    %eq3A_256 = arith.constant 1 : i32
    %eq3A_257 = vector.broadcast %eq3A_256 : i32 to vector<1x128xi32>
    %eq3A_258 = arith.cmpi eq, %iota3A, %eq3A_257 : vector<1x128xi32>
    %jit3A_259 = arith.constant 0.000000e+00 : f32
    %broadcast_in_dim3A_260 = vector.broadcast %reduce_sum3A_248 : f32 to vector<1x128xf32>
    %broadcast_in_dim3A_261 = vector.broadcast %jit3A_259 : f32 to vector<1x128xf32>
    %select_n3A_262 = arith.select %eq3A_258, %broadcast_in_dim3A_260, %broadcast_in_dim3A_261 : vector<1x128xi1>, vector<1x128xf32>
    %add3A_263 = arith.addf %add3A_229, %select_n3A_262 : vector<1x128xf32>
    %eq3A_264 = arith.constant 1 : i32
    %eq3A_265 = vector.broadcast %eq3A_264 : i32 to vector<1x128xi32>
    %eq3A_266 = arith.cmpi eq, %iota3A, %eq3A_265 : vector<1x128xi32>
    %jit3A_267 = arith.constant 0.000000e+00 : f32
    %broadcast_in_dim3A_268 = vector.broadcast %reduce_sum3A_255 : f32 to vector<1x128xf32>
    %broadcast_in_dim3A_269 = vector.broadcast %jit3A_267 : f32 to vector<1x128xf32>
    %select_n3A_270 = arith.select %eq3A_266, %broadcast_in_dim3A_268, %broadcast_in_dim3A_269 : vector<1x128xi1>, vector<1x128xf32>
    %add3A_271 = arith.addf %add3A_237, %select_n3A_270 : vector<1x128xf32>
    %eq3A_272 = arith.constant 2 : i32
    %eq3A_273 = vector.broadcast %eq3A_272 : i32 to vector<120x512xi32>
    %eq3A_274 = arith.cmpi eq, %select_n3A_200, %eq3A_273 : vector<120x512xi32>
    %jit3A_275 = arith.constant 0.000000e+00 : f32
    %broadcast_in_dim3A_276 = vector.broadcast %jit3A_275 : f32 to vector<120x512xf32>
    %select_n3A_277 = arith.select %eq3A_274, %add3A_196, %broadcast_in_dim3A_276 : vector<120x512xi1>, vector<120x512xf32>
    %reduce_sum3A_278 = vector.shape_cast %select_n3A_277 : vector<120x512xf32> to vector<1x120x512xf32>
    %reduce_sum3A_279 = arith.constant dense<0.000000e+00> : vector<1xf32>
    %reduce_sum3A_280 = vector.multi_reduction <add>, %reduce_sum3A_278, %reduce_sum3A_279 [1, 2] : vector<1x120x512xf32> to vector<1xf32>
    %reduce_sum3A_281 = vector.shape_cast %reduce_sum3A_280 : vector<1xf32> to vector<1x1x1xf32>
    %reduce_sum3A_282 = vector.extract %reduce_sum3A_281[0, 0, 0] : f32 from vector<1x1x1xf32>
    %convert_element_type3A_283 = arith.extui %eq3A_274 : vector<120x512xi1> to vector<120x512xi32>
    %convert_element_type3A_284 = arith.sitofp %convert_element_type3A_283 : vector<120x512xi32> to vector<120x512xf32>
    %reduce_sum3A_285 = vector.shape_cast %convert_element_type3A_284 : vector<120x512xf32> to vector<1x120x512xf32>
    %reduce_sum3A_286 = arith.constant dense<0.000000e+00> : vector<1xf32>
    %reduce_sum3A_287 = vector.multi_reduction <add>, %reduce_sum3A_285, %reduce_sum3A_286 [1, 2] : vector<1x120x512xf32> to vector<1xf32>
    %reduce_sum3A_288 = vector.shape_cast %reduce_sum3A_287 : vector<1xf32> to vector<1x1x1xf32>
    %reduce_sum3A_289 = vector.extract %reduce_sum3A_288[0, 0, 0] : f32 from vector<1x1x1xf32>
    %eq3A_290 = arith.constant 2 : i32
    %eq3A_291 = vector.broadcast %eq3A_290 : i32 to vector<1x128xi32>
    %eq3A_292 = arith.cmpi eq, %iota3A, %eq3A_291 : vector<1x128xi32>
    %jit3A_293 = arith.constant 0.000000e+00 : f32
    %broadcast_in_dim3A_294 = vector.broadcast %reduce_sum3A_282 : f32 to vector<1x128xf32>
    %broadcast_in_dim3A_295 = vector.broadcast %jit3A_293 : f32 to vector<1x128xf32>
    %select_n3A_296 = arith.select %eq3A_292, %broadcast_in_dim3A_294, %broadcast_in_dim3A_295 : vector<1x128xi1>, vector<1x128xf32>
    %add3A_297 = arith.addf %add3A_263, %select_n3A_296 : vector<1x128xf32>
    %eq3A_298 = arith.constant 2 : i32
    %eq3A_299 = vector.broadcast %eq3A_298 : i32 to vector<1x128xi32>
    %eq3A_300 = arith.cmpi eq, %iota3A, %eq3A_299 : vector<1x128xi32>
    %jit3A_301 = arith.constant 0.000000e+00 : f32
    %broadcast_in_dim3A_302 = vector.broadcast %reduce_sum3A_289 : f32 to vector<1x128xf32>
    %broadcast_in_dim3A_303 = vector.broadcast %jit3A_301 : f32 to vector<1x128xf32>
    %select_n3A_304 = arith.select %eq3A_300, %broadcast_in_dim3A_302, %broadcast_in_dim3A_303 : vector<1x128xi1>, vector<1x128xf32>
    %add3A_305 = arith.addf %add3A_271, %select_n3A_304 : vector<1x128xf32>
    %eq3A_306 = arith.constant 3 : i32
    %eq3A_307 = vector.broadcast %eq3A_306 : i32 to vector<120x512xi32>
    %eq3A_308 = arith.cmpi eq, %select_n3A_200, %eq3A_307 : vector<120x512xi32>
    %jit3A_309 = arith.constant 0.000000e+00 : f32
    %broadcast_in_dim3A_310 = vector.broadcast %jit3A_309 : f32 to vector<120x512xf32>
    %select_n3A_311 = arith.select %eq3A_308, %add3A_196, %broadcast_in_dim3A_310 : vector<120x512xi1>, vector<120x512xf32>
    %reduce_sum3A_312 = vector.shape_cast %select_n3A_311 : vector<120x512xf32> to vector<1x120x512xf32>
    %reduce_sum3A_313 = arith.constant dense<0.000000e+00> : vector<1xf32>
    %reduce_sum3A_314 = vector.multi_reduction <add>, %reduce_sum3A_312, %reduce_sum3A_313 [1, 2] : vector<1x120x512xf32> to vector<1xf32>
    %reduce_sum3A_315 = vector.shape_cast %reduce_sum3A_314 : vector<1xf32> to vector<1x1x1xf32>
    %reduce_sum3A_316 = vector.extract %reduce_sum3A_315[0, 0, 0] : f32 from vector<1x1x1xf32>
    %convert_element_type3A_317 = arith.extui %eq3A_308 : vector<120x512xi1> to vector<120x512xi32>
    %convert_element_type3A_318 = arith.sitofp %convert_element_type3A_317 : vector<120x512xi32> to vector<120x512xf32>
    %reduce_sum3A_319 = vector.shape_cast %convert_element_type3A_318 : vector<120x512xf32> to vector<1x120x512xf32>
    %reduce_sum3A_320 = arith.constant dense<0.000000e+00> : vector<1xf32>
    %reduce_sum3A_321 = vector.multi_reduction <add>, %reduce_sum3A_319, %reduce_sum3A_320 [1, 2] : vector<1x120x512xf32> to vector<1xf32>
    %reduce_sum3A_322 = vector.shape_cast %reduce_sum3A_321 : vector<1xf32> to vector<1x1x1xf32>
    %reduce_sum3A_323 = vector.extract %reduce_sum3A_322[0, 0, 0] : f32 from vector<1x1x1xf32>
    %eq3A_324 = arith.constant 3 : i32
    %eq3A_325 = vector.broadcast %eq3A_324 : i32 to vector<1x128xi32>
    %eq3A_326 = arith.cmpi eq, %iota3A, %eq3A_325 : vector<1x128xi32>
    %jit3A_327 = arith.constant 0.000000e+00 : f32
    %broadcast_in_dim3A_328 = vector.broadcast %reduce_sum3A_316 : f32 to vector<1x128xf32>
    %broadcast_in_dim3A_329 = vector.broadcast %jit3A_327 : f32 to vector<1x128xf32>
    %select_n3A_330 = arith.select %eq3A_326, %broadcast_in_dim3A_328, %broadcast_in_dim3A_329 : vector<1x128xi1>, vector<1x128xf32>
    %add3A_331 = arith.addf %add3A_297, %select_n3A_330 : vector<1x128xf32>
    %eq3A_332 = arith.constant 3 : i32
    %eq3A_333 = vector.broadcast %eq3A_332 : i32 to vector<1x128xi32>
    %eq3A_334 = arith.cmpi eq, %iota3A, %eq3A_333 : vector<1x128xi32>
    %jit3A_335 = arith.constant 0.000000e+00 : f32
    %broadcast_in_dim3A_336 = vector.broadcast %reduce_sum3A_323 : f32 to vector<1x128xf32>
    %broadcast_in_dim3A_337 = vector.broadcast %jit3A_335 : f32 to vector<1x128xf32>
    %select_n3A_338 = arith.select %eq3A_334, %broadcast_in_dim3A_336, %broadcast_in_dim3A_337 : vector<1x128xi1>, vector<1x128xf32>
    %add3A_339 = arith.addf %add3A_305, %select_n3A_338 : vector<1x128xf32>
    %eq3A_340 = arith.constant 4 : i32
    %eq3A_341 = vector.broadcast %eq3A_340 : i32 to vector<120x512xi32>
    %eq3A_342 = arith.cmpi eq, %select_n3A_200, %eq3A_341 : vector<120x512xi32>
    %jit3A_343 = arith.constant 0.000000e+00 : f32
    %broadcast_in_dim3A_344 = vector.broadcast %jit3A_343 : f32 to vector<120x512xf32>
    %select_n3A_345 = arith.select %eq3A_342, %add3A_196, %broadcast_in_dim3A_344 : vector<120x512xi1>, vector<120x512xf32>
    %reduce_sum3A_346 = vector.shape_cast %select_n3A_345 : vector<120x512xf32> to vector<1x120x512xf32>
    %reduce_sum3A_347 = arith.constant dense<0.000000e+00> : vector<1xf32>
    %reduce_sum3A_348 = vector.multi_reduction <add>, %reduce_sum3A_346, %reduce_sum3A_347 [1, 2] : vector<1x120x512xf32> to vector<1xf32>
    %reduce_sum3A_349 = vector.shape_cast %reduce_sum3A_348 : vector<1xf32> to vector<1x1x1xf32>
    %reduce_sum3A_350 = vector.extract %reduce_sum3A_349[0, 0, 0] : f32 from vector<1x1x1xf32>
    %convert_element_type3A_351 = arith.extui %eq3A_342 : vector<120x512xi1> to vector<120x512xi32>
    %convert_element_type3A_352 = arith.sitofp %convert_element_type3A_351 : vector<120x512xi32> to vector<120x512xf32>
    %reduce_sum3A_353 = vector.shape_cast %convert_element_type3A_352 : vector<120x512xf32> to vector<1x120x512xf32>
    %reduce_sum3A_354 = arith.constant dense<0.000000e+00> : vector<1xf32>
    %reduce_sum3A_355 = vector.multi_reduction <add>, %reduce_sum3A_353, %reduce_sum3A_354 [1, 2] : vector<1x120x512xf32> to vector<1xf32>
    %reduce_sum3A_356 = vector.shape_cast %reduce_sum3A_355 : vector<1xf32> to vector<1x1x1xf32>
    %reduce_sum3A_357 = vector.extract %reduce_sum3A_356[0, 0, 0] : f32 from vector<1x1x1xf32>
    %eq3A_358 = arith.constant 4 : i32
    %eq3A_359 = vector.broadcast %eq3A_358 : i32 to vector<1x128xi32>
    %eq3A_360 = arith.cmpi eq, %iota3A, %eq3A_359 : vector<1x128xi32>
    %jit3A_361 = arith.constant 0.000000e+00 : f32
    %broadcast_in_dim3A_362 = vector.broadcast %reduce_sum3A_350 : f32 to vector<1x128xf32>
    %broadcast_in_dim3A_363 = vector.broadcast %jit3A_361 : f32 to vector<1x128xf32>
    %select_n3A_364 = arith.select %eq3A_360, %broadcast_in_dim3A_362, %broadcast_in_dim3A_363 : vector<1x128xi1>, vector<1x128xf32>
    %add3A_365 = arith.addf %add3A_331, %select_n3A_364 : vector<1x128xf32>
    %eq3A_366 = arith.constant 4 : i32
    %eq3A_367 = vector.broadcast %eq3A_366 : i32 to vector<1x128xi32>
    %eq3A_368 = arith.cmpi eq, %iota3A, %eq3A_367 : vector<1x128xi32>
    %jit3A_369 = arith.constant 0.000000e+00 : f32
    %broadcast_in_dim3A_370 = vector.broadcast %reduce_sum3A_357 : f32 to vector<1x128xf32>
    %broadcast_in_dim3A_371 = vector.broadcast %jit3A_369 : f32 to vector<1x128xf32>
    %select_n3A_372 = arith.select %eq3A_368, %broadcast_in_dim3A_370, %broadcast_in_dim3A_371 : vector<1x128xi1>, vector<1x128xf32>
    %add3A_373 = arith.addf %add3A_339, %select_n3A_372 : vector<1x128xf32>
    %eq3A_374 = arith.constant 5 : i32
    %eq3A_375 = vector.broadcast %eq3A_374 : i32 to vector<120x512xi32>
    %eq3A_376 = arith.cmpi eq, %select_n3A_200, %eq3A_375 : vector<120x512xi32>
    %jit3A_377 = arith.constant 0.000000e+00 : f32
    %broadcast_in_dim3A_378 = vector.broadcast %jit3A_377 : f32 to vector<120x512xf32>
    %select_n3A_379 = arith.select %eq3A_376, %add3A_196, %broadcast_in_dim3A_378 : vector<120x512xi1>, vector<120x512xf32>
    %reduce_sum3A_380 = vector.shape_cast %select_n3A_379 : vector<120x512xf32> to vector<1x120x512xf32>
    %reduce_sum3A_381 = arith.constant dense<0.000000e+00> : vector<1xf32>
    %reduce_sum3A_382 = vector.multi_reduction <add>, %reduce_sum3A_380, %reduce_sum3A_381 [1, 2] : vector<1x120x512xf32> to vector<1xf32>
    %reduce_sum3A_383 = vector.shape_cast %reduce_sum3A_382 : vector<1xf32> to vector<1x1x1xf32>
    %reduce_sum3A_384 = vector.extract %reduce_sum3A_383[0, 0, 0] : f32 from vector<1x1x1xf32>
    %convert_element_type3A_385 = arith.extui %eq3A_376 : vector<120x512xi1> to vector<120x512xi32>
    %convert_element_type3A_386 = arith.sitofp %convert_element_type3A_385 : vector<120x512xi32> to vector<120x512xf32>
    %reduce_sum3A_387 = vector.shape_cast %convert_element_type3A_386 : vector<120x512xf32> to vector<1x120x512xf32>
    %reduce_sum3A_388 = arith.constant dense<0.000000e+00> : vector<1xf32>
    %reduce_sum3A_389 = vector.multi_reduction <add>, %reduce_sum3A_387, %reduce_sum3A_388 [1, 2] : vector<1x120x512xf32> to vector<1xf32>
    %reduce_sum3A_390 = vector.shape_cast %reduce_sum3A_389 : vector<1xf32> to vector<1x1x1xf32>
    %reduce_sum3A_391 = vector.extract %reduce_sum3A_390[0, 0, 0] : f32 from vector<1x1x1xf32>
    %eq3A_392 = arith.constant 5 : i32
    %eq3A_393 = vector.broadcast %eq3A_392 : i32 to vector<1x128xi32>
    %eq3A_394 = arith.cmpi eq, %iota3A, %eq3A_393 : vector<1x128xi32>
    %jit3A_395 = arith.constant 0.000000e+00 : f32
    %broadcast_in_dim3A_396 = vector.broadcast %reduce_sum3A_384 : f32 to vector<1x128xf32>
    %broadcast_in_dim3A_397 = vector.broadcast %jit3A_395 : f32 to vector<1x128xf32>
    %select_n3A_398 = arith.select %eq3A_394, %broadcast_in_dim3A_396, %broadcast_in_dim3A_397 : vector<1x128xi1>, vector<1x128xf32>
    %add3A_399 = arith.addf %add3A_365, %select_n3A_398 : vector<1x128xf32>
    %eq3A_400 = arith.constant 5 : i32
    %eq3A_401 = vector.broadcast %eq3A_400 : i32 to vector<1x128xi32>
    %eq3A_402 = arith.cmpi eq, %iota3A, %eq3A_401 : vector<1x128xi32>
    %jit3A_403 = arith.constant 0.000000e+00 : f32
    %broadcast_in_dim3A_404 = vector.broadcast %reduce_sum3A_391 : f32 to vector<1x128xf32>
    %broadcast_in_dim3A_405 = vector.broadcast %jit3A_403 : f32 to vector<1x128xf32>
    %select_n3A_406 = arith.select %eq3A_402, %broadcast_in_dim3A_404, %broadcast_in_dim3A_405 : vector<1x128xi1>, vector<1x128xf32>
    %add3A_407 = arith.addf %add3A_373, %select_n3A_406 : vector<1x128xf32>
    %eq3A_408 = arith.constant 6 : i32
    %eq3A_409 = vector.broadcast %eq3A_408 : i32 to vector<120x512xi32>
    %eq3A_410 = arith.cmpi eq, %select_n3A_200, %eq3A_409 : vector<120x512xi32>
    %jit3A_411 = arith.constant 0.000000e+00 : f32
    %broadcast_in_dim3A_412 = vector.broadcast %jit3A_411 : f32 to vector<120x512xf32>
    %select_n3A_413 = arith.select %eq3A_410, %add3A_196, %broadcast_in_dim3A_412 : vector<120x512xi1>, vector<120x512xf32>
    %reduce_sum3A_414 = vector.shape_cast %select_n3A_413 : vector<120x512xf32> to vector<1x120x512xf32>
    %reduce_sum3A_415 = arith.constant dense<0.000000e+00> : vector<1xf32>
    %reduce_sum3A_416 = vector.multi_reduction <add>, %reduce_sum3A_414, %reduce_sum3A_415 [1, 2] : vector<1x120x512xf32> to vector<1xf32>
    %reduce_sum3A_417 = vector.shape_cast %reduce_sum3A_416 : vector<1xf32> to vector<1x1x1xf32>
    %reduce_sum3A_418 = vector.extract %reduce_sum3A_417[0, 0, 0] : f32 from vector<1x1x1xf32>
    %convert_element_type3A_419 = arith.extui %eq3A_410 : vector<120x512xi1> to vector<120x512xi32>
    %convert_element_type3A_420 = arith.sitofp %convert_element_type3A_419 : vector<120x512xi32> to vector<120x512xf32>
    %reduce_sum3A_421 = vector.shape_cast %convert_element_type3A_420 : vector<120x512xf32> to vector<1x120x512xf32>
    %reduce_sum3A_422 = arith.constant dense<0.000000e+00> : vector<1xf32>
    %reduce_sum3A_423 = vector.multi_reduction <add>, %reduce_sum3A_421, %reduce_sum3A_422 [1, 2] : vector<1x120x512xf32> to vector<1xf32>
    %reduce_sum3A_424 = vector.shape_cast %reduce_sum3A_423 : vector<1xf32> to vector<1x1x1xf32>
    %reduce_sum3A_425 = vector.extract %reduce_sum3A_424[0, 0, 0] : f32 from vector<1x1x1xf32>
    %eq3A_426 = arith.constant 6 : i32
    %eq3A_427 = vector.broadcast %eq3A_426 : i32 to vector<1x128xi32>
    %eq3A_428 = arith.cmpi eq, %iota3A, %eq3A_427 : vector<1x128xi32>
    %jit3A_429 = arith.constant 0.000000e+00 : f32
    %broadcast_in_dim3A_430 = vector.broadcast %reduce_sum3A_418 : f32 to vector<1x128xf32>
    %broadcast_in_dim3A_431 = vector.broadcast %jit3A_429 : f32 to vector<1x128xf32>
    %select_n3A_432 = arith.select %eq3A_428, %broadcast_in_dim3A_430, %broadcast_in_dim3A_431 : vector<1x128xi1>, vector<1x128xf32>
    %add3A_433 = arith.addf %add3A_399, %select_n3A_432 : vector<1x128xf32>
    %eq3A_434 = arith.constant 6 : i32
    %eq3A_435 = vector.broadcast %eq3A_434 : i32 to vector<1x128xi32>
    %eq3A_436 = arith.cmpi eq, %iota3A, %eq3A_435 : vector<1x128xi32>
    %jit3A_437 = arith.constant 0.000000e+00 : f32
    %broadcast_in_dim3A_438 = vector.broadcast %reduce_sum3A_425 : f32 to vector<1x128xf32>
    %broadcast_in_dim3A_439 = vector.broadcast %jit3A_437 : f32 to vector<1x128xf32>
    %select_n3A_440 = arith.select %eq3A_436, %broadcast_in_dim3A_438, %broadcast_in_dim3A_439 : vector<1x128xi1>, vector<1x128xf32>
    %add3A_441 = arith.addf %add3A_407, %select_n3A_440 : vector<1x128xf32>
    %get3A_442 = arith.constant 0 : index
    %get3A_443 = arith.constant 0 : index
    %get3A_444 = vector.load %arg3[%get3A_442, %get3A_443] : memref<2x128xf32, #tpu.memory_space<vmem>>, vector<1x128xf32>
    %add3A_445 = arith.addf %get3A_444, %add3A_433 : vector<1x128xf32>
    %swap3A = arith.constant 0 : index
    %swap3A_446 = arith.constant 0 : index
    %swap3A_447 = vector.load %arg3[%swap3A, %swap3A_446] : memref<2x128xf32, #tpu.memory_space<vmem>>, vector<1x128xf32>
    tpu.vector_store %arg3[%swap3A, %swap3A_446], %add3A_445 {strides = array<i32>} : memref<2x128xf32, #tpu.memory_space<vmem>>, vector<1x128xf32>,
    %get3A_448 = arith.constant 1 : index
    %get3A_449 = arith.constant 0 : index
    %get3A_450 = vector.load %arg3[%get3A_448, %get3A_449] : memref<2x128xf32, #tpu.memory_space<vmem>>, vector<1x128xf32>
    %add3A_451 = arith.addf %get3A_450, %add3A_441 : vector<1x128xf32>
    %swap3A_452 = arith.constant 1 : index
    %swap3A_453 = arith.constant 0 : index
    %swap3A_454 = vector.load %arg3[%swap3A_452, %swap3A_453] : memref<2x128xf32, #tpu.memory_space<vmem>>, vector<1x128xf32>
    tpu.vector_store %arg3[%swap3A_452, %swap3A_453], %add3A_451 {strides = array<i32>} : memref<2x128xf32, #tpu.memory_space<vmem>>, vector<1x128xf32>,
    %eq3A_455 = arith.constant 15 : i32
    %eq3A_456 = arith.cmpi eq, %arg0, %eq3A_455 : i32
    %convert_element_type3A_457 = arith.extui %eq3A_456 : i1 to i32
    %cond3A_458 = arith.constant 0 : i32
    %cond3A_459 = arith.cmpi ne, %convert_element_type3A_457, %cond3A_458 : i32
    scf.if %cond3A_459 {
      %get3A_460 = arith.constant 0 : index
      %get3A_461 = arith.constant 0 : index
      %get3A_462 = vector.load %arg3[%get3A_460, %get3A_461] : memref<2x128xf32, #tpu.memory_space<vmem>>, vector<2x128xf32>
      %swap3A_463 = arith.constant 0 : index
      %swap3A_464 = arith.constant 0 : index
      %swap3A_465 = vector.load %arg2[%swap3A_463, %swap3A_464] : memref<2x128xf32, #tpu.memory_space<vmem>>, vector<2x128xf32>
      tpu.vector_store %arg2[%swap3A_463, %swap3A_464], %get3A_462 {strides = array<i32>} : memref<2x128xf32, #tpu.memory_space<vmem>>, vector<2x128xf32>,
    } else {
    }
    return
  }
  func.func @transform_0(%arg0: i32) -> (i32, i32, i32, i32) {
    %jit3A = arith.constant 4 : i32
    %div3A = arith.divsi %arg0, %jit3A : i32
    %sign3A = arith.constant 0 : i32
    %sign3A_0 = arith.cmpi sgt, %arg0, %sign3A : i32
    %sign3A_1 = arith.extui %sign3A_0 : i1 to i32
    %sign3A_2 = arith.constant 0 : i32
    %sign3A_3 = arith.cmpi slt, %arg0, %sign3A_2 : i32
    %sign3A_4 = arith.extui %sign3A_3 : i1 to i32
    %sign3A_5 = arith.subi %sign3A_1, %sign3A_4 : i32
    %sign3A_6 = arith.constant 0 : i32
    %sign3A_7 = arith.cmpi sgt, %jit3A, %sign3A_6 : i32
    %sign3A_8 = arith.extui %sign3A_7 : i1 to i32
    %sign3A_9 = arith.constant 0 : i32
    %sign3A_10 = arith.cmpi slt, %jit3A, %sign3A_9 : i32
    %sign3A_11 = arith.extui %sign3A_10 : i1 to i32
    %sign3A_12 = arith.subi %sign3A_8, %sign3A_11 : i32
    %ne3A = arith.cmpi ne, %sign3A_5, %sign3A_12 : i32
    %rem3A = arith.remsi %arg0, %jit3A : i32
    %ne3A_13 = arith.constant 0 : i32
    %ne3A_14 = arith.cmpi ne, %rem3A, %ne3A_13 : i32
    %and3A = arith.andi %ne3A, %ne3A_14 : i1
    %sub3A = arith.constant 1 : i32
    %sub3A_15 = arith.subi %div3A, %sub3A : i32
    %select_n3A = arith.select %and3A, %sub3A_15, %div3A : i32
    %jit3A_16 = arith.constant 4 : i32
    %eq3A = arith.constant 0 : i32
    %eq3A_17 = arith.cmpi eq, %jit3A_16, %eq3A : i32
    %jit3A_18 = arith.constant 1 : i32
    %select_n3A_19 = arith.select %eq3A_17, %jit3A_18, %jit3A_16 : i32
    %rem3A_20 = arith.remsi %arg0, %select_n3A_19 : i32
    %ne3A_21 = arith.constant 0 : i32
    %ne3A_22 = arith.cmpi ne, %rem3A_20, %ne3A_21 : i32
    %lt3A = arith.constant 0 : i32
    %lt3A_23 = arith.cmpi slt, %rem3A_20, %lt3A : i32
    %lt3A_24 = arith.constant 0 : i32
    %lt3A_25 = arith.cmpi slt, %select_n3A_19, %lt3A_24 : i32
    %ne3A_26 = arith.xori %lt3A_23, %lt3A_25 : i1
    %and3A_27 = arith.andi %ne3A_26, %ne3A_22 : i1
    %add3A = arith.addi %rem3A_20, %select_n3A_19 : i32
    %select_n3A_28 = arith.select %and3A_27, %add3A, %rem3A_20 : i32
    %c0_i32 = arith.constant 0 : i32
    %c0_i32_29 = arith.constant 0 : i32
    %c0_i32_30 = arith.constant 0 : i32
    return %select_n3A, %c0_i32, %select_n3A_28, %c0_i32_29 : i32, i32, i32, i32
  }
  func.func @transform_1(%arg0: i32) -> (i32, i32) {
    %c0_i32 = arith.constant 0 : i32
    %c0_i32_0 = arith.constant 0 : i32
    %c0_i32_1 = arith.constant 0 : i32
    return %c0_i32, %c0_i32_0 : i32, i32
  }
}

module attributes {stable_mosaic.version = 14 : i64} {
  func.func @_merge_body(%arg0: memref<2x128xf32, #tpu.memory_space<vmem>>, %arg1: memref<32x16x16xf32, #tpu.memory_space<vmem>>, %arg2: memref<1x1xf32, #tpu.memory_space<smem>>) attributes {dimension_semantics = [], scalar_prefetch = 0 : i64, scratch_operands = 0 : i64, tpu.core_type = #tpu.core_type<tc>} {
    %get3A = arith.constant 0 : index
    %get3A_0 = arith.constant 0 : index
    %get3A_1 = arith.constant 0 : index
    %get3A_2 = vector.load %arg1[%get3A, %get3A_0, %get3A_1] : memref<32x16x16xf32, #tpu.memory_space<vmem>>, vector<32x16x16xf32>
    %iota3A = tpu.iota {dimensions = array<i32: 1>} : vector<1x128xi32>
    %get3A_3 = arith.constant 0 : index
    %get3A_4 = arith.constant 0 : index
    %get3A_5 = vector.load %arg0[%get3A_3, %get3A_4] : memref<2x128xf32, #tpu.memory_space<vmem>>, vector<1x128xf32>
    %get3A_6 = arith.constant 1 : index
    %get3A_7 = arith.constant 0 : index
    %get3A_8 = vector.load %arg0[%get3A_6, %get3A_7] : memref<2x128xf32, #tpu.memory_space<vmem>>, vector<1x128xf32>
    %slice3A = vector.extract_strided_slice %get3A_2 {offsets = [0, 0, 0], sizes = [32, 1, 16], strides = [1, 1, 1]} : vector<32x16x16xf32> to vector<32x1x16xf32>
    %squeeze3A = vector.shape_cast %slice3A : vector<32x1x16xf32> to vector<32x16xf32>
    %reduce_sum3A = vector.shape_cast %squeeze3A : vector<32x16xf32> to vector<1x32x16xf32>
    %reduce_sum3A_9 = arith.constant dense<0.000000e+00> : vector<1xf32>
    %reduce_sum3A_10 = vector.multi_reduction <add>, %reduce_sum3A, %reduce_sum3A_9 [1, 2] : vector<1x32x16xf32> to vector<1xf32>
    %reduce_sum3A_11 = vector.shape_cast %reduce_sum3A_10 : vector<1xf32> to vector<1x1x1xf32>
    %reduce_sum3A_12 = vector.extract %reduce_sum3A_11[0, 0, 0] : f32 from vector<1x1x1xf32>
    %slice3A_13 = vector.extract_strided_slice %get3A_2 {offsets = [0, 8, 0], sizes = [32, 1, 16], strides = [1, 1, 1]} : vector<32x16x16xf32> to vector<32x1x16xf32>
    %squeeze3A_14 = vector.shape_cast %slice3A_13 : vector<32x1x16xf32> to vector<32x16xf32>
    %reduce_sum3A_15 = vector.shape_cast %squeeze3A_14 : vector<32x16xf32> to vector<1x32x16xf32>
    %reduce_sum3A_16 = arith.constant dense<0.000000e+00> : vector<1xf32>
    %reduce_sum3A_17 = vector.multi_reduction <add>, %reduce_sum3A_15, %reduce_sum3A_16 [1, 2] : vector<1x32x16xf32> to vector<1xf32>
    %reduce_sum3A_18 = vector.shape_cast %reduce_sum3A_17 : vector<1xf32> to vector<1x1x1xf32>
    %reduce_sum3A_19 = vector.extract %reduce_sum3A_18[0, 0, 0] : f32 from vector<1x1x1xf32>
    %eq3A = arith.constant 0 : i32
    %eq3A_20 = vector.broadcast %eq3A : i32 to vector<1x128xi32>
    %eq3A_21 = arith.cmpi eq, %iota3A, %eq3A_20 : vector<1x128xi32>
    %jit3A = arith.constant 0.000000e+00 : f32
    %broadcast_in_dim3A = vector.broadcast %reduce_sum3A_12 : f32 to vector<1x128xf32>
    %broadcast_in_dim3A_22 = vector.broadcast %jit3A : f32 to vector<1x128xf32>
    %select_n3A = arith.select %eq3A_21, %broadcast_in_dim3A, %broadcast_in_dim3A_22 : vector<1x128xi1>, vector<1x128xf32>
    %add3A = arith.addf %get3A_5, %select_n3A : vector<1x128xf32>
    %eq3A_23 = arith.constant 0 : i32
    %eq3A_24 = vector.broadcast %eq3A_23 : i32 to vector<1x128xi32>
    %eq3A_25 = arith.cmpi eq, %iota3A, %eq3A_24 : vector<1x128xi32>
    %jit3A_26 = arith.constant 0.000000e+00 : f32
    %broadcast_in_dim3A_27 = vector.broadcast %reduce_sum3A_19 : f32 to vector<1x128xf32>
    %broadcast_in_dim3A_28 = vector.broadcast %jit3A_26 : f32 to vector<1x128xf32>
    %select_n3A_29 = arith.select %eq3A_25, %broadcast_in_dim3A_27, %broadcast_in_dim3A_28 : vector<1x128xi1>, vector<1x128xf32>
    %add3A_30 = arith.addf %get3A_8, %select_n3A_29 : vector<1x128xf32>
    %slice3A_31 = vector.extract_strided_slice %get3A_2 {offsets = [0, 1, 0], sizes = [32, 1, 16], strides = [1, 1, 1]} : vector<32x16x16xf32> to vector<32x1x16xf32>
    %squeeze3A_32 = vector.shape_cast %slice3A_31 : vector<32x1x16xf32> to vector<32x16xf32>
    %reduce_sum3A_33 = vector.shape_cast %squeeze3A_32 : vector<32x16xf32> to vector<1x32x16xf32>
    %reduce_sum3A_34 = arith.constant dense<0.000000e+00> : vector<1xf32>
    %reduce_sum3A_35 = vector.multi_reduction <add>, %reduce_sum3A_33, %reduce_sum3A_34 [1, 2] : vector<1x32x16xf32> to vector<1xf32>
    %reduce_sum3A_36 = vector.shape_cast %reduce_sum3A_35 : vector<1xf32> to vector<1x1x1xf32>
    %reduce_sum3A_37 = vector.extract %reduce_sum3A_36[0, 0, 0] : f32 from vector<1x1x1xf32>
    %slice3A_38 = vector.extract_strided_slice %get3A_2 {offsets = [0, 9, 0], sizes = [32, 1, 16], strides = [1, 1, 1]} : vector<32x16x16xf32> to vector<32x1x16xf32>
    %squeeze3A_39 = vector.shape_cast %slice3A_38 : vector<32x1x16xf32> to vector<32x16xf32>
    %reduce_sum3A_40 = vector.shape_cast %squeeze3A_39 : vector<32x16xf32> to vector<1x32x16xf32>
    %reduce_sum3A_41 = arith.constant dense<0.000000e+00> : vector<1xf32>
    %reduce_sum3A_42 = vector.multi_reduction <add>, %reduce_sum3A_40, %reduce_sum3A_41 [1, 2] : vector<1x32x16xf32> to vector<1xf32>
    %reduce_sum3A_43 = vector.shape_cast %reduce_sum3A_42 : vector<1xf32> to vector<1x1x1xf32>
    %reduce_sum3A_44 = vector.extract %reduce_sum3A_43[0, 0, 0] : f32 from vector<1x1x1xf32>
    %eq3A_45 = arith.constant 1 : i32
    %eq3A_46 = vector.broadcast %eq3A_45 : i32 to vector<1x128xi32>
    %eq3A_47 = arith.cmpi eq, %iota3A, %eq3A_46 : vector<1x128xi32>
    %jit3A_48 = arith.constant 0.000000e+00 : f32
    %broadcast_in_dim3A_49 = vector.broadcast %reduce_sum3A_37 : f32 to vector<1x128xf32>
    %broadcast_in_dim3A_50 = vector.broadcast %jit3A_48 : f32 to vector<1x128xf32>
    %select_n3A_51 = arith.select %eq3A_47, %broadcast_in_dim3A_49, %broadcast_in_dim3A_50 : vector<1x128xi1>, vector<1x128xf32>
    %add3A_52 = arith.addf %add3A, %select_n3A_51 : vector<1x128xf32>
    %eq3A_53 = arith.constant 1 : i32
    %eq3A_54 = vector.broadcast %eq3A_53 : i32 to vector<1x128xi32>
    %eq3A_55 = arith.cmpi eq, %iota3A, %eq3A_54 : vector<1x128xi32>
    %jit3A_56 = arith.constant 0.000000e+00 : f32
    %broadcast_in_dim3A_57 = vector.broadcast %reduce_sum3A_44 : f32 to vector<1x128xf32>
    %broadcast_in_dim3A_58 = vector.broadcast %jit3A_56 : f32 to vector<1x128xf32>
    %select_n3A_59 = arith.select %eq3A_55, %broadcast_in_dim3A_57, %broadcast_in_dim3A_58 : vector<1x128xi1>, vector<1x128xf32>
    %add3A_60 = arith.addf %add3A_30, %select_n3A_59 : vector<1x128xf32>
    %slice3A_61 = vector.extract_strided_slice %get3A_2 {offsets = [0, 2, 0], sizes = [32, 1, 16], strides = [1, 1, 1]} : vector<32x16x16xf32> to vector<32x1x16xf32>
    %squeeze3A_62 = vector.shape_cast %slice3A_61 : vector<32x1x16xf32> to vector<32x16xf32>
    %reduce_sum3A_63 = vector.shape_cast %squeeze3A_62 : vector<32x16xf32> to vector<1x32x16xf32>
    %reduce_sum3A_64 = arith.constant dense<0.000000e+00> : vector<1xf32>
    %reduce_sum3A_65 = vector.multi_reduction <add>, %reduce_sum3A_63, %reduce_sum3A_64 [1, 2] : vector<1x32x16xf32> to vector<1xf32>
    %reduce_sum3A_66 = vector.shape_cast %reduce_sum3A_65 : vector<1xf32> to vector<1x1x1xf32>
    %reduce_sum3A_67 = vector.extract %reduce_sum3A_66[0, 0, 0] : f32 from vector<1x1x1xf32>
    %slice3A_68 = vector.extract_strided_slice %get3A_2 {offsets = [0, 10, 0], sizes = [32, 1, 16], strides = [1, 1, 1]} : vector<32x16x16xf32> to vector<32x1x16xf32>
    %squeeze3A_69 = vector.shape_cast %slice3A_68 : vector<32x1x16xf32> to vector<32x16xf32>
    %reduce_sum3A_70 = vector.shape_cast %squeeze3A_69 : vector<32x16xf32> to vector<1x32x16xf32>
    %reduce_sum3A_71 = arith.constant dense<0.000000e+00> : vector<1xf32>
    %reduce_sum3A_72 = vector.multi_reduction <add>, %reduce_sum3A_70, %reduce_sum3A_71 [1, 2] : vector<1x32x16xf32> to vector<1xf32>
    %reduce_sum3A_73 = vector.shape_cast %reduce_sum3A_72 : vector<1xf32> to vector<1x1x1xf32>
    %reduce_sum3A_74 = vector.extract %reduce_sum3A_73[0, 0, 0] : f32 from vector<1x1x1xf32>
    %eq3A_75 = arith.constant 2 : i32
    %eq3A_76 = vector.broadcast %eq3A_75 : i32 to vector<1x128xi32>
    %eq3A_77 = arith.cmpi eq, %iota3A, %eq3A_76 : vector<1x128xi32>
    %jit3A_78 = arith.constant 0.000000e+00 : f32
    %broadcast_in_dim3A_79 = vector.broadcast %reduce_sum3A_67 : f32 to vector<1x128xf32>
    %broadcast_in_dim3A_80 = vector.broadcast %jit3A_78 : f32 to vector<1x128xf32>
    %select_n3A_81 = arith.select %eq3A_77, %broadcast_in_dim3A_79, %broadcast_in_dim3A_80 : vector<1x128xi1>, vector<1x128xf32>
    %add3A_82 = arith.addf %add3A_52, %select_n3A_81 : vector<1x128xf32>
    %eq3A_83 = arith.constant 2 : i32
    %eq3A_84 = vector.broadcast %eq3A_83 : i32 to vector<1x128xi32>
    %eq3A_85 = arith.cmpi eq, %iota3A, %eq3A_84 : vector<1x128xi32>
    %jit3A_86 = arith.constant 0.000000e+00 : f32
    %broadcast_in_dim3A_87 = vector.broadcast %reduce_sum3A_74 : f32 to vector<1x128xf32>
    %broadcast_in_dim3A_88 = vector.broadcast %jit3A_86 : f32 to vector<1x128xf32>
    %select_n3A_89 = arith.select %eq3A_85, %broadcast_in_dim3A_87, %broadcast_in_dim3A_88 : vector<1x128xi1>, vector<1x128xf32>
    %add3A_90 = arith.addf %add3A_60, %select_n3A_89 : vector<1x128xf32>
    %slice3A_91 = vector.extract_strided_slice %get3A_2 {offsets = [0, 3, 0], sizes = [32, 1, 16], strides = [1, 1, 1]} : vector<32x16x16xf32> to vector<32x1x16xf32>
    %squeeze3A_92 = vector.shape_cast %slice3A_91 : vector<32x1x16xf32> to vector<32x16xf32>
    %reduce_sum3A_93 = vector.shape_cast %squeeze3A_92 : vector<32x16xf32> to vector<1x32x16xf32>
    %reduce_sum3A_94 = arith.constant dense<0.000000e+00> : vector<1xf32>
    %reduce_sum3A_95 = vector.multi_reduction <add>, %reduce_sum3A_93, %reduce_sum3A_94 [1, 2] : vector<1x32x16xf32> to vector<1xf32>
    %reduce_sum3A_96 = vector.shape_cast %reduce_sum3A_95 : vector<1xf32> to vector<1x1x1xf32>
    %reduce_sum3A_97 = vector.extract %reduce_sum3A_96[0, 0, 0] : f32 from vector<1x1x1xf32>
    %slice3A_98 = vector.extract_strided_slice %get3A_2 {offsets = [0, 11, 0], sizes = [32, 1, 16], strides = [1, 1, 1]} : vector<32x16x16xf32> to vector<32x1x16xf32>
    %squeeze3A_99 = vector.shape_cast %slice3A_98 : vector<32x1x16xf32> to vector<32x16xf32>
    %reduce_sum3A_100 = vector.shape_cast %squeeze3A_99 : vector<32x16xf32> to vector<1x32x16xf32>
    %reduce_sum3A_101 = arith.constant dense<0.000000e+00> : vector<1xf32>
    %reduce_sum3A_102 = vector.multi_reduction <add>, %reduce_sum3A_100, %reduce_sum3A_101 [1, 2] : vector<1x32x16xf32> to vector<1xf32>
    %reduce_sum3A_103 = vector.shape_cast %reduce_sum3A_102 : vector<1xf32> to vector<1x1x1xf32>
    %reduce_sum3A_104 = vector.extract %reduce_sum3A_103[0, 0, 0] : f32 from vector<1x1x1xf32>
    %eq3A_105 = arith.constant 3 : i32
    %eq3A_106 = vector.broadcast %eq3A_105 : i32 to vector<1x128xi32>
    %eq3A_107 = arith.cmpi eq, %iota3A, %eq3A_106 : vector<1x128xi32>
    %jit3A_108 = arith.constant 0.000000e+00 : f32
    %broadcast_in_dim3A_109 = vector.broadcast %reduce_sum3A_97 : f32 to vector<1x128xf32>
    %broadcast_in_dim3A_110 = vector.broadcast %jit3A_108 : f32 to vector<1x128xf32>
    %select_n3A_111 = arith.select %eq3A_107, %broadcast_in_dim3A_109, %broadcast_in_dim3A_110 : vector<1x128xi1>, vector<1x128xf32>
    %add3A_112 = arith.addf %add3A_82, %select_n3A_111 : vector<1x128xf32>
    %eq3A_113 = arith.constant 3 : i32
    %eq3A_114 = vector.broadcast %eq3A_113 : i32 to vector<1x128xi32>
    %eq3A_115 = arith.cmpi eq, %iota3A, %eq3A_114 : vector<1x128xi32>
    %jit3A_116 = arith.constant 0.000000e+00 : f32
    %broadcast_in_dim3A_117 = vector.broadcast %reduce_sum3A_104 : f32 to vector<1x128xf32>
    %broadcast_in_dim3A_118 = vector.broadcast %jit3A_116 : f32 to vector<1x128xf32>
    %select_n3A_119 = arith.select %eq3A_115, %broadcast_in_dim3A_117, %broadcast_in_dim3A_118 : vector<1x128xi1>, vector<1x128xf32>
    %add3A_120 = arith.addf %add3A_90, %select_n3A_119 : vector<1x128xf32>
    %slice3A_121 = vector.extract_strided_slice %get3A_2 {offsets = [0, 4, 0], sizes = [32, 1, 16], strides = [1, 1, 1]} : vector<32x16x16xf32> to vector<32x1x16xf32>
    %squeeze3A_122 = vector.shape_cast %slice3A_121 : vector<32x1x16xf32> to vector<32x16xf32>
    %reduce_sum3A_123 = vector.shape_cast %squeeze3A_122 : vector<32x16xf32> to vector<1x32x16xf32>
    %reduce_sum3A_124 = arith.constant dense<0.000000e+00> : vector<1xf32>
    %reduce_sum3A_125 = vector.multi_reduction <add>, %reduce_sum3A_123, %reduce_sum3A_124 [1, 2] : vector<1x32x16xf32> to vector<1xf32>
    %reduce_sum3A_126 = vector.shape_cast %reduce_sum3A_125 : vector<1xf32> to vector<1x1x1xf32>
    %reduce_sum3A_127 = vector.extract %reduce_sum3A_126[0, 0, 0] : f32 from vector<1x1x1xf32>
    %slice3A_128 = vector.extract_strided_slice %get3A_2 {offsets = [0, 12, 0], sizes = [32, 1, 16], strides = [1, 1, 1]} : vector<32x16x16xf32> to vector<32x1x16xf32>
    %squeeze3A_129 = vector.shape_cast %slice3A_128 : vector<32x1x16xf32> to vector<32x16xf32>
    %reduce_sum3A_130 = vector.shape_cast %squeeze3A_129 : vector<32x16xf32> to vector<1x32x16xf32>
    %reduce_sum3A_131 = arith.constant dense<0.000000e+00> : vector<1xf32>
    %reduce_sum3A_132 = vector.multi_reduction <add>, %reduce_sum3A_130, %reduce_sum3A_131 [1, 2] : vector<1x32x16xf32> to vector<1xf32>
    %reduce_sum3A_133 = vector.shape_cast %reduce_sum3A_132 : vector<1xf32> to vector<1x1x1xf32>
    %reduce_sum3A_134 = vector.extract %reduce_sum3A_133[0, 0, 0] : f32 from vector<1x1x1xf32>
    %eq3A_135 = arith.constant 4 : i32
    %eq3A_136 = vector.broadcast %eq3A_135 : i32 to vector<1x128xi32>
    %eq3A_137 = arith.cmpi eq, %iota3A, %eq3A_136 : vector<1x128xi32>
    %jit3A_138 = arith.constant 0.000000e+00 : f32
    %broadcast_in_dim3A_139 = vector.broadcast %reduce_sum3A_127 : f32 to vector<1x128xf32>
    %broadcast_in_dim3A_140 = vector.broadcast %jit3A_138 : f32 to vector<1x128xf32>
    %select_n3A_141 = arith.select %eq3A_137, %broadcast_in_dim3A_139, %broadcast_in_dim3A_140 : vector<1x128xi1>, vector<1x128xf32>
    %add3A_142 = arith.addf %add3A_112, %select_n3A_141 : vector<1x128xf32>
    %eq3A_143 = arith.constant 4 : i32
    %eq3A_144 = vector.broadcast %eq3A_143 : i32 to vector<1x128xi32>
    %eq3A_145 = arith.cmpi eq, %iota3A, %eq3A_144 : vector<1x128xi32>
    %jit3A_146 = arith.constant 0.000000e+00 : f32
    %broadcast_in_dim3A_147 = vector.broadcast %reduce_sum3A_134 : f32 to vector<1x128xf32>
    %broadcast_in_dim3A_148 = vector.broadcast %jit3A_146 : f32 to vector<1x128xf32>
    %select_n3A_149 = arith.select %eq3A_145, %broadcast_in_dim3A_147, %broadcast_in_dim3A_148 : vector<1x128xi1>, vector<1x128xf32>
    %add3A_150 = arith.addf %add3A_120, %select_n3A_149 : vector<1x128xf32>
    %slice3A_151 = vector.extract_strided_slice %get3A_2 {offsets = [0, 5, 0], sizes = [32, 1, 16], strides = [1, 1, 1]} : vector<32x16x16xf32> to vector<32x1x16xf32>
    %squeeze3A_152 = vector.shape_cast %slice3A_151 : vector<32x1x16xf32> to vector<32x16xf32>
    %reduce_sum3A_153 = vector.shape_cast %squeeze3A_152 : vector<32x16xf32> to vector<1x32x16xf32>
    %reduce_sum3A_154 = arith.constant dense<0.000000e+00> : vector<1xf32>
    %reduce_sum3A_155 = vector.multi_reduction <add>, %reduce_sum3A_153, %reduce_sum3A_154 [1, 2] : vector<1x32x16xf32> to vector<1xf32>
    %reduce_sum3A_156 = vector.shape_cast %reduce_sum3A_155 : vector<1xf32> to vector<1x1x1xf32>
    %reduce_sum3A_157 = vector.extract %reduce_sum3A_156[0, 0, 0] : f32 from vector<1x1x1xf32>
    %slice3A_158 = vector.extract_strided_slice %get3A_2 {offsets = [0, 13, 0], sizes = [32, 1, 16], strides = [1, 1, 1]} : vector<32x16x16xf32> to vector<32x1x16xf32>
    %squeeze3A_159 = vector.shape_cast %slice3A_158 : vector<32x1x16xf32> to vector<32x16xf32>
    %reduce_sum3A_160 = vector.shape_cast %squeeze3A_159 : vector<32x16xf32> to vector<1x32x16xf32>
    %reduce_sum3A_161 = arith.constant dense<0.000000e+00> : vector<1xf32>
    %reduce_sum3A_162 = vector.multi_reduction <add>, %reduce_sum3A_160, %reduce_sum3A_161 [1, 2] : vector<1x32x16xf32> to vector<1xf32>
    %reduce_sum3A_163 = vector.shape_cast %reduce_sum3A_162 : vector<1xf32> to vector<1x1x1xf32>
    %reduce_sum3A_164 = vector.extract %reduce_sum3A_163[0, 0, 0] : f32 from vector<1x1x1xf32>
    %eq3A_165 = arith.constant 5 : i32
    %eq3A_166 = vector.broadcast %eq3A_165 : i32 to vector<1x128xi32>
    %eq3A_167 = arith.cmpi eq, %iota3A, %eq3A_166 : vector<1x128xi32>
    %jit3A_168 = arith.constant 0.000000e+00 : f32
    %broadcast_in_dim3A_169 = vector.broadcast %reduce_sum3A_157 : f32 to vector<1x128xf32>
    %broadcast_in_dim3A_170 = vector.broadcast %jit3A_168 : f32 to vector<1x128xf32>
    %select_n3A_171 = arith.select %eq3A_167, %broadcast_in_dim3A_169, %broadcast_in_dim3A_170 : vector<1x128xi1>, vector<1x128xf32>
    %add3A_172 = arith.addf %add3A_142, %select_n3A_171 : vector<1x128xf32>
    %eq3A_173 = arith.constant 5 : i32
    %eq3A_174 = vector.broadcast %eq3A_173 : i32 to vector<1x128xi32>
    %eq3A_175 = arith.cmpi eq, %iota3A, %eq3A_174 : vector<1x128xi32>
    %jit3A_176 = arith.constant 0.000000e+00 : f32
    %broadcast_in_dim3A_177 = vector.broadcast %reduce_sum3A_164 : f32 to vector<1x128xf32>
    %broadcast_in_dim3A_178 = vector.broadcast %jit3A_176 : f32 to vector<1x128xf32>
    %select_n3A_179 = arith.select %eq3A_175, %broadcast_in_dim3A_177, %broadcast_in_dim3A_178 : vector<1x128xi1>, vector<1x128xf32>
    %add3A_180 = arith.addf %add3A_150, %select_n3A_179 : vector<1x128xf32>
    %slice3A_181 = vector.extract_strided_slice %get3A_2 {offsets = [0, 6, 0], sizes = [32, 1, 16], strides = [1, 1, 1]} : vector<32x16x16xf32> to vector<32x1x16xf32>
    %squeeze3A_182 = vector.shape_cast %slice3A_181 : vector<32x1x16xf32> to vector<32x16xf32>
    %reduce_sum3A_183 = vector.shape_cast %squeeze3A_182 : vector<32x16xf32> to vector<1x32x16xf32>
    %reduce_sum3A_184 = arith.constant dense<0.000000e+00> : vector<1xf32>
    %reduce_sum3A_185 = vector.multi_reduction <add>, %reduce_sum3A_183, %reduce_sum3A_184 [1, 2] : vector<1x32x16xf32> to vector<1xf32>
    %reduce_sum3A_186 = vector.shape_cast %reduce_sum3A_185 : vector<1xf32> to vector<1x1x1xf32>
    %reduce_sum3A_187 = vector.extract %reduce_sum3A_186[0, 0, 0] : f32 from vector<1x1x1xf32>
    %slice3A_188 = vector.extract_strided_slice %get3A_2 {offsets = [0, 14, 0], sizes = [32, 1, 16], strides = [1, 1, 1]} : vector<32x16x16xf32> to vector<32x1x16xf32>
    %squeeze3A_189 = vector.shape_cast %slice3A_188 : vector<32x1x16xf32> to vector<32x16xf32>
    %reduce_sum3A_190 = vector.shape_cast %squeeze3A_189 : vector<32x16xf32> to vector<1x32x16xf32>
    %reduce_sum3A_191 = arith.constant dense<0.000000e+00> : vector<1xf32>
    %reduce_sum3A_192 = vector.multi_reduction <add>, %reduce_sum3A_190, %reduce_sum3A_191 [1, 2] : vector<1x32x16xf32> to vector<1xf32>
    %reduce_sum3A_193 = vector.shape_cast %reduce_sum3A_192 : vector<1xf32> to vector<1x1x1xf32>
    %reduce_sum3A_194 = vector.extract %reduce_sum3A_193[0, 0, 0] : f32 from vector<1x1x1xf32>
    %eq3A_195 = arith.constant 6 : i32
    %eq3A_196 = vector.broadcast %eq3A_195 : i32 to vector<1x128xi32>
    %eq3A_197 = arith.cmpi eq, %iota3A, %eq3A_196 : vector<1x128xi32>
    %jit3A_198 = arith.constant 0.000000e+00 : f32
    %broadcast_in_dim3A_199 = vector.broadcast %reduce_sum3A_187 : f32 to vector<1x128xf32>
    %broadcast_in_dim3A_200 = vector.broadcast %jit3A_198 : f32 to vector<1x128xf32>
    %select_n3A_201 = arith.select %eq3A_197, %broadcast_in_dim3A_199, %broadcast_in_dim3A_200 : vector<1x128xi1>, vector<1x128xf32>
    %add3A_202 = arith.addf %add3A_172, %select_n3A_201 : vector<1x128xf32>
    %eq3A_203 = arith.constant 6 : i32
    %eq3A_204 = vector.broadcast %eq3A_203 : i32 to vector<1x128xi32>
    %eq3A_205 = arith.cmpi eq, %iota3A, %eq3A_204 : vector<1x128xi32>
    %jit3A_206 = arith.constant 0.000000e+00 : f32
    %broadcast_in_dim3A_207 = vector.broadcast %reduce_sum3A_194 : f32 to vector<1x128xf32>
    %broadcast_in_dim3A_208 = vector.broadcast %jit3A_206 : f32 to vector<1x128xf32>
    %select_n3A_209 = arith.select %eq3A_205, %broadcast_in_dim3A_207, %broadcast_in_dim3A_208 : vector<1x128xi1>, vector<1x128xf32>
    %add3A_210 = arith.addf %add3A_180, %select_n3A_209 : vector<1x128xf32>
    %log3A = math.log %add3A_210 : vector<1x128xf32>
    %mul3A = arith.constant 2.000000e-01 : f32
    %mul3A_211 = vector.broadcast %mul3A : f32 to vector<1x128xf32>
    %mul3A_212 = arith.mulf %log3A, %mul3A_211 : vector<1x128xf32>
    %exp3A = math.exp %mul3A_212 : vector<1x128xf32>
    %mul3A_213 = arith.constant 6.553600e+04 : f32
    %mul3A_214 = vector.broadcast %mul3A_213 : f32 to vector<1x128xf32>
    %mul3A_215 = arith.mulf %exp3A, %mul3A_214 : vector<1x128xf32>
    %max3A = arith.constant 1.000000e+00 : f32
    %max3A_216 = vector.broadcast %max3A : f32 to vector<1x128xf32>
    %max3A_217 = arith.maximumf %mul3A_215, %max3A_216 : vector<1x128xf32>
    %div3A = arith.divf %add3A_202, %max3A_217 : vector<1x128xf32>
    %reduce_sum3A_218 = vector.shape_cast %div3A : vector<1x128xf32> to vector<1x1x128xf32>
    %reduce_sum3A_219 = arith.constant dense<0.000000e+00> : vector<1xf32>
    %reduce_sum3A_220 = vector.multi_reduction <add>, %reduce_sum3A_218, %reduce_sum3A_219 [1, 2] : vector<1x1x128xf32> to vector<1xf32>
    %reduce_sum3A_221 = vector.shape_cast %reduce_sum3A_220 : vector<1xf32> to vector<1x1x1xf32>
    %reduce_sum3A_222 = vector.extract %reduce_sum3A_221[0, 0, 0] : f32 from vector<1x1x1xf32>
    %neg3A = arith.constant 0.000000e+00 : f32
    %neg3A_223 = arith.subf %neg3A, %reduce_sum3A_222 : f32
    %mul3A_224 = arith.constant 0.0357142873 : f32
    %mul3A_225 = arith.mulf %neg3A_223, %mul3A_224 : f32
    %swap3A = arith.constant 0 : index
    %swap3A_226 = arith.constant 0 : index
    %swap3A_227 = memref.load %arg2[%swap3A, %swap3A_226] : memref<1x1xf32, #tpu.memory_space<smem>>
    memref.store %mul3A_225, %arg2[%swap3A, %swap3A_226] : memref<1x1xf32, #tpu.memory_space<smem>>
    return
  }
}

</mosaic_0001>

<sc_bundles>
// kernel: kernel.5.cloned.1.call-start
scs
__scs_entry_jumppad:
0x0: {  	(pc) =	sbr.rel $0x88, $3  }
0x1: {  	(tag) =	ssettag $0x0;
	lr =	simm.s32 $0x1  }
0x2: {  	[smem:$0x3FA0] =	sst lr;
	_ =	strace $0xD0000000  }
0x3: {  	_ = 	snop  }
0x4: {  	_ = 	snop  }
0x5: {  	_ = 	snop  }
0x6: {  	_ = 	snop  }
0x7: {  	_ = 	snop  }
__scs_overlays_trampoline_lowered:
0x8: {  	[smem:$0x3FAF] =	sst s0  }
0x9: {  	[smem:$0x3FB0] =	sst s1  }
0xa: {  	[smem:$0x3FB1] =	sst s2  }
0xb: {  	[smem:$0x3FB2] =	sst s3  }
0xc: {  	[smem:$0x3FB3] =	sst s4  }
0xd: {  	[smem:$0x3FB4] =	sst s5  }
0xe: {  	[smem:$0x3FB5] =	sst s6  }
0xf: {  	[smem:$0x3FB6] =	sst s7  }
0x10: {  	[smem:$0x3FB7] =	sst s8  }
0x11: {  	[smem:$0x3FB8] =	sst s9;
	s0 =	simm.s32 @!p0 $0x0  }
0x12: {  	s1 =	sld [smem:$0x3F9E];
	s0 =	simm.s32 @p0 $0x1  }
0x13: {  	[smem:$0x3FB9] =	sst s0;
	s0 =	simm.s32 @!p1 $0x0  }
0x14: {  	s2 =	sld [smem:$0x3F9D];
	s0 =	simm.s32 @p1 $0x1  }
0x15: {  	[smem:$0x3FBA] =	sst s0;
	s0 =	simm.s32 @!p2 $0x0  }
0x16: {  	s3 =	sld [smem:$0x3FDB];
	s0 =	simm.s32 @p2 $0x1  }
0x17: {  	s4 =	simm.s32 $0x1BF5;
	[smem:$0x3FBC] =	sst s0  }
0x18: {  	s0 =	sld [smem:$0x3F9F];
	_ =	swait.ge [sflag:s4], $0x0  }
0x19: {  	s7 =	sld [smem:$0x3FA0]  }
0x1a: {  	s8 =	sadd.s32 $0xFFFFE003, lr  }
0x1b: {  	s9 =	sadd.s32 $0xFFFFFEF7, lr;
	s5 =	simm.s32 $0xFFFFFFFF;
	p2 =	slt.u32 s8, $0xFFFFF086  }
0x1c: {  	p1 =	slt.u32 s9, $0xF7A;
	s5 =	simm.s32 @!p2 $0x0  }
0x1d: {  	s5 =	simm.s32 @p1 $0x1;
	p0 =	seq.s32 s7, s2  }
0x1e: {  	s7 =	smul.u32 @!p0 $0xF7A, s2;
	p2 =	seq.s32 @!p0 s5, $0x0  }
0x1f: {  	s9 =	smul.u32 $0xF7A, s1;
	s8 =	simm.s32 @!p0 $0x1BF5;
	p2 =	por !p2, p0  }
0x20: {  	[sflag:s8] =	ssyncset.s32 @!p0 $0xFFFFF086;
	s6 =	sadd.s32 @!p0 s3, s7;
	s7 =	simm.s32 @!p0 $0x108  }
0x21: {  	s3 =	sadd.s32 s3, s9;
	s6 =	sadd.s32 @!p0 $0x88, s6;
	s7 =	simm.s32 @p2 $0x1082  }
0x22: {  	[simem:s7], [sflag:s8] =	dma.local @!p0 [hbm:s6], $0xF7A  }
0x23: {  	s9 =	sor.u32 $0xD0000000, s2;
	s6 =	simm.s32 $0x108;
	_ =	swait.ge @!p0 [sflag:s8], $0x0  }
0x24: {  	s3 =	sadd.s32 $0x88, s3;
	s6 =	simm.s32 @!p1 $0x1082;
	[sflag:s4] =	ssyncset.s32 $0xFFFFF086  }
0x25: {  	[simem:s6], [sflag:s4] =	dma.local [hbm:s3], $0xF7A  }
0x26: {  	[smem:$0x3FA0] =	sst s1;
	(tag) =	ssettag s2;
	_ =	strace s9  }
0x27: {  	s1 =	sld [smem:$0x3FB0]  }
0x28: {  	s2 =	sld [smem:$0x3FB1]  }
0x29: {  	s4 =	sld [smem:$0x3FB3]  }
0x2a: {  	p0 =	seq.s32 s5, $0x0;
	s5 =	sld [smem:$0x3FB4]  }
0x2b: {  	s6 =	sld [smem:$0x3FB5]  }
0x2c: {  	s7 =	sld [smem:$0x3FB6]  }
0x2d: {  	s3 =	simm.s32 $0x108;
	s8 =	sld [smem:$0x3FB7]  }
0x2e: {  	s3 =	simm.s32 @!p0 $0x1082;
	s9 =	sld [smem:$0x3FB8]  }
0x2f: {  	lr =	sadd.s32 s0, s3;
	s0 =	sld [smem:$0x3FAF]  }
0x30: {  	s3 =	sld [smem:$0x3FB2]  }
0x31: {  	[smem:$0x3FBB] =	sst s10  }
0x32: {  	s10 =	sld [smem:$0x3FB9];
	_ =	sdelay $0x3  }
0x33: {  	p0 =	seq.s32 s10, $0x1;
	s10 =	sld [smem:$0x3FBB];
	_ =	sdelay $0x3  }
0x34: {  	[smem:$0x3FBB] =	sst s10  }
0x35: {  	s10 =	sld [smem:$0x3FBA];
	_ =	sdelay $0x3  }
0x36: {  	p1 =	seq.s32 s10, $0x1;
	s10 =	sld [smem:$0x3FBB];
	_ =	sdelay $0x3  }
0x37: {  	[smem:$0x3FBB] =	sst s10  }
0x38: {  	s10 =	sld [smem:$0x3FBC]  }
0x39: {  	_ = 	snop;
	(pc) =	sbr.ind lr, $3  }
0x3a: {  	_ = 	snop  }
0x3b: {  	_ = 	snop  }
0x3c: {  	p2 =	seq.s32 s10, $0x1;
	s10 =	sld [smem:$0x3FBB]  }
0x3d: {  	_ =	shalt  }
0x3e: {  	_ =	shalt  }
0x3f: {  	_ =	shalt  }
0x40: {  	_ =	shalt  }
0x41: {  	_ =	shalt  }
0x42: {  	_ =	shalt  }
0x43: {  	_ =	shalt  }
0x44: {  	_ =	shalt  }
0x45: {  	_ =	shalt  }
0x46: {  	_ =	shalt  }
0x47: {  	_ =	shalt  }
0x48: {  	_ =	shalt  }
0x49: {  	_ =	shalt  }
0x4a: {  	_ =	shalt  }
0x4b: {  	_ =	shalt  }
0x4c: {  	_ =	shalt  }
0x4d: {  	_ =	shalt  }
0x4e: {  	_ =	shalt  }
0x4f: {  	_ =	shalt  }
0x50: {  	_ =	shalt  }
0x51: {  	_ =	shalt  }
0x52: {  	_ =	shalt  }
0x53: {  	_ =	shalt  }
0x54: {  	_ =	shalt  }
0x55: {  	_ =	shalt  }
0x56: {  	_ =	shalt  }
0x57: {  	_ =	shalt  }
0x58: {  	_ =	shalt  }
0x59: {  	_ =	shalt  }
0x5a: {  	_ =	shalt  }
0x5b: {  	_ =	shalt  }
0x5c: {  	_ =	shalt  }
0x5d: {  	_ =	shalt  }
0x5e: {  	_ =	shalt  }
0x5f: {  	_ =	shalt  }
0x60: {  	_ =	shalt  }
0x61: {  	_ =	shalt  }
0x62: {  	_ =	shalt  }
0x63: {  	_ =	shalt  }
0x64: {  	_ =	shalt  }
0x65: {  	_ =	shalt  }
0x66: {  	_ =	shalt  }
0x67: {  	_ =	shalt  }
0x68: {  	_ =	shalt  }
0x69: {  	_ =	shalt  }
0x6a: {  	_ =	shalt  }
0x6b: {  	_ =	shalt  }
0x6c: {  	_ =	shalt  }
0x6d: {  	_ =	shalt  }
0x6e: {  	_ =	shalt  }
0x6f: {  	_ =	shalt  }
0x70: {  	_ =	shalt  }
0x71: {  	_ =	shalt  }
0x72: {  	_ =	shalt  }
0x73: {  	_ =	shalt  }
0x74: {  	_ =	shalt  }
0x75: {  	_ =	shalt  }
0x76: {  	_ =	shalt  }
0x77: {  	_ =	shalt  }
0x78: {  	_ =	shalt  }
0x79: {  	_ =	shalt  }
0x7a: {  	_ =	shalt  }
0x7b: {  	_ =	shalt  }
0x7c: {  	_ =	shalt  }
0x7d: {  	_ =	shalt  }
0x7e: {  	_ =	shalt  }
0x7f: {  	_ =	shalt  }
0x80: {  	_ =	shalt  }
0x81: {  	_ =	shalt  }
0x82: {  	_ =	shalt  }
0x83: {  	_ =	shalt  }
0x84: {  	_ =	shalt  }
0x85: {  	_ =	shalt  }
0x86: {  	_ =	shalt  }
0x87: {  	_ =	shalt  }
.Lfunc_end0:
.L_simem_size_0:
called_computation_lowered:
.L_overlay_start_0:
0x88: {  	s2 =	sld [smem:$0x3FD9]  }
0x89: {  	s3 =	sld [smem:$0x3FFE];
	_ =	sdelay $0x1  }
0x8a: {  	s1 =	srdreg.scid  }
0x8b: {  	s0 =	sand.u32 $0x1, s1  }
0x8c: {  	s17 =	sshll.u32 s0, $0xA;
	s2 =	sadd.s32 s3, s2  }
0x8d: {  	s2 =	sadd.s32 s2, s17  }
0x8e: {  	[smem:$0x3FC7] =	sst s2  }
0x8f: {  	_ = 	snop  }
0x90: {  	s2 =	sld [smem:$0x3FC9];
	(tm) =	ssettm $0x1  }
0x91: {  	s18 =	sld [smem:$0x3FFB];
	_ =	sdelay $0x3  }
0x92: {  	_ =	strace s18  }
0x93: {  	s3 =	sld [smem:$0x3FFC];
	_ =	sdelay $0x3  }
0x94: {  	_ =	strace s3  }
0x95: {  	s3 =	sld [smem:$0x3FFD];
	_ =	sdelay $0x3  }
0x96: {  	_ =	strace s3  }
0x97: {  	_ =	strace $0x8FFFFFFF  }
0x98: {  	s19 =	sld [smem:$0x3FDB];
	_ =	sdelay $0x1  }
0x99: {  	s4 =	simm.s32 $_scs_section_size  }
0x9a: {  	s5 =	simm.s32 $_size__tile_overlayer_lowered;
	s6 =	simm.s32 $_tile_overlayer_lowered  }
0x9b: {  	s22 =	simm.s32 $0x1BFF;
	s21 =	sshll.u32 s6, $0x1;
	s3 =	sadd.s32 s4, s19  }
0x9c: {  	s7 =	simm.s32 $0x0;
	s20 =	sshll.u32 s5, $0x1;
	s5 =	sadd.s32 s21, s3  }
0x9d: {  	[timem:s7], [sflag:s22] =	dma.local [hbm:s5], s20  }
0x9e: {  	_ =	swait.ge [sflag:s22], s20  }
0x9f: {  	s4 =	ssub.s32 $0x0, s20;
	[sflag:s22] =	ssyncset.done $0x0  }
0xa0: {  	[sflag:s22] =	ssyncadd.s32 s4;
	_ =	sdelay $0x1  }
0xa1: {  	s23 =	simm.s32 $0x1B8B  }
0xa2: {  	_ =	swait.ge [sflag:s23], $0x1  }
0xa3: {  	[sflag:s23] =	ssyncset.done $0x0  }
0xa4: {  	s25 =	simm.s32 $0x1B8E;
	s24 =	sld [smem:$0x3FFE];
	[sflag:s23] =	ssyncadd.s32 $0xFFFFFFFF  }
0xa5: {  	s26 =	simm.s32 $execute0_lowered;
	[smem:$0x3FD2] =	sst s25  }
0xa6: {  	s5 =	sshll.u32 s26, $0x1;
	_ =	strace $0x80000046;
	[dreg:$0x1] =	wrdreg $0xFFFFFFFF  }
0xa7: {  	s28 =	simm.s32 $_size_execute0_lowered;
	s3 =	sadd.s32 s3, s5;
	[dreg:$0x0] =	wrdreg $0x0  }
0xa8: {  	s5 =	sshll.u32 s28, $0x1;
	[dreg:$0x2] =	wrdreg s3  }
0xa9: {  	[dreg:$0x3] =	wrdreg s5  }
0xaa: {  	[dreg:$0x4] =	wrdreg $0xC0  }
0xab: {  	_ =	task [dreg:s7], $0x5FFFF  }
0xac: {  	[dreg:$0x1] =	wrdreg $0xFFFFFFFF  }
0xad: {  	[dreg:$0x0] =	wrdreg $0x60  }
0xae: {  	[dreg:$0x2] =	wrdreg s2  }
0xaf: {  	[dreg:$0x3] =	wrdreg s24  }
0xb0: {  	[dreg:$0x4] =	wrdreg $0x9  }
0xb1: {  	_ =	task.clear_ibuf [dreg:s7], $0x5FFFF;
	_ =	strace $0x90000046  }
0xb2: {  	s29 =	simm.s32 $0x9;
	_ =	strace $0x80000048  }
0xb3: {  	_ =	swait.ge [sflag:s29], $0x1  }
0xb4: {  	[sflag:s29] =	ssyncadd.s32 $0xFFFFFFFF  }
0xb5: {  	_ =	strace $0x90000048  }
0xb6: {  	_ =	sfence  }
0xb7: {  	s30 =	sld [smem:$0x0];
	_ =	sdelay $0x2  }
0xb8: {  	s31 =	sshll.u32 s1, $0xD;
	s1 =	sshrl.u32 s1, $0x2  }
0xb9: {  	s3 =	sand.u32 $0x4000, s31;
	s1 =	sadd.s32 s1, s30  }
0xba: {  	s0 =	sor.u32 s3, s0;
	s1 =	sshll.u32 s1, $0x11  }
0xbb: {  	s0 =	sor.u32 s1, s0  }
0xbc: {  	s0 =	sadd.s32 $0x8F2B, s0  }
0xbd: {  	[sflag:s0] =	ssyncadd.remote.s32 $0x1  }
0xbe: {  	_ =	sfence.sel $0xFFFF  }
0xbf: {  	[dreg:$0x0] =	wrdreg $0xFFFFFFFF;
	(pc) =	sbr.abs _section_cstart, $3  }
0xc0: {  	[dreg:$0x1] =	wrdreg $0xFFFFFFFF  }
0xc1: {  	_ =	task.clear_ibuf [dreg:s7], $0x2FFFF;
	_ =	strace $0x9FFFFFFF  }
0xc2: {  	(tm) =	ssettm $0x7FFFFFFF  }
0xc3: {  	_ =	shalt  }
tec
execute0_lowered:
.L_overlay_start_1:
0x0: {  	(tag) =	ssettag $0x1  }
0x1: {  	s0 =	srdreg.scid;
	s6 =	stileid.u32  }
0x2: {  	s0 =	sand.u32 $0x1, s0;
	s1 =	sshll.u32 s6, $0x1  }
0x3: {  	s1 =	sor.u32 s0, s1  }
0x4: {  	p1 =	seq.s32 s0, $0x1;
	p0 =	seq.s32 s1, $0x0  }
0x5: {  	p0 =	por !p0, !p1  }
0x6: {  	s4 =	rddreg [dreg:$0x0];
	s2 =	simm.s32 $0x1;
	p0 =	por !p0, !p0  }
0x7: {  	s3 =	rddreg [dreg:$0x1];
	s29 =	simm.s32 $0x2;
	s2 =	simm.s32 @!p0 $0x0  }
0x8: {  	s30 =	simm.s32 $0x0;
	s5 =	sshrl.u32 s6, $0x2;
	s6 =	ssub.s32 s6, s2  }
0x9: {  	s5 =	smul.u32 $0x4C0000, s5;
	s7 =	sshll.u32 s0, $0xB;
	s6 =	sshll.u32 s6, $0xC  }
0xa: {  	s0 =	ssub.s32 $0x2, s0;
	s1 =	sshll.u32 s1, $0x5;
	s6 =	sand.u32 $0x3000, s6  }
0xb: {  	s31 =	sshrl.u32 s0, $0x1;
	s1 =	sadd.s32 s1, s3;
	s5 =	sor.u32 s5, s6  }
0xc: {  	s0 =	ssub.s32 s0, s31;
	s3 =	simm.s32 $0x1;
	s5 =	sor.u32 s7, s5  }
0xd: {  	s23 =	sadd.s32 $0x400, s1;
	s2 =	simm.s32 $0x0;
	s5 =	sshrl.u32 s5, $0x3  }
0xe: {  	s24 =	smax.u32 s0, $0x1;
	[smem:$0x7FF] =	sst s2;
	s22 =	sadd.s32 s4, s5  }
0xf: {  	_ =	strace $0x80000047;
	s4 =	sadd.s32 $0x7800, s22;
	s5 =	sadd.s32 $0xF800, s22  }
0x10: {  	s6 =	sadd.s32 $0x17800, s22;
	s7 =	sadd.s32 $0x1F800, s22;
	s8 =	sadd.s32 $0x27800, s22  }
0x11: {  	s9 =	sadd.s32 $0x2F800, s22;
	s10 =	sadd.s32 $0x37800, s22;
	s11 =	sadd.s32 $0x3F800, s22  }
0x12: {  	s12 =	sadd.s32 $0x47800, s22;
	s13 =	sadd.s32 $0x4F800, s22;
	s14 =	sadd.s32 $0x57800, s22  }
0x13: {  	s15 =	sadd.s32 $0x5F800, s22;
	s16 =	sadd.s32 $0x67800, s22;
	s17 =	sadd.s32 $0x6F800, s22  }
0x14: {  	s18 =	sadd.s32 $0x77800, s22;
	s19 =	sadd.s32 $0x7F800, s22;
	s20 =	sadd.s32 $0x87800, s22  }
0x15: {  	v0 =	vimm.s32 $0x0;
	v1 =	vimm.f32 $0.0e+00;
	v2 =	vimm.f32 $1.000000000e+00;
	s21 =	sadd.s32 $0x8F800, s22;
	s22 =	sadd.s32 $0x97800, s22;
	[dreg:$0x3] =	wrdreg s4  }
.LBB2_1:
0x16: {  	s0 =	rddreg [dreg:$0x3]  }
0x17: {  	[tilespmem:s2], [sflag:$0x1] =	stream.linear.gather [hbm4b:s0+s2], $0x800, $0x38;
	[tilespmem:$0x9900] =	vst v63  }
0x18: {  	s26 =	simm.s32 $0x800  }
0x19: {  	[tilespmem:s26], [sflag:$0x1] =	stream.linear.gather [hbm4b:s5+s2], $0x800, $0x38;
	[tilespmem:$0x9900] =	vst v63  }
0x1a: {  	s28 =	simm.s32 $0x1000  }
0x1b: {  	[tilespmem:s28], [sflag:$0x1] =	stream.linear.gather [hbm4b:s6+s2], $0x800, $0x38;
	[tilespmem:$0x9900] =	vst v63  }
0x1c: {  	s1 =	simm.s32 $0x1800  }
0x1d: {  	[tilespmem:s1], [sflag:$0x1] =	stream.linear.gather [hbm4b:s7+s2], $0x800, $0x38;
	[tilespmem:$0x9900] =	vst v63  }
0x1e: {  	s4 =	simm.s32 $0x2000  }
0x1f: {  	[tilespmem:s4], [sflag:$0x1] =	stream.linear.gather [hbm4b:s8+s2], $0x800, $0x38;
	[tilespmem:$0x9900] =	vst v63  }
0x20: {  	s25 =	simm.s32 $0x2800  }
0x21: {  	[tilespmem:s25], [sflag:$0x1] =	stream.linear.gather [hbm4b:s9+s2], $0x800, $0x38;
	[tilespmem:$0x9900] =	vst v63  }
0x22: {  	s26 =	simm.s32 $0x3000  }
0x23: {  	[tilespmem:s26], [sflag:$0x1] =	stream.linear.gather [hbm4b:s10+s2], $0x800, $0x38;
	[tilespmem:$0x9900] =	vst v63  }
0x24: {  	s28 =	simm.s32 $0x3800  }
0x25: {  	[tilespmem:s28], [sflag:$0x1] =	stream.linear.gather [hbm4b:s11+s2], $0x800, $0x38;
	[tilespmem:$0x9900] =	vst v63  }
0x26: {  	s1 =	simm.s32 $0x4000  }
0x27: {  	[tilespmem:s1], [sflag:$0x1] =	stream.linear.gather [hbm4b:s12+s2], $0x800, $0x38;
	[tilespmem:$0x9900] =	vst v63  }
0x28: {  	s4 =	simm.s32 $0x4800  }
0x29: {  	[tilespmem:s4], [sflag:$0x1] =	stream.linear.gather [hbm4b:s13+s2], $0x800, $0x38;
	[tilespmem:$0x9900] =	vst v63  }
0x2a: {  	s25 =	simm.s32 $0x5000  }
0x2b: {  	[tilespmem:s25], [sflag:$0x1] =	stream.linear.gather [hbm4b:s14+s2], $0x800, $0x38;
	[tilespmem:$0x9900] =	vst v63  }
0x2c: {  	s26 =	simm.s32 $0x5800  }
0x2d: {  	[tilespmem:s26], [sflag:$0x1] =	stream.linear.gather [hbm4b:s15+s2], $0x800, $0x38;
	[tilespmem:$0x9900] =	vst v63  }
0x2e: {  	s28 =	simm.s32 $0x6000  }
0x2f: {  	[tilespmem:s28], [sflag:$0x1] =	stream.linear.gather [hbm4b:s16+s2], $0x800, $0x38;
	[tilespmem:$0x9900] =	vst v63  }
0x30: {  	s1 =	simm.s32 $0x6800  }
0x31: {  	[tilespmem:s1], [sflag:$0x1] =	stream.linear.gather [hbm4b:s17+s2], $0x800, $0x38;
	[tilespmem:$0x9900] =	vst v63  }
0x32: {  	s4 =	simm.s32 $0x7000  }
0x33: {  	[tilespmem:s4], [sflag:$0x1] =	stream.linear.gather [hbm4b:s18+s2], $0x800, $0x38;
	[tilespmem:$0x9900] =	vst v63  }
0x34: {  	s25 =	simm.s32 $0x7800  }
0x35: {  	[tilespmem:s25], [sflag:$0x1] =	stream.linear.gather [hbm4b:s19+s2], $0x800, $0x38;
	[tilespmem:$0x9900] =	vst v63  }
0x36: {  	s26 =	simm.s32 $0x8000  }
0x37: {  	[tilespmem:s26], [sflag:$0x1] =	stream.linear.gather [hbm4b:s20+s2], $0x800, $0x38;
	[tilespmem:$0x9900] =	vst v63  }
0x38: {  	s28 =	simm.s32 $0x8800  }
0x39: {  	[tilespmem:s28], [sflag:$0x1] =	stream.linear.gather [hbm4b:s21+s2], $0x800, $0x38;
	[tilespmem:$0x9900] =	vst v63  }
0x3a: {  	s1 =	simm.s32 $0x9000  }
0x3b: {  	[tilespmem:s1], [sflag:$0x1] =	stream.linear.gather [hbm4b:s22+s2], $0x800, $0x38;
	[tilespmem:$0x9900] =	vst v63  }
0x3c: {  	_ =	swait.ge [sflag:s3], $0x800  }
0x3d: {  	[sflag:s3] =	ssyncset.done $0x0  }
0x3e: {  	[sflag:s3] =	ssyncadd.s32 $0xFFFFF800  }
0x3f: {  	_ =	swait.ge [sflag:s3], $0x800  }
0x40: {  	[sflag:s3] =	ssyncset.done $0x0  }
0x41: {  	[sflag:s3] =	ssyncadd.s32 $0xFFFFF800  }
0x42: {  	_ =	swait.ge [sflag:s3], $0x800  }
0x43: {  	[sflag:s3] =	ssyncset.done $0x0  }
0x44: {  	[sflag:s3] =	ssyncadd.s32 $0xFFFFF800  }
0x45: {  	_ =	swait.ge [sflag:s3], $0x800  }
0x46: {  	[sflag:s3] =	ssyncset.done $0x0  }
0x47: {  	[sflag:s3] =	ssyncadd.s32 $0xFFFFF800  }
0x48: {  	_ =	swait.ge [sflag:s3], $0x800  }
0x49: {  	[sflag:s3] =	ssyncset.done $0x0  }
0x4a: {  	[sflag:s3] =	ssyncadd.s32 $0xFFFFF800  }
0x4b: {  	_ =	swait.ge [sflag:s3], $0x800  }
0x4c: {  	[sflag:s3] =	ssyncset.done $0x0  }
0x4d: {  	[sflag:s3] =	ssyncadd.s32 $0xFFFFF800  }
0x4e: {  	_ =	swait.ge [sflag:s3], $0x800  }
0x4f: {  	[sflag:s3] =	ssyncset.done $0x0  }
0x50: {  	[sflag:s3] =	ssyncadd.s32 $0xFFFFF800  }
0x51: {  	_ =	swait.ge [sflag:s3], $0x800  }
0x52: {  	[sflag:s3] =	ssyncset.done $0x0  }
0x53: {  	[sflag:s3] =	ssyncadd.s32 $0xFFFFF800  }
0x54: {  	_ =	swait.ge [sflag:s3], $0x800  }
0x55: {  	[sflag:s3] =	ssyncset.done $0x0  }
0x56: {  	[sflag:s3] =	ssyncadd.s32 $0xFFFFF800  }
0x57: {  	_ =	swait.ge [sflag:s3], $0x800  }
0x58: {  	[sflag:s3] =	ssyncset.done $0x0  }
0x59: {  	[sflag:s3] =	ssyncadd.s32 $0xFFFFF800  }
0x5a: {  	_ =	swait.ge [sflag:s3], $0x800  }
0x5b: {  	[sflag:s3] =	ssyncset.done $0x0  }
0x5c: {  	[sflag:s3] =	ssyncadd.s32 $0xFFFFF800  }
0x5d: {  	_ =	swait.ge [sflag:s3], $0x800  }
0x5e: {  	[sflag:s3] =	ssyncset.done $0x0  }
0x5f: {  	[sflag:s3] =	ssyncadd.s32 $0xFFFFF800  }
0x60: {  	_ =	swait.ge [sflag:s3], $0x800  }
0x61: {  	[sflag:s3] =	ssyncset.done $0x0  }
0x62: {  	[sflag:s3] =	ssyncadd.s32 $0xFFFFF800  }
0x63: {  	_ =	swait.ge [sflag:s3], $0x800  }
0x64: {  	[sflag:s3] =	ssyncset.done $0x0  }
0x65: {  	[sflag:s3] =	ssyncadd.s32 $0xFFFFF800  }
0x66: {  	_ =	swait.ge [sflag:s3], $0x800  }
0x67: {  	[sflag:s3] =	ssyncset.done $0x0  }
0x68: {  	[sflag:s3] =	ssyncadd.s32 $0xFFFFF800  }
0x69: {  	_ =	swait.ge [sflag:s3], $0x800  }
0x6a: {  	[sflag:s3] =	ssyncset.done $0x0  }
0x6b: {  	[sflag:s3] =	ssyncadd.s32 $0xFFFFF800  }
0x6c: {  	_ =	swait.ge [sflag:s3], $0x800  }
0x6d: {  	[sflag:s3] =	ssyncset.done $0x0  }
0x6e: {  	[sflag:s3] =	ssyncadd.s32 $0xFFFFF800  }
0x6f: {  	_ =	swait.ge [sflag:s3], $0x800  }
0x70: {  	[sflag:s3] =	ssyncset.done $0x0  }
0x71: {  	[sflag:s3] =	ssyncadd.s32 $0xFFFFF800  }
0x72: {  	s4 =	sand.u32 $0x400, s2;
	s1 =	sand.u32 $0x380, s2;
	_ =	swait.ge [sflag:s3], $0x800  }
0x73: {  	s25 =	sand.u32 $0x70, s2;
	s0 =	sor.u32 s1, s4;
	[sflag:s3] =	ssyncset.done $0x0  }
0x74: {  	s0 =	sor.u32 s25, s0;
	[sflag:s3] =	ssyncadd.s32 $0xFFFFF800  }
0x75: {  	v10 =	vld [tilespmem:s0+$0x0]  }
0x76: {  	v11 =	vld [tilespmem:s0+$0x800];
	_ =	sdelay $0x1  }
0x77: {  	v12 =	vld [tilespmem:s0+$0x1000]  }
0x78: {  	v13 =	vld [tilespmem:s0+$0x1800]  }
0x79: {  	v14 =	vld [tilespmem:s0+$0x3000];
	v3 =	vmul.f32 $1.442695020e+00, v10  }
0x7a: {  	v15 =	vld [tilespmem:s0+$0x2000];
	v4 =	vmul.f32 $1.442695020e+00, v11  }
0x7b: {  	v6 =	vld [tilespmem:s0+$0x4800];
	(erf) = vpow2.f32 v3  }
0x7c: {  	v16 =	vld [tilespmem:s0+$0x3800];
	v3 =	vmul.f32 $1.442695020e+00, v12;
	(erf) = vpow2.f32 v4  }
0x7d: {  	v17 =	vld [tilespmem:s0+$0x2800];
	v4 =	vmul.f32 $1.442695020e+00, v13  }
0x7e: {  	v5 =	vmul.f32 $1.442695020e+00, v14;
	(erf) = vpow2.f32 v3  }
0x7f: {  	v3 =	vmul.f32 $1.442695020e+00, v15;
	(erf) = vpow2.f32 v4  }
0x80: {  	v4 =	vmul.f32 $1.442695020e+00, v6;
	(erf) = vpow2.f32 v5  }
0x81: {  	(erf) = vpow2.f32 v3;
	v3 =	vmul.f32 $1.442695020e+00, v16  }
0x82: {  	v18 =	vld [tilespmem:s0+$0x4000];
	v5 =	vmul.f32 $1.442695020e+00, v17;
	(erf) = vpow2.f32 v4  }
0x83: {  	v4 =	vld [tilespmem:s0+$0x5800];
	(erf) = vpow2.f32 v3  }
0x84: {  	v3 =	vld [tilespmem:s0+$0x9000];
	(erf) = vpow2.f32 v5;
	v8 =	vpop (erf)  }
0x85: {  	v5 =	vld [tilespmem:s0+$0x5000];
	v9 =	vpop (erf)  }
0x86: {  	v8 =	vadd.f32 v9, v8  }
0x87: {  	v7 =	vld [tilespmem:s0+$0x8800];
	v20 =	vpop (erf)  }
0x88: {  	v21 =	vld [tilespmem:s0+$0x7800];
	v19 =	vmul.f32 $1.442695020e+00, v18;
	v22 =	vpop (erf);
	v8 =	vadd.f32 v20, v8  }
0x89: {  	v9 =	vld [tilespmem:s0+$0x8000];
	v26 =	vmul.f32 $1.442695020e+00, v3;
	v20 =	vmul.f32 $1.442695020e+00, v4;
	v24 =	vpop (erf)  }
0x8a: {  	v23 =	vld [tilespmem:s0+$0x7000];
	(erf) = vpow2.f32 v19;
	v19 =	vmul.f32 $1.442695020e+00, v5;
	v27 =	vpop (erf);
	v8 =	vadd.f32 v22, v8  }
0x8b: {  	v25 =	vld [tilespmem:s0+$0x6800];
	(erf) = vpow2.f32 v20;
	v22 =	vpop (erf)  }
0x8c: {  	(erf) = vpow2.f32 v19;
	v28 =	vpop (erf);
	v8 =	vadd.f32 v27, v8  }
0x8d: {  	v5 =	vld [tilespmem:s0+$0x6000];
	v20 =	vmul.f32 $1.442695020e+00, v7;
	(erf) = vpow2.f32 v26;
	v26 =	vpop (erf)  }
0x8e: {  	v19 =	vmul.f32 $1.442695020e+00, v9;
	v27 =	vmul.f32 $1.442695020e+00, v21;
	v8 =	vadd.f32 v26, v8  }
0x8f: {  	(erf) = vpow2.f32 v20;
	v20 =	vmul.f32 $1.442695020e+00, v23  }
0x90: {  	(erf) = vpow2.f32 v19;
	v19 =	vmul.f32 $1.442695020e+00, v25;
	v8 =	vadd.f32 v24, v8  }
0x91: {  	s26 =	simm.s32 $0x8;
	s28 =	simm.s32 $0x80;
	(erf) = vpow2.f32 v27  }
0x92: {  	s4 =	simm.s32 $0x10;
	s1 =	sand.u32 $0x400, s28;
	s0 =	sand.u32 $0x380, s26;
	v26 =	vmul.f32 $1.442695020e+00, v5;
	(erf) = vpow2.f32 v20;
	v8 =	vadd.f32 v28, v8  }
0x93: {  	s25 =	sand.u32 $0x70, s4;
	s0 =	sor.u32 s0, s1;
	(erf) = vpow2.f32 v19  }
0x94: {  	s0 =	sor.u32 s25, s0;
	v19 =	vpop (erf);
	(erf) = vpow2.f32 v26  }
0x95: {  	v12 =	vadd.f32 v13, v12;
	v26 =	vld [tilespmem:s0+$0x0];
	v20 =	vpop (erf)  }
0x96: {  	v29 =	vld [tilespmem:s0+$0x1000];
	v19 =	vadd.f32 v19, v8;
	v8 =	vpop (erf)  }
0x97: {  	v10 =	vadd.f32 v11, v10;
	v11 =	vadd.f32 v15, v12;
	v15 =	vld [tilespmem:s0+$0x1800];
	v24 =	vpop (erf)  }
0x98: {  	v14 =	vadd.f32 v14, v17;
	v17 =	vld [tilespmem:s0+$0x3000];
	v19 =	vadd.f32 v22, v19;
	v22 =	vpop (erf)  }
0x99: {  	v31 =	vmul.f32 v10, v10;
	v27 =	vld [tilespmem:s0+$0x800];
	v13 =	vpop (erf)  }
0x9a: {  	v23 =	vadd.f32 v23, v25;
	v25 =	vld [tilespmem:s0+$0x2800];
	v30 =	vmul.f32 $1.442695020e+00, v26;
	v19 =	vadd.f32 v8, v19;
	v28 =	vpop (erf)  }
0x9b: {  	v14 =	vadd.f32 v16, v14;
	vm0 =	vgt.f32 v11, v10;
	v35 =	vmul.f32 v11, v11;
	v32 =	vld [tilespmem:s0+$0x2000];
	v12 =	vpop (erf)  }
0x9c: {  	v11 =	vsel vm0, v11, v10;
	(erf) = vpow2.f32 v30;
	v30 =	vld [tilespmem:s0+$0x3800];
	v19 =	vadd.f32 v20, v19;
	v20 =	vpop (erf)  }
0x9d: {  	v31 =	vadd.f32 v35, v31;
	vm1 =	vgt.f32 v14, v11;
	v4 =	vadd.f32 v5, v4;
	v33 =	vpop (erf)  }
0x9e: {  	v43 =	vld [tilespmem:s0+$0x4800];
	v10 =	vmul.f32 $1.442695020e+00, v29;
	v34 =	vmul.f32 $1.442695020e+00, v27;
	v19 =	vadd.f32 v33, v19  }
0x9f: {  	v44 =	vmul.f32 $1.442695020e+00, v17;
	v16 =	vmul.f32 $1.442695020e+00, v25;
	v17 =	vadd.f32 v17, v25  }
0xa0: {  	(erf) = vpow2.f32 v34;
	v19 =	vadd.f32 v20, v19;
	v20 =	vmul.f32 $1.442695020e+00, v15  }
0xa1: {  	(erf) = vpow2.f32 v10;
	v10 =	vmul.f32 $1.442695020e+00, v32;
	v17 =	vadd.f32 v30, v17  }
0xa2: {  	v15 =	vadd.f32 v15, v29;
	(erf) = vpow2.f32 v20;
	v12 =	vadd.f32 v12, v19  }
0xa3: {  	v19 =	vadd.f32 v21, v23;
	v20 =	vmul.f32 $1.442695020e+00, v43;
	(erf) = vpow2.f32 v44  }
0xa4: {  	v21 =	vld [tilespmem:s0+$0x4000];
	v23 =	vmul.f32 $1.442695020e+00, v30;
	(erf) = vpow2.f32 v10;
	v12 =	vadd.f32 v28, v12  }
0xa5: {  	v15 =	vadd.f32 v32, v15;
	v9 =	vadd.f32 v9, v19;
	(erf) = vpow2.f32 v20  }
0xa6: {  	v10 =	vld [tilespmem:s0+$0x5800];
	v20 =	vsel vm0, $0x1, v0;
	(erf) = vpow2.f32 v23;
	v12 =	vadd.f32 v13, v12  }
0xa7: {  	v13 =	vadd.f32 v6, v18;
	v18 =	vmul.f32 v14, v14;
	v14 =	vsel vm1, v14, v11;
	v11 =	vld [tilespmem:s0+$0x9000]  }
0xa8: {  	v6 =	vpop (erf);
	v20 =	vsel vm1, $0x2, v20;
	v7 =	vadd.f32 v7, v9;
	(erf) = vpow2.f32 v16;
	v16 =	vld [tilespmem:s0+$0x5000]  }
0xa9: {  	v23 =	vpop (erf);
	v28 =	vmul.f32 $1.442695020e+00, v21;
	v12 =	vadd.f32 v22, v12;
	vm0 =	vgt.f32 v13, v14;
	v22 =	vld [tilespmem:s0+$0x8800]  }
0xaa: {  	v23 =	vadd.f32 v23, v6;
	v18 =	vadd.f32 v18, v31;
	v6 =	vsel vm0, v13, v14;
	v14 =	vld [tilespmem:s0+$0x8000]  }
0xab: {  	v45 =	vpop (erf);
	(erf) = vpow2.f32 v28;
	v28 =	vmul.f32 $1.442695020e+00, v10;
	v12 =	vadd.f32 v24, v12;
	v24 =	vld [tilespmem:s0+$0x7800]  }
0xac: {  	v31 =	vld [tilespmem:s0+$0x7000];
	v13 =	vmul.f32 v13, v13;
	v23 =	vadd.f32 v45, v23;
	v46 =	vpop (erf);
	v37 =	vmul.f32 $1.442695020e+00, v11  }
0xad: {  	s26 =	simm.s32 $0x100;
	s25 =	simm.s32 $0x10;
	v36 =	vld [tilespmem:s0+$0x6800];
	v21 =	vadd.f32 v43, v21;
	v47 =	vpop (erf);
	(erf) = vrcp.f32 v12;
	v16 =	vmul.f32 $1.442695020e+00, v16  }
0xae: {  	s28 =	simm.s32 $0x20;
	s1 =	sand.u32 $0x400, s26;
	v23 =	vadd.f32 v46, v23;
	v12 =	vld [tilespmem:s0+$0x6000];
	s0 =	sand.u32 $0x380, s25;
	v38 =	vpop (erf);
	(erf) = vpow2.f32 v28;
	v25 =	vmul.f32 $1.442695020e+00, v22  }
0xaf: {  	v20 =	vsel vm0, $0x3, v20;
	s25 =	sand.u32 $0x70, s28;
	s0 =	sor.u32 s0, s1;
	v28 =	vpop (erf);
	(erf) = vpow2.f32 v16;
	v16 =	vmul.f32 $1.442695020e+00, v14  }
0xb0: {  	v23 =	vadd.f32 v38, v23;
	s0 =	sor.u32 s25, s0;
	v48 =	vpop (erf);
	(erf) = vpow2.f32 v37;
	v49 =	vmul.f32 $1.442695020e+00, v24  }
0xb1: {  	v13 =	vadd.f32 v13, v18;
	v59 =	vld [tilespmem:s0+$0x4000];
	v19 =	vpop (erf);
	(erf) = vpow2.f32 v25;
	v25 =	vmul.f32 $1.442695020e+00, v31  }
0xb2: {  	v19 =	vadd.f32 v19, v23;
	(erf) = vpow2.f32 v16;
	v16 =	vmul.f32 $1.442695020e+00, v36  }
0xb3: {  	v29 =	vadd.f32 v31, v36;
	v23 =	vmul.f32 $1.442695020e+00, v12;
	(erf) = vpow2.f32 v49  }
0xb4: {  	v12 =	vadd.f32 v12, v10;
	v10 =	vld [tilespmem:s0+$0x5000];
	v19 =	vadd.f32 v47, v19;
	(erf) = vpow2.f32 v25  }
0xb5: {  	v25 =	vadd.f32 v27, v26;
	v27 =	vmul.f32 v15, v15;
	(erf) = vpow2.f32 v16  }
0xb6: {  	v26 =	vpop (erf);
	v16 =	vadd.f32 v3, v7;
	v61 =	vmul.f32 $1.442695020e+00, v59;
	v19 =	vadd.f32 v48, v19  }
0xb7: {  	v9 =	vpop (erf);
	(erf) = vpow2.f32 v23;
	v23 =	vmul.f32 v25, v25;
	vm0 =	vgt.f32 v15, v25  }
0xb8: {  	v31 =	vpop (erf);
	v15 =	vsel vm0, v15, v25;
	v5 =	vsel vm0, $0x1, v0;
	v30 =	vmul.f32 v9, v8  }
0xb9: {  	v52 =	vld [tilespmem:s0+$0x0];
	v9 =	vmul.f32 v17, v17;
	v63 =	vmul.f32 $1.442695020e+00, v10;
	v7 =	vadd.f32 v26, v19;
	v3 =	vpop (erf)  }
0xba: {  	v58 =	vld [tilespmem:s0+$0x7000];
	v19 =	vadd.f32 v27, v23;
	v23 =	vadd.f32 v24, v29;
	vm0 =	vgt.f32 v17, v15;
	v24 =	vpop (erf)  }
0xbb: {  	v8 =	vld [tilespmem:s0+$0x1800];
	v15 =	vsel vm0, v17, v15;
	v5 =	vsel vm0, $0x2, v5;
	v7 =	vadd.f32 v28, v7;
	v25 =	vpop (erf)  }
0xbc: {  	v27 =	vld [tilespmem:s0+$0x3000];
	v51 =	vmul.f32 v30, v30;
	vm2 =	vgt.f32 v30, v6;
	v53 =	vadd.f32 v9, v19;
	v26 =	vpop (erf)  }
0xbd: {  	v29 =	vld [tilespmem:s0+$0x2800];
	vm1 =	vgt.f32 v21, v15;
	v14 =	vadd.f32 v14, v23;
	v7 =	vadd.f32 v3, v7;
	v28 =	vpop (erf)  }
0xbe: {  	v50 =	vld [tilespmem:s0+$0x1000];
	v19 =	vmul.f32 $1.442695020e+00, v52;
	v20 =	vsel vm2, $0x4, v20;
	v6 =	vsel vm2, v30, v6;
	v18 =	vpop (erf)  }
0xbf: {  	v9 =	vld [tilespmem:s0+$0x800];
	v30 =	vmul.f32 $1.442695020e+00, v58;
	v13 =	vadd.f32 v51, v13;
	v17 =	vadd.f32 v31, v7;
	v31 =	vpop (erf)  }
0xc0: {  	v56 =	vld [tilespmem:s0+$0x2000];
	v5 =	vsel vm1, $0x3, v5;
	vm2 =	vgt.f32 v4, v6;
	v7 =	vsel vm1, v21, v15;
	v15 =	vpop (erf)  }
0xc1: {  	v57 =	vmul.f32 $1.442695020e+00, v8;
	v15 =	vadd.f32 v15, v17;
	v17 =	vmul.f32 v4, v4  }
0xc2: {  	v54 =	vadd.f32 v27, v29;
	v29 =	vmul.f32 $1.442695020e+00, v29;
	v27 =	vmul.f32 $1.442695020e+00, v27  }
0xc3: {  	(erf) = vpow2.f32 v19;
	v23 =	vadd.f32 v13, v17;
	v13 =	vadd.f32 v8, v50  }
0xc4: {  	v55 =	vld [tilespmem:s0+$0x4800];
	v34 =	vadd.f32 v9, v52;
	v4 =	vsel vm2, v4, v6;
	v8 =	vmul.f32 $1.442695020e+00, v9  }
0xc5: {  	v6 =	vsel vm2, $0x5, v20;
	v17 =	vmul.f32 $1.442695020e+00, v50;
	v13 =	vadd.f32 v56, v13  }
0xc6: {  	v40 =	vmul.f32 v34, v34;
	v15 =	vadd.f32 v31, v15;
	v31 =	vld [tilespmem:s0+$0x6800];
	(erf) = vpow2.f32 v8  }
0xc7: {  	v39 =	vld [tilespmem:s0+$0x3800];
	v9 =	vadd.f32 v22, v14;
	(erf) = vpow2.f32 v17;
	vm0 =	vgt.f32 v13, v34  }
0xc8: {  	v17 =	vmul.f32 v13, v13;
	v34 =	vsel vm0, v13, v34;
	v13 =	vadd.f32 v18, v15  }
0xc9: {  	vm3 =	vgt.f32 v16, v4;
	v22 =	vld [tilespmem:s0+$0x7800];
	v14 =	vmul.f32 $1.442695020e+00, v55;
	v19 =	vadd.f32 v11, v9  }
0xca: {  	v11 =	vmul.f32 $1.442695020e+00, v56;
	(erf) = vpow2.f32 v57;
	v13 =	vadd.f32 v28, v13  }
0xcb: {  	vm3 =	vmneg vm3;
	(erf) = vpow2.f32 v27;
	v18 =	vadd.f32 v58, v31  }
0xcc: {  	v9 =	vld [tilespmem:s0+$0x8800];
	(erf) = vpow2.f32 v11;
	v11 =	vmul.f32 $1.442695020e+00, v39;
	v13 =	vadd.f32 v26, v13  }
0xcd: {  	v8 =	vld [tilespmem:s0+$0x9000];
	v27 =	vmul.f32 v16, v16;
	v15 =	vadd.f32 v17, v40;
	(erf) = vpow2.f32 v14  }
0xce: {  	v17 =	vadd.f32 v22, v18;
	(erf) = vpow2.f32 v11;
	v25 =	vadd.f32 v25, v13  }
0xcf: {  	v60 =	vpop (erf);
	v18 =	vmul.f32 v21, v21;
	v26 =	vadd.f32 v39, v54;
	(erf) = vpow2.f32 v29  }
0xd0: {  	v32 =	vsel vm0, $0x1, v0;
	v20 =	vmul.f32 $1.442695020e+00, v22;
	v14 =	vld [tilespmem:s0+$0x5800];
	v29 =	vpop (erf);
	v24 =	vadd.f32 v24, v25  }
0xd1: {  	v28 =	vmul.f32 $1.442695020e+00, v9;
	v21 =	vadd.f32 v18, v53;
	v18 =	vld [tilespmem:s0+$0x6000];
	v29 =	vadd.f32 v29, v60  }
0xd2: {  	v41 =	vmul.f32 $1.442695020e+00, v8;
	(erf) = vpow2.f32 v61;
	vm1 =	vgt.f32 v26, v34;
	v62 =	vpop (erf)  }
0xd3: {  	v11 =	vld [tilespmem:s0+$0x8000];
	v33 =	vmul.f32 v26, v26;
	v25 =	vadd.f32 v62, v29;
	v29 =	vsel vm1, v26, v34;
	v26 =	vpop (erf)  }
0xd4: {  	v36 =	vadd.f32 v23, v27;
	v22 =	vsel vm3, $0x0, v2;
	(erf) = vrcp.f32 v24;
	v24 =	vpop (erf)  }
0xd5: {  	v13 =	vadd.f32 v55, v59;
	v23 =	vmul.f32 $1.442695020e+00, v14;
	v25 =	vadd.f32 v26, v25;
	v26 =	vpop (erf)  }
0xd6: {  	v4 =	vadd.f32 v22, v1;
	v40 =	vmul.f32 $1.442695020e+00, v18;
	v34 =	vimm.f32 $0.0e+00;
	v37 =	vpop (erf)  }
0xd7: {  	vm0 =	vgt.f32 v13, v29;
	v25 =	vadd.f32 v26, v25;
	v27 =	vpop (erf);
	(erf) = vpow2.f32 v23  }
0xd8: {  	v10 =	vsel vm0, v13, v29;
	v29 =	vmul.f32 $1.442695020e+00, v11;
	v26 =	vpop (erf);
	(erf) = vpow2.f32 v63  }
0xd9: {  	v23 =	vimm.f32 $0.0e+00;
	v16 =	vadd.f32 v26, v25;
	(erf) = vpow2.f32 v41  }
0xda: {  	v41 =	vnsel vm3, $0x6, v6;
	v6 =	vmul.f32 v22, v36;
	v25 =	vimm.f32 $0.0e+00  }
0xdb: {  	v26 =	vimm.f32 $0.0e+00;
	(erf) = vpow2.f32 v28;
	vm4 =	veq.s32 v41, $0x2  }
0xdc: {  	vm5 =	veq.s32 v41, $0x0;
	v28 =	vimm.f32 $0.0e+00;
	v16 =	vadd.f32 v24, v16  }
0xdd: {  	(erf) = vpow2.f32 v29;
	v38 =	vsel vm4, $0x3F800000, v1;
	v6 =	vadd.f32 v6, v1  }
0xde: {  	vm4 =	vmand vm2, vm3;
	v42 =	vsel vm5, $0x3F800000, v1;
	vm2 =	veq.s32 v41, $0x3  }
0xdf: {  	vm3 =	veq.s32 v41, $0x4;
	(erf) = vpow2.f32 v20;
	v20 =	vmul.f32 $1.442695020e+00, v31  }
0xe0: {  	v35 =	vmovc v12;
	v24 =	vimm.f32 $0.0e+00;
	v29 =	vimm.f32 $0.0e+00;
	v16 =	vadd.f32 v27, v16  }
0xe1: {  	v22 =	vpop (erf);
	v31 =	vimm.f32 $0.0e+00;
	(erf) = vpow2.f32 v30;
	v30 =	vimm.f32 $0.0e+00  }
0xe2: {  	v39 =	vpop (erf);
	v27 =	vimm.f32 $0.0e+00;
	(erf) = vpow2.f32 v20;
	v44 =	vadd.f32 v22, v16  }
0xe3: {  	s31 =	simm.s32 $0x30;
	s1 =	simm.s32 $0x180;
	s25 =	simm.s32 $0x18;
	v16 =	vadd.f32 v38, v1;
	v22 =	vimm.f32 $0.0e+00;
	v43 =	vpop (erf);
	v20 =	vmov v19  }
.LBB2_2:
0xe4: {  	v45 =	vmov v19;
	s0 =	smov.u32 s25  }
0xe5: {  	s26 =	sand.u32 $0x400, s1;
	s28 =	sand.u32 $0x380, s25;
	v34 =	vadd.f32 v42, v34;
	v19 =	vpop (erf);
	(erf) = vpow2.f32 v40;
	v40 =	vsel vm4, $0x3F800000, v1;
	s0 =	sadd.s32 $0x8, s25  }
0xe6: {  	s4 =	sand.u32 $0x70, s31;
	p0 =	sne.s32 s25, $0x3F8;
	s26 =	sor.u32 s28, s26;
	v44 =	vadd.f32 v37, v44;
	vm4 =	veq.s32 v41, $0x1;
	v37 =	vpop (erf);
	v31 =	vadd.f32 v40, v31  }
0xe7: {  	v42 =	vmul.f32 v42, v36;
	v46 =	vsel vm3, $0x3F800000, v1;
	s25 =	sor.u32 s4, s26;
	v40 =	vmul.f32 v40, v36;
	v41 =	vpop (erf)  }
0xe8: {  	v38 =	vmul.f32 v38, v36;
	v49 =	vsel vm2, $0x3F800000, v1;
	v44 =	vadd.f32 v19, v44;
	v47 =	vld [tilespmem:s25+$0x9000];
	v48 =	vpop (erf)  }
0xe9: {  	v52 =	vmul.f32 v46, v36;
	v30 =	vadd.f32 v42, v30;
	v42 =	vsel vm4, $0x3F800000, v1;
	v50 =	vld [tilespmem:s25+$0x8000];
	v51 =	vpop (erf)  }
0xea: {  	v28 =	vadd.f32 v46, v28;
	v43 =	vadd.f32 v43, v44;
	v44 =	vmul.f32 v42, v36;
	v53 =	vld [tilespmem:s25+$0x3000]  }
0xeb: {  	v26 =	vadd.f32 v49, v26;
	v25 =	vadd.f32 v42, v25;
	v36 =	vmul.f32 v49, v36;
	v46 =	vld [tilespmem:s25+$0x2800];
	v54 =	vpop (erf)  }
0xec: {  	v39 =	vmul.f32 v39, v3;
	v23 =	vadd.f32 v38, v23;
	v3 =	vmovc v19;
	v24 =	vadd.f32 v44, v24;
	v42 =	vld [tilespmem:s25+$0x2000]  }
0xed: {  	v32 =	vsel vm1, $0x2, v32;
	v27 =	vadd.f32 v40, v27;
	v29 =	vadd.f32 v36, v29;
	v19 =	vld [tilespmem:s25+$0x1800];
	v38 =	vpop (erf)  }
0xee: {  	vm2 =	vgt.f32 v39, v7;
	v22 =	vadd.f32 v52, v22;
	v44 =	vmul.f32 v39, v39;
	v36 =	vld [tilespmem:s25+$0x1000];
	v40 =	vpop (erf)  }
0xef: {  	v33 =	vadd.f32 v33, v15;
	v15 =	vmul.f32 v35, v12;
	v49 =	vld [tilespmem:s25+$0x0];
	v40 =	vadd.f32 v40, v43  }
0xf0: {  	v21 =	vadd.f32 v44, v21;
	v35 =	vld [tilespmem:s25+$0x800];
	v43 =	vadd.f32 v53, v46;
	v46 =	vmul.f32 $1.442695020e+00, v46  }
0xf1: {  	v52 =	vmul.f32 $1.442695020e+00, v53;
	v53 =	vsel vm0, $0x3, v32;
	v44 =	vld [tilespmem:s25+$0x4800];
	v40 =	vadd.f32 v38, v40  }
0xf2: {  	v17 =	vadd.f32 v11, v17;
	v11 =	vmov v50;
	v56 =	vadd.f32 v21, v15;
	v55 =	vld [tilespmem:s25+$0x5800]  }
0xf3: {  	v32 =	vmul.f32 $1.442695020e+00, v19;
	v50 =	vld [tilespmem:s25+$0x6000];
	v15 =	vadd.f32 v19, v36;
	v21 =	vmul.f32 $1.442695020e+00, v36  }
0xf4: {  	v9 =	vadd.f32 v9, v17;
	v38 =	vld [tilespmem:s25+$0x6800];
	v19 =	vmul.f32 $1.442695020e+00, v49  }
0xf5: {  	v57 =	vld [tilespmem:s25+$0x7000];
	v17 =	vadd.f32 v35, v49;
	v15 =	vadd.f32 v42, v15;
	v35 =	vmul.f32 $1.442695020e+00, v35  }
0xf6: {  	v49 =	vld [tilespmem:s25+$0x7800];
	v36 =	vmul.f32 $1.442695020e+00, v44;
	(erf) = vpow2.f32 v19;
	v19 =	vadd.f32 v8, v9;
	v8 =	vmovc v47  }
0xf7: {  	v47 =	vld [tilespmem:s25+$0x3800];
	v58 =	vmul.f32 v17, v17;
	vm0 =	vgt.f32 v15, v17;
	(erf) = vpow2.f32 v35  }
0xf8: {  	v35 =	vmul.f32 $1.442695020e+00, v42;
	v9 =	vld [tilespmem:s25+$0x8800];
	v42 =	vsel vm0, v15, v17;
	(erf) = vpow2.f32 v21  }
0xf9: {  	v15 =	vmul.f32 v15, v15;
	(erf) = vpow2.f32 v32  }
0xfa: {  	v21 =	vadd.f32 v54, v40;
	v17 =	vadd.f32 v57, v38;
	(erf) = vpow2.f32 v52  }
0xfb: {  	v40 =	vmul.f32 v45, v20;
	v15 =	vadd.f32 v15, v58;
	(erf) = vpow2.f32 v35  }
0xfc: {  	v21 =	vadd.f32 v51, v21;
	v45 =	vld [tilespmem:s25+$0x4000];
	v32 =	vmul.f32 $1.442695020e+00, v47;
	(erf) = vpow2.f32 v36  }
0xfd: {  	v52 =	vmul.f32 $1.442695020e+00, v8;
	v17 =	vadd.f32 v49, v17;
	v51 =	vmul.f32 $1.442695020e+00, v9  }
0xfe: {  	v13 =	vmul.f32 v13, v13;
	v21 =	vadd.f32 v48, v21;
	(erf) = vpow2.f32 v32  }
0xff: {  	v35 =	vadd.f32 v18, v14;
	v36 =	vadd.f32 v47, v43;
	v43 =	vpop (erf);
	(erf) = vpow2.f32 v46  }
0x100: {  	v32 =	vsel vm0, $0x1, v0;
	v41 =	vadd.f32 v41, v21;
	v21 =	vadd.f32 v13, v33;
	v14 =	vld [tilespmem:s25+$0x5000];
	v18 =	vpop (erf)  }
0x101: {  	v13 =	vadd.f32 v44, v45;
	v44 =	vmul.f32 $1.442695020e+00, v45;
	v18 =	vadd.f32 v18, v43;
	v43 =	vpop (erf)  }
0x102: {  	v33 =	vmul.f32 v36, v36;
	vm1 =	vgt.f32 v36, v42;
	v46 =	vadd.f32 v37, v41;
	v45 =	vpop (erf)  }
0x103: {  	v36 =	vsel vm1, v36, v42;
	v18 =	vadd.f32 v43, v18;
	v42 =	vpop (erf);
	(erf) = vpow2.f32 v44  }
0x104: {  	vm0 =	vgt.f32 v13, v36;
	v43 =	vsel vm2, $0x4, v5;
	v41 =	vpop (erf);
	(erf) = vrcp.f32 v46  }
0x105: {  	v44 =	vmul.f32 $1.442695020e+00, v14;
	v18 =	vadd.f32 v45, v18;
	v45 =	vsel vm0, v13, v36;
	v37 =	vpop (erf)  }
0x106: {  	v7 =	vsel vm2, v39, v7;
	v5 =	vmovc v53;
	v46 =	vmul.f32 $1.442695020e+00, v11;
	v36 =	vadd.f32 v56, v40;
	v14 =	vmovc v55  }
0x107: {  	vm2 =	vgt.f32 v12, v7;
	v40 =	vmul.f32 $1.442695020e+00, v50;
	v39 =	vmul.f32 $1.442695020e+00, v14;
	v47 =	vpop (erf)  }
0x108: {  	v48 =	vmul.f32 $1.442695020e+00, v57;
	v54 =	vsel vm2, v12, v7;
	v41 =	vadd.f32 v41, v18;
	v53 =	vpop (erf)  }
0x109: {  	vm3 =	vgt.f32 v20, v54;
	v20 =	vmovc v19;
	(erf) = vpow2.f32 v39;
	v39 =	vsel vm2, $0x5, v43;
	v18 =	vmovc v50  }
0x10a: {  	v12 =	vmovc v35;
	v7 =	vmovc v10;
	vm3 =	vmneg vm3;
	v43 =	vadd.f32 v53, v41;
	(erf) = vpow2.f32 v44  }
0x10b: {  	v10 =	vmovc v45;
	v44 =	vmul.f32 $1.442695020e+00, v49;
	v49 =	vsel vm3, $0x0, v2;
	(erf) = vpow2.f32 v52  }
0x10c: {  	v41 =	vnsel vm3, $0x6, v39;
	v4 =	vadd.f32 v49, v4;
	v45 =	vpop (erf);
	(erf) = vpow2.f32 v51  }
0x10d: {  	v42 =	vadd.f32 v42, v43;
	v43 =	vmul.f32 v49, v36;
	(erf) = vpow2.f32 v46;
	v39 =	vpop (erf)  }
.Ltmp0:
0x10e: {  	vm5 =	veq.s32 v41, $0x0;
	vm4 =	veq.s32 v41, $0x2;
	(erf) = vpow2.f32 v44;
	(pc) =	sbr.rel @p0 .LBB2_2-.Ltmp0, $4  }
0x10f: {  	v46 =	vmul.f32 $1.442695020e+00, v38;
	v38 =	vsel vm4, $0x3F800000, v1;
	v6 =	vadd.f32 v43, v6  }
0x110: {  	v47 =	vadd.f32 v47, v42;
	vm4 =	vmand vm2, vm3;
	(erf) = vpow2.f32 v48  }
0x111: {  	v42 =	vsel vm5, $0x3F800000, v1;
	vm2 =	veq.s32 v41, $0x3;
	vm3 =	veq.s32 v41, $0x4  }
0x112: {  	s31 =	sadd.s32 $0x10, s31;
	s1 =	sadd.s32 $0x80, s1;
	s25 =	smov.u32 s0;
	v16 =	vadd.f32 v38, v16;
	v44 =	vadd.f32 v45, v47;
	v43 =	vpop (erf);
	(erf) = vpow2.f32 v46  }
0x113: {  	(erf) = vpow2.f32 v40;
	_ =	sdelay $0x1  }
0x114: {  	v40 =	vpop (erf)  }
0x115: {  	v45 =	vpop (erf)  }
0x116: {  	v37 =	vadd.f32 v37, v44;
	v56 =	vpop (erf)  }
0x117: {  	v46 =	vpop (erf)  }
0x118: {  	v37 =	vadd.f32 v40, v37;
	v47 =	vpop (erf)  }
0x119: {  	v48 =	vpop (erf)  }
0x11a: {  	v34 =	vadd.f32 v42, v34;
	v37 =	vadd.f32 v43, v37;
	v57 =	vpop (erf)  }
0x11b: {  	v58 =	vsel vm4, $0x3F800000, v1;
	vm9 =	veq.s32 v41, $0x1;
	v59 =	vmul.f32 v42, v36;
	v49 =	vpop (erf)  }
0x11c: {  	v60 =	vsel vm3, $0x3F800000, v1;
	v38 =	vmul.f32 v38, v36;
	v37 =	vadd.f32 v49, v37  }
0x11d: {  	v61 =	vsel vm2, $0x3F800000, v1;
	v3 =	vmul.f32 v39, v3;
	v32 =	vsel vm1, $0x2, v32  }
0x11e: {  	v11 =	vadd.f32 v11, v17;
	v55 =	vmul.f32 v35, v12;
	v37 =	vadd.f32 v57, v37  }
0x11f: {  	v31 =	vadd.f32 v58, v31;
	v62 =	vsel vm9, $0x3F800000, v1;
	v28 =	vadd.f32 v60, v28  }
0x120: {  	v51 =	vmul.f32 v61, v36;
	v26 =	vadd.f32 v61, v26;
	v37 =	vadd.f32 v48, v37  }
0x121: {  	v52 =	vmul.f32 v60, v36;
	v60 =	vadd.f32 v18, v14;
	v30 =	vadd.f32 v59, v30  }
0x122: {  	v63 =	vmul.f32 v62, v36;
	v25 =	vadd.f32 v62, v25;
	v37 =	vadd.f32 v47, v37  }
0x123: {  	v23 =	vadd.f32 v38, v23;
	v53 =	vmul.f32 v3, v3;
	vm10 =	vgt.f32 v3, v7  }
0x124: {  	v9 =	vadd.f32 v9, v11;
	v59 =	vmul.f32 v19, v20;
	v37 =	vadd.f32 v46, v37  }
0x125: {  	v29 =	vadd.f32 v51, v29;
	v54 =	vadd.f32 v52, v22;
	v3 =	vsel vm10, v3, v7  }
0x126: {  	v5 =	vsel vm10, $0x4, v5;
	v38 =	vmul.f32 v60, v60;
	v37 =	vadd.f32 v56, v37  }
0x127: {  	v24 =	vadd.f32 v63, v24;
	v21 =	vadd.f32 v53, v21;
	vm11 =	vgt.f32 v12, v3  }
0x128: {  	v8 =	vadd.f32 v8, v9;
	v3 =	vsel vm11, v12, v3;
	v37 =	vadd.f32 v45, v37  }
0x129: {  	v43 =	vmul.f32 v58, v36;
	v5 =	vsel vm11, $0x5, v5;
	vm12 =	vgt.f32 v20, v3  }
0x12a: {  	v58 =	vadd.f32 v21, v55;
	vm1 =	vmneg vm12;
	(erf) = vrcp.f32 v37  }
0x12b: {  	v3 =	vmul.f32 v13, v13;
	v27 =	vadd.f32 v43, v27;
	v5 =	vnsel vm1, $0x6, v5  }
0x12c: {  	v9 =	vadd.f32 v58, v59;
	v7 =	vsel vm1, $0x0, v2;
	vm13 =	veq.s32 v5, $0x2  }
0x12d: {  	vm14 =	veq.s32 v5, $0x0;
	vm15 =	veq.s32 v5, $0x3;
	vm6 =	veq.s32 v5, $0x4  }
0x12e: {  	vm7 =	veq.s32 v5, $0x1;
	v4 =	vadd.f32 v7, v4;
	v13 =	vmul.f32 v7, v9  }
0x12f: {  	v61 =	vsel vm13, $0x3F800000, v1;
	v63 =	vsel vm14, $0x3F800000, v1;
	v36 =	vsel vm6, $0x3F800000, v1  }
0x130: {  	v39 =	vsel vm15, $0x3F800000, v1;
	v41 =	vsel vm7, $0x3F800000, v1;
	v14 =	vmul.f32 v61, v9  }
0x131: {  	v16 =	vadd.f32 v61, v16;
	v42 =	vmul.f32 v36, v9;
	v43 =	vmul.f32 v41, v9  }
0x132: {  	v18 =	vadd.f32 v39, v26;
	v57 =	vsel vm0, $0x3, v32;
	vm0 =	vmand vm11, vm1  }
0x133: {  	v32 =	vadd.f32 v63, v34;
	v34 =	vmul.f32 v63, v9;
	v6 =	vadd.f32 v13, v6;
	v62 =	vpop (erf)  }
0x134: {  	v56 =	vadd.f32 v33, v15;
	v33 =	vsel vm0, $0x3F800000, v1;
	v15 =	vmul.f32 v62, v40  }
0x135: {  	v14 =	vadd.f32 v14, v23;
	v37 =	vmul.f32 v33, v9;
	v9 =	vmul.f32 v39, v9  }
0x136: {  	v3 =	vadd.f32 v3, v56;
	v35 =	vmul.f32 v15, v15;
	vm8 =	vgt.f32 v15, v10  }
0x137: {  	v53 =	vadd.f32 v42, v54;
	v50 =	vadd.f32 v9, v29;
	v10 =	vsel vm8, v15, v10  }
0x138: {  	v59 =	vadd.f32 v37, v27;
	v3 =	vadd.f32 v35, v3;
	vm9 =	vgt.f32 v60, v10  }
0x139: {  	v11 =	vsel vm8, $0x4, v57;
	v57 =	vadd.f32 v36, v28;
	v10 =	vsel vm9, v60, v10  }
0x13a: {  	v3 =	vadd.f32 v3, v38;
	vm10 =	vgt.f32 v8, v10;
	v8 =	vmul.f32 v8, v8  }
0x13b: {  	v40 =	vsel vm9, $0x5, v11;
	v11 =	vadd.f32 v41, v25;
	vm0 =	vmneg vm10  }
0x13c: {  	v10 =	vnsel vm0, $0x6, v40;
	v3 =	vadd.f32 v3, v8;
	vm1 =	vmand vm9, vm0  }
0x13d: {  	v62 =	vsel vm0, $0x0, v2;
	vm11 =	veq.s32 v10, $0x0;
	vm12 =	veq.s32 v10, $0x1  }
0x13e: {  	[tilespmem:$0x9870] =	vst v1;
	vm13 =	veq.s32 v10, $0x2;
	v4 =	vadd.f32 v62, v4;
	v44 =	vsel vm11, $0x3F800000, v1  }
0x13f: {  	[tilespmem:$0x98F0] =	vst v1;
	vm14 =	veq.s32 v10, $0x3;
	v46 =	vsel vm12, $0x3F800000, v1;
	v15 =	vadd.f32 v44, v32  }
0x140: {  	vm15 =	veq.s32 v10, $0x4;
	v48 =	vsel vm13, $0x3F800000, v1;
	v11 =	vadd.f32 v46, v11;
	[tilespmem:$0x98E0] =	vst v4  }
0x141: {  	v58 =	vsel vm1, $0x3F800000, v1;
	v51 =	vsel vm14, $0x3F800000, v1;
	v54 =	vadd.f32 v48, v16;
	[tilespmem:$0x9880] =	vst v15  }
0x142: {  	v55 =	vsel vm15, $0x3F800000, v1;
	v60 =	vmul.f32 v58, v3;
	v9 =	vadd.f32 v51, v18;
	[tilespmem:$0x9890] =	vst v11  }
0x143: {  	v5 =	vadd.f32 v34, v30;
	v45 =	vmul.f32 v44, v3;
	v10 =	vadd.f32 v55, v57;
	[tilespmem:$0x98A0] =	vst v54  }
0x144: {  	v8 =	vadd.f32 v43, v24;
	v47 =	vmul.f32 v46, v3;
	v63 =	vadd.f32 v60, v59;
	[tilespmem:$0x98B0] =	vst v9  }
0x145: {  	v49 =	vmul.f32 v48, v3;
	v52 =	vmul.f32 v51, v3;
	v5 =	vadd.f32 v45, v5;
	[tilespmem:$0x98C0] =	vst v10  }
0x146: {  	v56 =	vmul.f32 v55, v3;
	v3 =	vmul.f32 v62, v3;
	v8 =	vadd.f32 v47, v8;
	[tilespmem:$0x9850] =	vst v63  }
0x147: {  	v14 =	vadd.f32 v49, v14;
	[tilespmem:$0x9800] =	vst v5  }
0x148: {  	v3 =	vadd.f32 v3, v6;
	[tilespmem:$0x9810] =	vst v8  }
0x149: {  	v61 =	vadd.f32 v33, v31;
	v5 =	vadd.f32 v52, v50;
	[tilespmem:$0x9820] =	vst v14  }
0x14a: {  	v8 =	vadd.f32 v56, v53;
	[tilespmem:$0x9860] =	vst v3  }
0x14b: {  	s30 =	sadd.s32 $0x1, s30;
	[tilespmem:$0x9830] =	vst v5;
	v5 =	vadd.f32 v58, v61  }
0x14c: {  	p0 =	sne.s32 s30, s24;
	[tilespmem:$0x9840] =	vst v8  }
.Ltmp1:
0x14d: {  	s0 =	simm.s32 $0x9800;
	[tilespmem:$0x98D0] =	vst v5;
	(pc) =	sbr.rel @p0 .LBB2_1-.Ltmp1, $4  }
0x14e: {  	[hbm4b:s23+s2] =	stream.linear.scatter [tilespmem:s0], [sflag:$0x2], $0x100, $0x38;
	[tilespmem:$0x9900] =	vst v63  }
0x14f: {  	_ =	swait.ge [sflag:s29], $0x100  }
0x150: {  	[sflag:s29] =	ssyncset.done $0x0  }
0x151: {  	[sflag:s29] =	ssyncadd.s32 $0xFFFFFF00  }
0x152: {  	_ =	sfence.sel $0x180000  }
0x153: {  	[bflag:$0x0] =	sbarrier.arrive $0xFFFF  }
0x154: {  	_ =	strace $0x90000047  }
0x155: {  	s0 =	stileid.u32;
	[bflag:$0x2] =	sbarrier.arrive $0xFFFF  }
0x156: {  	p0 =	sne.s32 s0, $0x0;
	s0 =	rddreg [dreg:$0x2]  }
0x157: {  	s0 =	sadd.s32 @!p0 $0x100000, s0  }
0x158: {  	[sflag:s0] =	ssyncadd.tile.s32 @!p0 $0x1;
	_ =	shalt  }
.Lfunc_end2:
_tile_overlayer_lowered:
.L_overlay_start_2:
0x159: {  	(tag) =	ssettag $0x2  }
0x15a: {  	s0 =	rddreg [dreg:$0x0];
	s2 =	stileid.u32  }
0x15b: {  	s1 =	rddreg [dreg:$0x1];
	p0 =	sne.s32 s2, $0x0  }
0x15c: {  	s3 =	rddreg [dreg:$0x2];
	[bflag:$0x3] =	sbarrier.arrive $0xFFFF;
	s2 =	simm.s32 @!p0 $0x1C02  }
0x15d: {  	[timem:s3], [sflag:s2] =	dma.local @!p0 [hbm:s0], s1  }
0x15e: {  	s0 =	simm.s32 @!p0 $0x2  }
0x15f: {  	_ =	swait.ge @!p0 [sflag:s0], s1  }
0x160: {  	s1 =	ssub.s32 @!p0 $0x0, s1;
	[sflag:s0] =	ssyncset.done @!p0 $0x0  }
0x161: {  	[sflag:s0] =	ssyncadd.s32 @!p0 s1  }
0x162: {  	[bflag:$0x3] =	sbarrier.arrive $0xFFFF  }
0x163: {  	_ =	shalt  }

</sc_bundles>
